<compile_context>
chip_gen: v7x
topology: tpu7x:2x2x1
jax: 0.10.2.dev20260603
libtpu: 0.0.44.dev20260713+nightly
codegen_flags: <defaults>
</compile_context>

<pallas_src>
import functools
import math

import jax
import jax.numpy as jnp
from jax import lax
from jax.experimental import pallas as pl
from jax.experimental.pallas import tpu as pltpu
from jax.experimental.pallas import tpu_sc as plsc

N = 10000
DIM = 128
H = 8
DH = 16
E = 320000

H2 = H // 2
HW = H2 * DH
C = 64
CH = 316
EPT = C * CH
E_PAD = 16 * EPT
ACC_W = 72
N_ACC = 10016
N_K = 10016
RPT = N_ACC // 16

_SCALE = 1.0 / math.sqrt(DH)
_B1 = 400


def _qkv_body(x_ref, wq_ref, bq_ref, wk_ref, bk_ref, wv_ref, bv_ref,
              qv_ref, k_ref):
    x = x_ref[...]
    dn = (((1,), (1,)), ((), ()))
    q = lax.dot_general(x, wq_ref[...], dn, preferred_element_type=jnp.float32)
    k = lax.dot_general(x, wk_ref[...], dn, preferred_element_type=jnp.float32)
    v = lax.dot_general(x, wv_ref[...], dn, preferred_element_type=jnp.float32)
    q = q + bq_ref[...]
    k = k + bk_ref[...]
    v = v + bv_ref[...]
    q = q * _SCALE
    qv_ref[0, :, :HW] = q[:, :HW]
    qv_ref[0, :, HW:] = v[:, :HW]
    qv_ref[1, :, :HW] = q[:, HW:]
    qv_ref[1, :, HW:] = v[:, HW:]
    k_ref[0] = k[:, :HW]
    k_ref[1] = k[:, HW:]


def _qkv(x, Wq, bq, Wk, bk, Wv, bv):
    grid = (N // _B1,)
    wspec = pl.BlockSpec((DIM, DIM), lambda i: (0, 0))
    bspec = pl.BlockSpec((1, DIM), lambda i: (0, 0))
    return pl.pallas_call(
        _qkv_body,
        grid=grid,
        in_specs=[
            pl.BlockSpec((_B1, DIM), lambda i: (i, 0)),
            wspec, bspec, wspec, bspec, wspec, bspec,
        ],
        out_specs=[
            pl.BlockSpec((2, _B1, DIM), lambda i: (0, i, 0)),
            pl.BlockSpec((2, _B1, HW), lambda i: (0, i, 0)),
        ],
        out_shape=[
            jax.ShapeDtypeStruct((2, N, DIM), jnp.float32),
            jax.ShapeDtypeStruct((2, N_K, HW), jnp.float32),
        ],
    )(x, Wq, bq.reshape(1, DIM), Wk, bk.reshape(1, DIM), Wv, bv.reshape(1, DIM))


def _build_edge_kernel():
    mesh = plsc.VectorSubcoreMesh(core_axis_name="c", subcore_axis_name="s")

    @functools.partial(
        pl.kernel,
        out_type=jax.ShapeDtypeStruct((2, N_ACC, ACC_W), jnp.float32),
        mesh=mesh,
        compiler_params=pltpu.CompilerParams(
            use_tc_tiling_on_sc=False, needs_layout_passes=False),
        scratch_types=[
            pltpu.VMEM((CH, C), jnp.int32),
            pltpu.VMEM((CH, C), jnp.int32),
            pltpu.VMEM((C, DIM), jnp.float32),
            pltpu.VMEM((C, DIM), jnp.float32),
            pltpu.VMEM((C, HW), jnp.float32),
            pltpu.VMEM((C, ACC_W), jnp.float32),
            pltpu.VMEM_SHARED((N_ACC, ACC_W), jnp.float32),
            pltpu.SemaphoreType.DMA,
            pltpu.SemaphoreType.DMA,
            pltpu.SemaphoreType.DMA,
        ],
    )
    def edge_kernel(qv_hbm, k_hbm, srci_hbm, sidx_hbm, out_hbm,
                    srci_v, sidx_v, qv_a, qv_bb, k_b, wp_b, acc,
                    sem_qa, sem_qb, sem_k):
        cid = lax.axis_index("c")
        sid = lax.axis_index("s")

        pltpu.sync_copy(srci_hbm.at[sid], srci_v)
        pltpu.sync_copy(sidx_hbm.at[sid], sidx_v)

        iota16 = lax.iota(jnp.int32, 16)
        zf = jnp.zeros((16,), jnp.float32)

        def _zrow(r, carry):
            for cc in range(HW // 16):
                wp_b[r, pl.ds(cc * 16, 16)] = zf
            plsc.store_scatter(
                wp_b,
                [jnp.full((16,), r, jnp.int32),
                 HW + lax.rem(iota16, ACC_W - HW)],
                zf)
            return carry

        lax.fori_loop(0, C, _zrow, 0)
        nz = RPT // C + (1 if RPT % C else 0)
        for b in range(nz):
            rows = min(C, RPT - b * C)
            pltpu.sync_copy(wp_b.at[pl.ds(0, rows)],
                            acc.at[pl.ds(sid * RPT + b * C, rows)])
        plsc.subcore_barrier()

        def _issue_qv(j, qv_buf, sem_q):
            pltpu.async_copy(qv_hbm.at[cid].at[srci_v.at[j]], qv_buf, sem_q)

        def _wait_qv(j, qv_buf, sem_q):
            pltpu.make_async_copy(
                qv_hbm.at[cid].at[srci_v.at[j]], qv_buf, sem_q).wait()

        def _issue_k(j):
            pltpu.async_copy(k_hbm.at[cid].at[sidx_v.at[j]], k_b, sem_k)

        def _wait_k(j):
            pltpu.make_async_copy(
                k_hbm.at[cid].at[sidx_v.at[j]], k_b, sem_k).wait()

        def _edges(qv_buf):
            def _one(e):
                ps = []
                psel = jnp.zeros((16,), jnp.float32)
                for h in range(H2):
                    qh = qv_buf[e, pl.ds(h * DH, DH)]
                    kh = k_b[e, pl.ds(h * DH, DH)]
                    p = jnp.exp(jnp.full((16,), jnp.sum(qh * kh), jnp.float32))
                    psel = jnp.where(iota16 == h, p, psel)
                    ps.append(p)
                plsc.store_scatter(
                    wp_b, [jnp.full((16,), e, jnp.int32), iota16], psel,
                    mask=iota16 < 8)
                for h in range(H2):
                    vh = qv_buf[e, pl.ds(HW + h * DH, DH)]
                    wp_b[e, pl.ds(8 + h * DH, DH)] = vh * ps[h]

            def _pe(u, gcarry):
                _one(4 * u)
                _one(4 * u + 1)
                _one(4 * u + 2)
                _one(4 * u + 3)
                return gcarry

            lax.fori_loop(0, C // 4, _pe, 0)

        def _weights(j, qv_buf):
            _edges(qv_buf)
            pltpu.sync_copy(wp_b, acc.at[sidx_v.at[j]], add=True)

        _issue_qv(0, qv_a, sem_qa)
        _issue_k(0)

        def _pair(t, carry):
            j0 = 2 * t
            j1 = j0 + 1
            _wait_qv(j0, qv_a, sem_qa)
            _wait_k(j0)
            _issue_qv(j1, qv_bb, sem_qb)
            _weights(j0, qv_a)
            _issue_k(j1)
            _wait_qv(j1, qv_bb, sem_qb)
            _wait_k(j1)

            @pl.when(j1 + 1 < CH)
            def _():
                _issue_qv(j1 + 1, qv_a, sem_qa)

            _weights(j1, qv_bb)

            @pl.when(j1 + 1 < CH)
            def _():
                _issue_k(j1 + 1)
            return carry

        lax.fori_loop(0, CH // 2, _pair, 0)
        plsc.subcore_barrier()
        pltpu.sync_copy(acc.at[pl.ds(sid * RPT, RPT)],
                        out_hbm.at[cid, pl.ds(sid * RPT, RPT)])

    return edge_kernel


_edge_kernel = _build_edge_kernel()


def _final_body(a0_ref, a1_ref, wo_ref, bo_ref, o_ref):
    a0 = a0_ref[0]
    a1 = a1_ref[0]
    parts = []
    for h in range(H2):
        d = a0[:, h:h + 1]
        nh = a0[:, 8 + h * DH:8 + (h + 1) * DH]
        parts.append(jnp.where(d > 0, nh / d, 0.0))
    for h in range(H2):
        d = a1[:, h:h + 1]
        nh = a1[:, 8 + h * DH:8 + (h + 1) * DH]
        parts.append(jnp.where(d > 0, nh / d, 0.0))
    att = jnp.concatenate(parts, axis=1)
    o_ref[...] = lax.dot_general(
        att, wo_ref[...], (((1,), (1,)), ((), ())),
        preferred_element_type=jnp.float32) + bo_ref[...]


def _final(acc, Wo, bo):
    grid = (N // _B1,)
    return pl.pallas_call(
        _final_body,
        grid=grid,
        in_specs=[
            pl.BlockSpec((1, _B1, ACC_W), lambda i: (0, i, 0)),
            pl.BlockSpec((1, _B1, ACC_W), lambda i: (1, i, 0)),
            pl.BlockSpec((DIM, DIM), lambda i: (0, 0)),
            pl.BlockSpec((1, DIM), lambda i: (0, 0)),
        ],
        out_specs=pl.BlockSpec((_B1, DIM), lambda i: (i, 0)),
        out_shape=jax.ShapeDtypeStruct((N, DIM), jnp.float32),
    )(acc, acc, Wo, bo.reshape(1, DIM))


def kernel(x, edge_index, Wq, bq, Wk, bk, Wv, bv, Wo, bo):
    src = edge_index[0].astype(jnp.int32)
    dst = edge_index[1].astype(jnp.int32)
    npad = E_PAD - E
    zpad = jnp.zeros((npad,), jnp.int32)
    srci = jnp.concatenate([src, zpad]).reshape(16, CH, C)
    sidx = jnp.concatenate(
        [dst, jnp.full((npad,), N, jnp.int32)]).reshape(16, CH, C)

    qv2, k2 = _qkv(x, Wq, bq, Wk, bk, Wv, bv)
    acc = _edge_kernel(qv2, k2, srci, sidx)
    return _final(acc, Wo, bo)

# --- scband reference (transcript-rebuilt; emitter-appended) ---
"""Pipeline reference for scband-transformer-attention-module-34488587387547 (READ-ONLY COPY).

The authoritative reference and input builder live on the scoring server;
editing this copy changes nothing except your own understanding.
"""

import jax, jax.numpy as jnp
import numpy as np

N = 10000
E = 320000
DIM = 128
H = 8
DH = DIM // H


def setup_inputs(seed: int = 0) -> dict:
    key = jax.random.key(seed)
    ks = jax.random.split(key, 12)
    x = jax.random.normal(ks[0], (N, DIM), dtype=jnp.float32)
    edge_index = jax.random.randint(ks[1], (2, E), 0, N)
    scale = 1.0 / np.sqrt(DIM)
    def lin(kw, kb):
        W = jax.random.uniform(kw, (DIM, DIM), minval=-scale, maxval=scale, dtype=jnp.float32)
        b = jax.random.uniform(kb, (DIM,), minval=-scale, maxval=scale, dtype=jnp.float32)
        return W, b
    Wq, bq = lin(ks[2], ks[3])
    Wk, bk = lin(ks[4], ks[5])
    Wv, bv = lin(ks[6], ks[7])
    Wo, bo = lin(ks[8], ks[9])
    return {"x": x, "edge_index": edge_index, "Wq": Wq, "bq": bq, "Wk": Wk, "bk": bk, "Wv": Wv, "bv": bv, "Wo": Wo, "bo": bo}


def reference(x, edge_index, Wq, bq, Wk, bk, Wv, bv, Wo, bo):
    n = x.shape[0]
    src = edge_index[0]
    dst = edge_index[1]
    q = (x @ Wq.T + bq).reshape(n, H, DH)
    k = (x @ Wk.T + bk).reshape(n, H, DH)
    v = (x @ Wv.T + bv).reshape(n, H, DH)
    # ops.u_dot_v: per-edge dot of src queries with dst keys, per head -> [E, H]
    scores = jnp.sum(q[src] * k[dst], axis=-1) / np.sqrt(DH)
    # edge_softmax: softmax over incoming edges of each dst node (per head)
    m = jax.ops.segment_max(scores, dst, num_segments=n)
    m = jnp.where(jnp.isfinite(m), m, 0.0)
    p = jnp.exp(scores - jax.lax.stop_gradient(m)[dst])
    denom = jax.ops.segment_sum(p, dst, num_segments=n)
    probs = p / denom[dst]
    # ops.u_mul_e_sum: sum over incoming edges of values[src] * probs[edge]
    out = jax.ops.segment_sum(v[src] * probs[:, :, None], dst, num_segments=n)
    out = out.reshape(n, DIM)
    out = out @ Wo.T + bo
    # dropout p=0.0 (eval) -> identity
    return out

if __name__ == "__main__":
    import jax
    _d = setup_inputs()
    print(jax.jit(kernel)(*tuple(_d.values())))

</pallas_src>

<mosaic_0001>
#map = affine_map<(d0, d1) -> (0, 0, 0)>
module attributes {stable_mosaic.version = 14 : i64} {
  func.func @edge_kernel(%arg0: i32, %arg1: i32, %arg2: memref<2x10000x128xf32, #tpu.memory_space<hbm>>, %arg3: memref<2x10016x64xf32, #tpu.memory_space<hbm>>, %arg4: memref<16x316x64xi32, #tpu.memory_space<hbm>>, %arg5: memref<16x316x64xi32, #tpu.memory_space<hbm>>, %arg6: memref<2x10016x72xf32, #tpu.memory_space<hbm>>, %arg7: memref<316x64xi32, #tpu.memory_space<vmem>>, %arg8: memref<316x64xi32, #tpu.memory_space<vmem>>, %arg9: memref<64x128xf32, #tpu.memory_space<vmem>>, %arg10: memref<64x128xf32, #tpu.memory_space<vmem>>, %arg11: memref<64x64xf32, #tpu.memory_space<vmem>>, %arg12: memref<64x72xf32, #tpu.memory_space<vmem>>, %arg13: memref<10016x72xf32, #tpu.memory_space<vmem_shared>>, %arg14: memref<!tpu.dma_semaphore, #tpu.memory_space<semaphore_mem>>, %arg15: memref<!tpu.dma_semaphore, #tpu.memory_space<semaphore_mem>>, %arg16: memref<!tpu.dma_semaphore, #tpu.memory_space<semaphore_mem>>) attributes {dimension_semantics = [#tpu.dimension_semantics<core_parallel>, #tpu.dimension_semantics<subcore_parallel>], iteration_bounds = array<i64: 2, 16>, scalar_prefetch = 0 : i64, scratch_operands = 10 : i64, tpu.core_type = #tpu.core_type<sc_vector_subcore>, window_params = [{transform_indices = #map}, {transform_indices = #map}, {transform_indices = #map}, {transform_indices = #map}, {transform_indices = #map}]} {
    "tpu.region"() ({
      %run_scoped3A = tpu.sem_alloc : memref<!tpu.dma_semaphore, #tpu.memory_space<semaphore_mem>>
      %dma_start3A_76 = arith.constant 0 : i32
      %dma_start3A_77 = arith.constant 0 : i32
      %dma_start3A_78 = tpu.memref_slice %arg4[%arg1, %dma_start3A_76, %dma_start3A_77] : memref<16x316x64xi32, #tpu.memory_space<hbm>> -> memref<1x316x64xi32, #tpu.memory_space<hbm>>
      %dma_start3A_79 = tpu.memref_squeeze %dma_start3A_78 : memref<1x316x64xi32, #tpu.memory_space<hbm>> -> memref<316x64xi32, #tpu.memory_space<hbm>>
      %dma_start3A_80 = arith.constant 0 : i32
      %dma_start3A_81 = arith.constant 0 : i32
      %dma_start3A_82 = tpu.memref_slice %arg4[%arg1, %dma_start3A_80, %dma_start3A_81] : memref<16x316x64xi32, #tpu.memory_space<hbm>> -> memref<1x316x64xi32, #tpu.memory_space<hbm>>
      %dma_start3A_83 = tpu.memref_squeeze %dma_start3A_82 : memref<1x316x64xi32, #tpu.memory_space<hbm>> -> memref<316x64xi32, #tpu.memory_space<hbm>>
      tpu.enqueue_dma source(%dma_start3A_83 : memref<316x64xi32, #tpu.memory_space<hbm>>) target(%arg7 : memref<316x64xi32, #tpu.memory_space<vmem>>) target_semaphore(%run_scoped3A : memref<!tpu.dma_semaphore, #tpu.memory_space<semaphore_mem>>)
      %dma_wait3A = arith.constant 0 : i32
      %dma_wait3A_84 = arith.constant 0 : i32
      %dma_wait3A_85 = tpu.memref_slice %arg4[%arg1, %dma_wait3A, %dma_wait3A_84] : memref<16x316x64xi32, #tpu.memory_space<hbm>> -> memref<1x316x64xi32, #tpu.memory_space<hbm>>
      %dma_wait3A_86 = tpu.memref_squeeze %dma_wait3A_85 : memref<1x316x64xi32, #tpu.memory_space<hbm>> -> memref<316x64xi32, #tpu.memory_space<hbm>>
      %dma_wait3A_87 = arith.constant 0 : i32
      %dma_wait3A_88 = arith.constant 0 : i32
      %dma_wait3A_89 = tpu.memref_slice %arg4[%arg1, %dma_wait3A_87, %dma_wait3A_88] : memref<16x316x64xi32, #tpu.memory_space<hbm>> -> memref<1x316x64xi32, #tpu.memory_space<hbm>>
      %dma_wait3A_90 = tpu.memref_squeeze %dma_wait3A_89 : memref<1x316x64xi32, #tpu.memory_space<hbm>> -> memref<316x64xi32, #tpu.memory_space<hbm>>
      tpu.wait_dma2 semaphore(%run_scoped3A : memref<!tpu.dma_semaphore, #tpu.memory_space<semaphore_mem>>) src(%dma_wait3A_90 : memref<316x64xi32, #tpu.memory_space<hbm>>) dst(%arg7 : memref<316x64xi32, #tpu.memory_space<vmem>>)
      tpu.yield
    }) : () -> ()
    "tpu.region"() ({
      %run_scoped3A = tpu.sem_alloc : memref<!tpu.dma_semaphore, #tpu.memory_space<semaphore_mem>>
      %dma_start3A_76 = arith.constant 0 : i32
      %dma_start3A_77 = arith.constant 0 : i32
      %dma_start3A_78 = tpu.memref_slice %arg5[%arg1, %dma_start3A_76, %dma_start3A_77] : memref<16x316x64xi32, #tpu.memory_space<hbm>> -> memref<1x316x64xi32, #tpu.memory_space<hbm>>
      %dma_start3A_79 = tpu.memref_squeeze %dma_start3A_78 : memref<1x316x64xi32, #tpu.memory_space<hbm>> -> memref<316x64xi32, #tpu.memory_space<hbm>>
      %dma_start3A_80 = arith.constant 0 : i32
      %dma_start3A_81 = arith.constant 0 : i32
      %dma_start3A_82 = tpu.memref_slice %arg5[%arg1, %dma_start3A_80, %dma_start3A_81] : memref<16x316x64xi32, #tpu.memory_space<hbm>> -> memref<1x316x64xi32, #tpu.memory_space<hbm>>
      %dma_start3A_83 = tpu.memref_squeeze %dma_start3A_82 : memref<1x316x64xi32, #tpu.memory_space<hbm>> -> memref<316x64xi32, #tpu.memory_space<hbm>>
      tpu.enqueue_dma source(%dma_start3A_83 : memref<316x64xi32, #tpu.memory_space<hbm>>) target(%arg8 : memref<316x64xi32, #tpu.memory_space<vmem>>) target_semaphore(%run_scoped3A : memref<!tpu.dma_semaphore, #tpu.memory_space<semaphore_mem>>)
      %dma_wait3A = arith.constant 0 : i32
      %dma_wait3A_84 = arith.constant 0 : i32
      %dma_wait3A_85 = tpu.memref_slice %arg5[%arg1, %dma_wait3A, %dma_wait3A_84] : memref<16x316x64xi32, #tpu.memory_space<hbm>> -> memref<1x316x64xi32, #tpu.memory_space<hbm>>
      %dma_wait3A_86 = tpu.memref_squeeze %dma_wait3A_85 : memref<1x316x64xi32, #tpu.memory_space<hbm>> -> memref<316x64xi32, #tpu.memory_space<hbm>>
      %dma_wait3A_87 = arith.constant 0 : i32
      %dma_wait3A_88 = arith.constant 0 : i32
      %dma_wait3A_89 = tpu.memref_slice %arg5[%arg1, %dma_wait3A_87, %dma_wait3A_88] : memref<16x316x64xi32, #tpu.memory_space<hbm>> -> memref<1x316x64xi32, #tpu.memory_space<hbm>>
      %dma_wait3A_90 = tpu.memref_squeeze %dma_wait3A_89 : memref<1x316x64xi32, #tpu.memory_space<hbm>> -> memref<316x64xi32, #tpu.memory_space<hbm>>
      tpu.wait_dma2 semaphore(%run_scoped3A : memref<!tpu.dma_semaphore, #tpu.memory_space<semaphore_mem>>) src(%dma_wait3A_90 : memref<316x64xi32, #tpu.memory_space<hbm>>) dst(%arg8 : memref<316x64xi32, #tpu.memory_space<vmem>>)
      tpu.yield
    }) : () -> ()
    %iota3A = tpu.iota {dimensions = array<i32: 0>} : vector<16xi32>
    %broadcast_in_dim3A = arith.constant 0.000000e+00 : f32
    %broadcast_in_dim3A_0 = vector.broadcast %broadcast_in_dim3A : f32 to vector<16xf32>
    %scan3A = arith.constant 0 : i32
    %scan3A_1 = arith.constant 0 : i32
    %scan3A_2 = arith.constant 64 : i32
    %scan3A_3 = arith.addi %scan3A_1, %scan3A_2 : i32
    %scan3A_4 = arith.constant 1 : i32
    scf.for %scan3A_76 = %scan3A_1 to %scan3A_3 step %scan3A_4  : i32 {
      %swap3A = arith.index_cast %scan3A_76 : i32 to index
      %swap3A_77 = arith.constant 0 : index
      %swap3A_78 = tpu.vector_load %arg12[%swap3A, %swap3A_77] {strides = array<i32>} : memref<64x72xf32, #tpu.memory_space<vmem>>, vector<16xf32>,
      tpu.vector_store %arg12[%swap3A, %swap3A_77], %broadcast_in_dim3A_0 {strides = array<i32>} : memref<64x72xf32, #tpu.memory_space<vmem>>, vector<16xf32>,
      %swap3A_79 = arith.index_cast %scan3A_76 : i32 to index
      %swap3A_80 = arith.constant 16 : index
      %swap3A_81 = tpu.vector_load %arg12[%swap3A_79, %swap3A_80] {strides = array<i32>} : memref<64x72xf32, #tpu.memory_space<vmem>>, vector<16xf32>,
      tpu.vector_store %arg12[%swap3A_79, %swap3A_80], %broadcast_in_dim3A_0 {strides = array<i32>} : memref<64x72xf32, #tpu.memory_space<vmem>>, vector<16xf32>,
      %swap3A_82 = arith.index_cast %scan3A_76 : i32 to index
      %swap3A_83 = arith.constant 32 : index
      %swap3A_84 = tpu.vector_load %arg12[%swap3A_82, %swap3A_83] {strides = array<i32>} : memref<64x72xf32, #tpu.memory_space<vmem>>, vector<16xf32>,
      tpu.vector_store %arg12[%swap3A_82, %swap3A_83], %broadcast_in_dim3A_0 {strides = array<i32>} : memref<64x72xf32, #tpu.memory_space<vmem>>, vector<16xf32>,
      %swap3A_85 = arith.index_cast %scan3A_76 : i32 to index
      %swap3A_86 = arith.constant 48 : index
      %swap3A_87 = tpu.vector_load %arg12[%swap3A_85, %swap3A_86] {strides = array<i32>} : memref<64x72xf32, #tpu.memory_space<vmem>>, vector<16xf32>,
      tpu.vector_store %arg12[%swap3A_85, %swap3A_86], %broadcast_in_dim3A_0 {strides = array<i32>} : memref<64x72xf32, #tpu.memory_space<vmem>>, vector<16xf32>,
      %broadcast_in_dim3A_88 = vector.broadcast %scan3A_76 : i32 to vector<16xi32>
      %rem3A = arith.constant 8 : i32
      %rem3A_89 = vector.broadcast %rem3A : i32 to vector<16xi32>
      %rem3A_90 = arith.remsi %iota3A, %rem3A_89 : vector<16xi32>
      %add3A_91 = arith.constant 64 : i32
      %add3A_92 = vector.broadcast %add3A_91 : i32 to vector<16xi32>
      %add3A_93 = arith.addi %add3A_92, %rem3A_90 : vector<16xi32>
      tpu.vector_store_idx %arg12[%broadcast_in_dim3A_88, %add3A_93], %broadcast_in_dim3A_0 : memref<64x72xf32, #tpu.memory_space<vmem>>[vector<16xi32>, vector<16xi32>], vector<16xf32>,
    }
    %scan3A_5 = arith.constant 64 : i32
    %mul3A = arith.constant 626 : i32
    %mul3A_6 = arith.muli %arg1, %mul3A : i32
    %add3A = arith.constant 0 : i32
    %add3A_7 = arith.addi %mul3A_6, %add3A : i32
    "tpu.region"() ({
      %run_scoped3A = tpu.sem_alloc : memref<!tpu.dma_semaphore, #tpu.memory_space<semaphore_mem>>
      %dma_start3A_76 = arith.constant 0 : i32
      %dma_start3A_77 = arith.constant 0 : i32
      %dma_start3A_78 = tpu.memref_slice %arg12[%dma_start3A_76, %dma_start3A_77] : memref<64x72xf32, #tpu.memory_space<vmem>> -> memref<64x72xf32, #tpu.memory_space<vmem>>
      %dma_start3A_79 = arith.constant 0 : i32
      %dma_start3A_80 = tpu.memref_slice %arg13[%add3A_7, %dma_start3A_79] : memref<10016x72xf32, #tpu.memory_space<vmem_shared>> -> memref<64x72xf32, #tpu.memory_space<vmem_shared>>
      %dma_start3A_81 = arith.constant 0 : i32
      %dma_start3A_82 = tpu.memref_slice %arg13[%add3A_7, %dma_start3A_81] : memref<10016x72xf32, #tpu.memory_space<vmem_shared>> -> memref<64x72xf32, #tpu.memory_space<vmem_shared>>
      %dma_start3A_83 = arith.constant 0 : i32
      %dma_start3A_84 = arith.constant 0 : i32
      %dma_start3A_85 = tpu.memref_slice %arg12[%dma_start3A_83, %dma_start3A_84] : memref<64x72xf32, #tpu.memory_space<vmem>> -> memref<64x72xf32, #tpu.memory_space<vmem>>
      tpu.enqueue_dma source(%dma_start3A_85 : memref<64x72xf32, #tpu.memory_space<vmem>>) target(%dma_start3A_82 : memref<64x72xf32, #tpu.memory_space<vmem_shared>>) target_semaphore(%run_scoped3A : memref<!tpu.dma_semaphore, #tpu.memory_space<semaphore_mem>>)
      %dma_wait3A = arith.constant 0 : i32
      %dma_wait3A_86 = arith.constant 0 : i32
      %dma_wait3A_87 = tpu.memref_slice %arg12[%dma_wait3A, %dma_wait3A_86] : memref<64x72xf32, #tpu.memory_space<vmem>> -> memref<64x72xf32, #tpu.memory_space<vmem>>
      %dma_wait3A_88 = arith.constant 0 : i32
      %dma_wait3A_89 = tpu.memref_slice %arg13[%add3A_7, %dma_wait3A_88] : memref<10016x72xf32, #tpu.memory_space<vmem_shared>> -> memref<64x72xf32, #tpu.memory_space<vmem_shared>>
      %dma_wait3A_90 = arith.constant 0 : i32
      %dma_wait3A_91 = tpu.memref_slice %arg13[%add3A_7, %dma_wait3A_90] : memref<10016x72xf32, #tpu.memory_space<vmem_shared>> -> memref<64x72xf32, #tpu.memory_space<vmem_shared>>
      %dma_wait3A_92 = arith.constant 0 : i32
      %dma_wait3A_93 = arith.constant 0 : i32
      %dma_wait3A_94 = tpu.memref_slice %arg12[%dma_wait3A_92, %dma_wait3A_93] : memref<64x72xf32, #tpu.memory_space<vmem>> -> memref<64x72xf32, #tpu.memory_space<vmem>>
      tpu.wait_dma2 semaphore(%run_scoped3A : memref<!tpu.dma_semaphore, #tpu.memory_space<semaphore_mem>>) src(%dma_wait3A_94 : memref<64x72xf32, #tpu.memory_space<vmem>>) dst(%dma_wait3A_91 : memref<64x72xf32, #tpu.memory_space<vmem_shared>>)
      tpu.yield
    }) : () -> ()
    %mul3A_8 = arith.constant 626 : i32
    %mul3A_9 = arith.muli %arg1, %mul3A_8 : i32
    %add3A_10 = arith.constant 64 : i32
    %add3A_11 = arith.addi %mul3A_9, %add3A_10 : i32
    "tpu.region"() ({
      %run_scoped3A = tpu.sem_alloc : memref<!tpu.dma_semaphore, #tpu.memory_space<semaphore_mem>>
      %dma_start3A_76 = arith.constant 0 : i32
      %dma_start3A_77 = arith.constant 0 : i32
      %dma_start3A_78 = tpu.memref_slice %arg12[%dma_start3A_76, %dma_start3A_77] : memref<64x72xf32, #tpu.memory_space<vmem>> -> memref<64x72xf32, #tpu.memory_space<vmem>>
      %dma_start3A_79 = arith.constant 0 : i32
      %dma_start3A_80 = tpu.memref_slice %arg13[%add3A_11, %dma_start3A_79] : memref<10016x72xf32, #tpu.memory_space<vmem_shared>> -> memref<64x72xf32, #tpu.memory_space<vmem_shared>>
      %dma_start3A_81 = arith.constant 0 : i32
      %dma_start3A_82 = tpu.memref_slice %arg13[%add3A_11, %dma_start3A_81] : memref<10016x72xf32, #tpu.memory_space<vmem_shared>> -> memref<64x72xf32, #tpu.memory_space<vmem_shared>>
      %dma_start3A_83 = arith.constant 0 : i32
      %dma_start3A_84 = arith.constant 0 : i32
      %dma_start3A_85 = tpu.memref_slice %arg12[%dma_start3A_83, %dma_start3A_84] : memref<64x72xf32, #tpu.memory_space<vmem>> -> memref<64x72xf32, #tpu.memory_space<vmem>>
      tpu.enqueue_dma source(%dma_start3A_85 : memref<64x72xf32, #tpu.memory_space<vmem>>) target(%dma_start3A_82 : memref<64x72xf32, #tpu.memory_space<vmem_shared>>) target_semaphore(%run_scoped3A : memref<!tpu.dma_semaphore, #tpu.memory_space<semaphore_mem>>)
      %dma_wait3A = arith.constant 0 : i32
      %dma_wait3A_86 = arith.constant 0 : i32
      %dma_wait3A_87 = tpu.memref_slice %arg12[%dma_wait3A, %dma_wait3A_86] : memref<64x72xf32, #tpu.memory_space<vmem>> -> memref<64x72xf32, #tpu.memory_space<vmem>>
      %dma_wait3A_88 = arith.constant 0 : i32
      %dma_wait3A_89 = tpu.memref_slice %arg13[%add3A_11, %dma_wait3A_88] : memref<10016x72xf32, #tpu.memory_space<vmem_shared>> -> memref<64x72xf32, #tpu.memory_space<vmem_shared>>
      %dma_wait3A_90 = arith.constant 0 : i32
      %dma_wait3A_91 = tpu.memref_slice %arg13[%add3A_11, %dma_wait3A_90] : memref<10016x72xf32, #tpu.memory_space<vmem_shared>> -> memref<64x72xf32, #tpu.memory_space<vmem_shared>>
      %dma_wait3A_92 = arith.constant 0 : i32
      %dma_wait3A_93 = arith.constant 0 : i32
      %dma_wait3A_94 = tpu.memref_slice %arg12[%dma_wait3A_92, %dma_wait3A_93] : memref<64x72xf32, #tpu.memory_space<vmem>> -> memref<64x72xf32, #tpu.memory_space<vmem>>
      tpu.wait_dma2 semaphore(%run_scoped3A : memref<!tpu.dma_semaphore, #tpu.memory_space<semaphore_mem>>) src(%dma_wait3A_94 : memref<64x72xf32, #tpu.memory_space<vmem>>) dst(%dma_wait3A_91 : memref<64x72xf32, #tpu.memory_space<vmem_shared>>)
      tpu.yield
    }) : () -> ()
    %mul3A_12 = arith.constant 626 : i32
    %mul3A_13 = arith.muli %arg1, %mul3A_12 : i32
    %add3A_14 = arith.constant 128 : i32
    %add3A_15 = arith.addi %mul3A_13, %add3A_14 : i32
    "tpu.region"() ({
      %run_scoped3A = tpu.sem_alloc : memref<!tpu.dma_semaphore, #tpu.memory_space<semaphore_mem>>
      %dma_start3A_76 = arith.constant 0 : i32
      %dma_start3A_77 = arith.constant 0 : i32
      %dma_start3A_78 = tpu.memref_slice %arg12[%dma_start3A_76, %dma_start3A_77] : memref<64x72xf32, #tpu.memory_space<vmem>> -> memref<64x72xf32, #tpu.memory_space<vmem>>
      %dma_start3A_79 = arith.constant 0 : i32
      %dma_start3A_80 = tpu.memref_slice %arg13[%add3A_15, %dma_start3A_79] : memref<10016x72xf32, #tpu.memory_space<vmem_shared>> -> memref<64x72xf32, #tpu.memory_space<vmem_shared>>
      %dma_start3A_81 = arith.constant 0 : i32
      %dma_start3A_82 = tpu.memref_slice %arg13[%add3A_15, %dma_start3A_81] : memref<10016x72xf32, #tpu.memory_space<vmem_shared>> -> memref<64x72xf32, #tpu.memory_space<vmem_shared>>
      %dma_start3A_83 = arith.constant 0 : i32
      %dma_start3A_84 = arith.constant 0 : i32
      %dma_start3A_85 = tpu.memref_slice %arg12[%dma_start3A_83, %dma_start3A_84] : memref<64x72xf32, #tpu.memory_space<vmem>> -> memref<64x72xf32, #tpu.memory_space<vmem>>
      tpu.enqueue_dma source(%dma_start3A_85 : memref<64x72xf32, #tpu.memory_space<vmem>>) target(%dma_start3A_82 : memref<64x72xf32, #tpu.memory_space<vmem_shared>>) target_semaphore(%run_scoped3A : memref<!tpu.dma_semaphore, #tpu.memory_space<semaphore_mem>>)
      %dma_wait3A = arith.constant 0 : i32
      %dma_wait3A_86 = arith.constant 0 : i32
      %dma_wait3A_87 = tpu.memref_slice %arg12[%dma_wait3A, %dma_wait3A_86] : memref<64x72xf32, #tpu.memory_space<vmem>> -> memref<64x72xf32, #tpu.memory_space<vmem>>
      %dma_wait3A_88 = arith.constant 0 : i32
      %dma_wait3A_89 = tpu.memref_slice %arg13[%add3A_15, %dma_wait3A_88] : memref<10016x72xf32, #tpu.memory_space<vmem_shared>> -> memref<64x72xf32, #tpu.memory_space<vmem_shared>>
      %dma_wait3A_90 = arith.constant 0 : i32
      %dma_wait3A_91 = tpu.memref_slice %arg13[%add3A_15, %dma_wait3A_90] : memref<10016x72xf32, #tpu.memory_space<vmem_shared>> -> memref<64x72xf32, #tpu.memory_space<vmem_shared>>
      %dma_wait3A_92 = arith.constant 0 : i32
      %dma_wait3A_93 = arith.constant 0 : i32
      %dma_wait3A_94 = tpu.memref_slice %arg12[%dma_wait3A_92, %dma_wait3A_93] : memref<64x72xf32, #tpu.memory_space<vmem>> -> memref<64x72xf32, #tpu.memory_space<vmem>>
      tpu.wait_dma2 semaphore(%run_scoped3A : memref<!tpu.dma_semaphore, #tpu.memory_space<semaphore_mem>>) src(%dma_wait3A_94 : memref<64x72xf32, #tpu.memory_space<vmem>>) dst(%dma_wait3A_91 : memref<64x72xf32, #tpu.memory_space<vmem_shared>>)
      tpu.yield
    }) : () -> ()
    %mul3A_16 = arith.constant 626 : i32
    %mul3A_17 = arith.muli %arg1, %mul3A_16 : i32
    %add3A_18 = arith.constant 192 : i32
    %add3A_19 = arith.addi %mul3A_17, %add3A_18 : i32
    "tpu.region"() ({
      %run_scoped3A = tpu.sem_alloc : memref<!tpu.dma_semaphore, #tpu.memory_space<semaphore_mem>>
      %dma_start3A_76 = arith.constant 0 : i32
      %dma_start3A_77 = arith.constant 0 : i32
      %dma_start3A_78 = tpu.memref_slice %arg12[%dma_start3A_76, %dma_start3A_77] : memref<64x72xf32, #tpu.memory_space<vmem>> -> memref<64x72xf32, #tpu.memory_space<vmem>>
      %dma_start3A_79 = arith.constant 0 : i32
      %dma_start3A_80 = tpu.memref_slice %arg13[%add3A_19, %dma_start3A_79] : memref<10016x72xf32, #tpu.memory_space<vmem_shared>> -> memref<64x72xf32, #tpu.memory_space<vmem_shared>>
      %dma_start3A_81 = arith.constant 0 : i32
      %dma_start3A_82 = tpu.memref_slice %arg13[%add3A_19, %dma_start3A_81] : memref<10016x72xf32, #tpu.memory_space<vmem_shared>> -> memref<64x72xf32, #tpu.memory_space<vmem_shared>>
      %dma_start3A_83 = arith.constant 0 : i32
      %dma_start3A_84 = arith.constant 0 : i32
      %dma_start3A_85 = tpu.memref_slice %arg12[%dma_start3A_83, %dma_start3A_84] : memref<64x72xf32, #tpu.memory_space<vmem>> -> memref<64x72xf32, #tpu.memory_space<vmem>>
      tpu.enqueue_dma source(%dma_start3A_85 : memref<64x72xf32, #tpu.memory_space<vmem>>) target(%dma_start3A_82 : memref<64x72xf32, #tpu.memory_space<vmem_shared>>) target_semaphore(%run_scoped3A : memref<!tpu.dma_semaphore, #tpu.memory_space<semaphore_mem>>)
      %dma_wait3A = arith.constant 0 : i32
      %dma_wait3A_86 = arith.constant 0 : i32
      %dma_wait3A_87 = tpu.memref_slice %arg12[%dma_wait3A, %dma_wait3A_86] : memref<64x72xf32, #tpu.memory_space<vmem>> -> memref<64x72xf32, #tpu.memory_space<vmem>>
      %dma_wait3A_88 = arith.constant 0 : i32
      %dma_wait3A_89 = tpu.memref_slice %arg13[%add3A_19, %dma_wait3A_88] : memref<10016x72xf32, #tpu.memory_space<vmem_shared>> -> memref<64x72xf32, #tpu.memory_space<vmem_shared>>
      %dma_wait3A_90 = arith.constant 0 : i32
      %dma_wait3A_91 = tpu.memref_slice %arg13[%add3A_19, %dma_wait3A_90] : memref<10016x72xf32, #tpu.memory_space<vmem_shared>> -> memref<64x72xf32, #tpu.memory_space<vmem_shared>>
      %dma_wait3A_92 = arith.constant 0 : i32
      %dma_wait3A_93 = arith.constant 0 : i32
      %dma_wait3A_94 = tpu.memref_slice %arg12[%dma_wait3A_92, %dma_wait3A_93] : memref<64x72xf32, #tpu.memory_space<vmem>> -> memref<64x72xf32, #tpu.memory_space<vmem>>
      tpu.wait_dma2 semaphore(%run_scoped3A : memref<!tpu.dma_semaphore, #tpu.memory_space<semaphore_mem>>) src(%dma_wait3A_94 : memref<64x72xf32, #tpu.memory_space<vmem>>) dst(%dma_wait3A_91 : memref<64x72xf32, #tpu.memory_space<vmem_shared>>)
      tpu.yield
    }) : () -> ()
    %mul3A_20 = arith.constant 626 : i32
    %mul3A_21 = arith.muli %arg1, %mul3A_20 : i32
    %add3A_22 = arith.constant 256 : i32
    %add3A_23 = arith.addi %mul3A_21, %add3A_22 : i32
    "tpu.region"() ({
      %run_scoped3A = tpu.sem_alloc : memref<!tpu.dma_semaphore, #tpu.memory_space<semaphore_mem>>
      %dma_start3A_76 = arith.constant 0 : i32
      %dma_start3A_77 = arith.constant 0 : i32
      %dma_start3A_78 = tpu.memref_slice %arg12[%dma_start3A_76, %dma_start3A_77] : memref<64x72xf32, #tpu.memory_space<vmem>> -> memref<64x72xf32, #tpu.memory_space<vmem>>
      %dma_start3A_79 = arith.constant 0 : i32
      %dma_start3A_80 = tpu.memref_slice %arg13[%add3A_23, %dma_start3A_79] : memref<10016x72xf32, #tpu.memory_space<vmem_shared>> -> memref<64x72xf32, #tpu.memory_space<vmem_shared>>
      %dma_start3A_81 = arith.constant 0 : i32
      %dma_start3A_82 = tpu.memref_slice %arg13[%add3A_23, %dma_start3A_81] : memref<10016x72xf32, #tpu.memory_space<vmem_shared>> -> memref<64x72xf32, #tpu.memory_space<vmem_shared>>
      %dma_start3A_83 = arith.constant 0 : i32
      %dma_start3A_84 = arith.constant 0 : i32
      %dma_start3A_85 = tpu.memref_slice %arg12[%dma_start3A_83, %dma_start3A_84] : memref<64x72xf32, #tpu.memory_space<vmem>> -> memref<64x72xf32, #tpu.memory_space<vmem>>
      tpu.enqueue_dma source(%dma_start3A_85 : memref<64x72xf32, #tpu.memory_space<vmem>>) target(%dma_start3A_82 : memref<64x72xf32, #tpu.memory_space<vmem_shared>>) target_semaphore(%run_scoped3A : memref<!tpu.dma_semaphore, #tpu.memory_space<semaphore_mem>>)
      %dma_wait3A = arith.constant 0 : i32
      %dma_wait3A_86 = arith.constant 0 : i32
      %dma_wait3A_87 = tpu.memref_slice %arg12[%dma_wait3A, %dma_wait3A_86] : memref<64x72xf32, #tpu.memory_space<vmem>> -> memref<64x72xf32, #tpu.memory_space<vmem>>
      %dma_wait3A_88 = arith.constant 0 : i32
      %dma_wait3A_89 = tpu.memref_slice %arg13[%add3A_23, %dma_wait3A_88] : memref<10016x72xf32, #tpu.memory_space<vmem_shared>> -> memref<64x72xf32, #tpu.memory_space<vmem_shared>>
      %dma_wait3A_90 = arith.constant 0 : i32
      %dma_wait3A_91 = tpu.memref_slice %arg13[%add3A_23, %dma_wait3A_90] : memref<10016x72xf32, #tpu.memory_space<vmem_shared>> -> memref<64x72xf32, #tpu.memory_space<vmem_shared>>
      %dma_wait3A_92 = arith.constant 0 : i32
      %dma_wait3A_93 = arith.constant 0 : i32
      %dma_wait3A_94 = tpu.memref_slice %arg12[%dma_wait3A_92, %dma_wait3A_93] : memref<64x72xf32, #tpu.memory_space<vmem>> -> memref<64x72xf32, #tpu.memory_space<vmem>>
      tpu.wait_dma2 semaphore(%run_scoped3A : memref<!tpu.dma_semaphore, #tpu.memory_space<semaphore_mem>>) src(%dma_wait3A_94 : memref<64x72xf32, #tpu.memory_space<vmem>>) dst(%dma_wait3A_91 : memref<64x72xf32, #tpu.memory_space<vmem_shared>>)
      tpu.yield
    }) : () -> ()
    %mul3A_24 = arith.constant 626 : i32
    %mul3A_25 = arith.muli %arg1, %mul3A_24 : i32
    %add3A_26 = arith.constant 320 : i32
    %add3A_27 = arith.addi %mul3A_25, %add3A_26 : i32
    "tpu.region"() ({
      %run_scoped3A = tpu.sem_alloc : memref<!tpu.dma_semaphore, #tpu.memory_space<semaphore_mem>>
      %dma_start3A_76 = arith.constant 0 : i32
      %dma_start3A_77 = arith.constant 0 : i32
      %dma_start3A_78 = tpu.memref_slice %arg12[%dma_start3A_76, %dma_start3A_77] : memref<64x72xf32, #tpu.memory_space<vmem>> -> memref<64x72xf32, #tpu.memory_space<vmem>>
      %dma_start3A_79 = arith.constant 0 : i32
      %dma_start3A_80 = tpu.memref_slice %arg13[%add3A_27, %dma_start3A_79] : memref<10016x72xf32, #tpu.memory_space<vmem_shared>> -> memref<64x72xf32, #tpu.memory_space<vmem_shared>>
      %dma_start3A_81 = arith.constant 0 : i32
      %dma_start3A_82 = tpu.memref_slice %arg13[%add3A_27, %dma_start3A_81] : memref<10016x72xf32, #tpu.memory_space<vmem_shared>> -> memref<64x72xf32, #tpu.memory_space<vmem_shared>>
      %dma_start3A_83 = arith.constant 0 : i32
      %dma_start3A_84 = arith.constant 0 : i32
      %dma_start3A_85 = tpu.memref_slice %arg12[%dma_start3A_83, %dma_start3A_84] : memref<64x72xf32, #tpu.memory_space<vmem>> -> memref<64x72xf32, #tpu.memory_space<vmem>>
      tpu.enqueue_dma source(%dma_start3A_85 : memref<64x72xf32, #tpu.memory_space<vmem>>) target(%dma_start3A_82 : memref<64x72xf32, #tpu.memory_space<vmem_shared>>) target_semaphore(%run_scoped3A : memref<!tpu.dma_semaphore, #tpu.memory_space<semaphore_mem>>)
      %dma_wait3A = arith.constant 0 : i32
      %dma_wait3A_86 = arith.constant 0 : i32
      %dma_wait3A_87 = tpu.memref_slice %arg12[%dma_wait3A, %dma_wait3A_86] : memref<64x72xf32, #tpu.memory_space<vmem>> -> memref<64x72xf32, #tpu.memory_space<vmem>>
      %dma_wait3A_88 = arith.constant 0 : i32
      %dma_wait3A_89 = tpu.memref_slice %arg13[%add3A_27, %dma_wait3A_88] : memref<10016x72xf32, #tpu.memory_space<vmem_shared>> -> memref<64x72xf32, #tpu.memory_space<vmem_shared>>
      %dma_wait3A_90 = arith.constant 0 : i32
      %dma_wait3A_91 = tpu.memref_slice %arg13[%add3A_27, %dma_wait3A_90] : memref<10016x72xf32, #tpu.memory_space<vmem_shared>> -> memref<64x72xf32, #tpu.memory_space<vmem_shared>>
      %dma_wait3A_92 = arith.constant 0 : i32
      %dma_wait3A_93 = arith.constant 0 : i32
      %dma_wait3A_94 = tpu.memref_slice %arg12[%dma_wait3A_92, %dma_wait3A_93] : memref<64x72xf32, #tpu.memory_space<vmem>> -> memref<64x72xf32, #tpu.memory_space<vmem>>
      tpu.wait_dma2 semaphore(%run_scoped3A : memref<!tpu.dma_semaphore, #tpu.memory_space<semaphore_mem>>) src(%dma_wait3A_94 : memref<64x72xf32, #tpu.memory_space<vmem>>) dst(%dma_wait3A_91 : memref<64x72xf32, #tpu.memory_space<vmem_shared>>)
      tpu.yield
    }) : () -> ()
    %mul3A_28 = arith.constant 626 : i32
    %mul3A_29 = arith.muli %arg1, %mul3A_28 : i32
    %add3A_30 = arith.constant 384 : i32
    %add3A_31 = arith.addi %mul3A_29, %add3A_30 : i32
    "tpu.region"() ({
      %run_scoped3A = tpu.sem_alloc : memref<!tpu.dma_semaphore, #tpu.memory_space<semaphore_mem>>
      %dma_start3A_76 = arith.constant 0 : i32
      %dma_start3A_77 = arith.constant 0 : i32
      %dma_start3A_78 = tpu.memref_slice %arg12[%dma_start3A_76, %dma_start3A_77] : memref<64x72xf32, #tpu.memory_space<vmem>> -> memref<64x72xf32, #tpu.memory_space<vmem>>
      %dma_start3A_79 = arith.constant 0 : i32
      %dma_start3A_80 = tpu.memref_slice %arg13[%add3A_31, %dma_start3A_79] : memref<10016x72xf32, #tpu.memory_space<vmem_shared>> -> memref<64x72xf32, #tpu.memory_space<vmem_shared>>
      %dma_start3A_81 = arith.constant 0 : i32
      %dma_start3A_82 = tpu.memref_slice %arg13[%add3A_31, %dma_start3A_81] : memref<10016x72xf32, #tpu.memory_space<vmem_shared>> -> memref<64x72xf32, #tpu.memory_space<vmem_shared>>
      %dma_start3A_83 = arith.constant 0 : i32
      %dma_start3A_84 = arith.constant 0 : i32
      %dma_start3A_85 = tpu.memref_slice %arg12[%dma_start3A_83, %dma_start3A_84] : memref<64x72xf32, #tpu.memory_space<vmem>> -> memref<64x72xf32, #tpu.memory_space<vmem>>
      tpu.enqueue_dma source(%dma_start3A_85 : memref<64x72xf32, #tpu.memory_space<vmem>>) target(%dma_start3A_82 : memref<64x72xf32, #tpu.memory_space<vmem_shared>>) target_semaphore(%run_scoped3A : memref<!tpu.dma_semaphore, #tpu.memory_space<semaphore_mem>>)
      %dma_wait3A = arith.constant 0 : i32
      %dma_wait3A_86 = arith.constant 0 : i32
      %dma_wait3A_87 = tpu.memref_slice %arg12[%dma_wait3A, %dma_wait3A_86] : memref<64x72xf32, #tpu.memory_space<vmem>> -> memref<64x72xf32, #tpu.memory_space<vmem>>
      %dma_wait3A_88 = arith.constant 0 : i32
      %dma_wait3A_89 = tpu.memref_slice %arg13[%add3A_31, %dma_wait3A_88] : memref<10016x72xf32, #tpu.memory_space<vmem_shared>> -> memref<64x72xf32, #tpu.memory_space<vmem_shared>>
      %dma_wait3A_90 = arith.constant 0 : i32
      %dma_wait3A_91 = tpu.memref_slice %arg13[%add3A_31, %dma_wait3A_90] : memref<10016x72xf32, #tpu.memory_space<vmem_shared>> -> memref<64x72xf32, #tpu.memory_space<vmem_shared>>
      %dma_wait3A_92 = arith.constant 0 : i32
      %dma_wait3A_93 = arith.constant 0 : i32
      %dma_wait3A_94 = tpu.memref_slice %arg12[%dma_wait3A_92, %dma_wait3A_93] : memref<64x72xf32, #tpu.memory_space<vmem>> -> memref<64x72xf32, #tpu.memory_space<vmem>>
      tpu.wait_dma2 semaphore(%run_scoped3A : memref<!tpu.dma_semaphore, #tpu.memory_space<semaphore_mem>>) src(%dma_wait3A_94 : memref<64x72xf32, #tpu.memory_space<vmem>>) dst(%dma_wait3A_91 : memref<64x72xf32, #tpu.memory_space<vmem_shared>>)
      tpu.yield
    }) : () -> ()
    %mul3A_32 = arith.constant 626 : i32
    %mul3A_33 = arith.muli %arg1, %mul3A_32 : i32
    %add3A_34 = arith.constant 448 : i32
    %add3A_35 = arith.addi %mul3A_33, %add3A_34 : i32
    "tpu.region"() ({
      %run_scoped3A = tpu.sem_alloc : memref<!tpu.dma_semaphore, #tpu.memory_space<semaphore_mem>>
      %dma_start3A_76 = arith.constant 0 : i32
      %dma_start3A_77 = arith.constant 0 : i32
      %dma_start3A_78 = tpu.memref_slice %arg12[%dma_start3A_76, %dma_start3A_77] : memref<64x72xf32, #tpu.memory_space<vmem>> -> memref<64x72xf32, #tpu.memory_space<vmem>>
      %dma_start3A_79 = arith.constant 0 : i32
      %dma_start3A_80 = tpu.memref_slice %arg13[%add3A_35, %dma_start3A_79] : memref<10016x72xf32, #tpu.memory_space<vmem_shared>> -> memref<64x72xf32, #tpu.memory_space<vmem_shared>>
      %dma_start3A_81 = arith.constant 0 : i32
      %dma_start3A_82 = tpu.memref_slice %arg13[%add3A_35, %dma_start3A_81] : memref<10016x72xf32, #tpu.memory_space<vmem_shared>> -> memref<64x72xf32, #tpu.memory_space<vmem_shared>>
      %dma_start3A_83 = arith.constant 0 : i32
      %dma_start3A_84 = arith.constant 0 : i32
      %dma_start3A_85 = tpu.memref_slice %arg12[%dma_start3A_83, %dma_start3A_84] : memref<64x72xf32, #tpu.memory_space<vmem>> -> memref<64x72xf32, #tpu.memory_space<vmem>>
      tpu.enqueue_dma source(%dma_start3A_85 : memref<64x72xf32, #tpu.memory_space<vmem>>) target(%dma_start3A_82 : memref<64x72xf32, #tpu.memory_space<vmem_shared>>) target_semaphore(%run_scoped3A : memref<!tpu.dma_semaphore, #tpu.memory_space<semaphore_mem>>)
      %dma_wait3A = arith.constant 0 : i32
      %dma_wait3A_86 = arith.constant 0 : i32
      %dma_wait3A_87 = tpu.memref_slice %arg12[%dma_wait3A, %dma_wait3A_86] : memref<64x72xf32, #tpu.memory_space<vmem>> -> memref<64x72xf32, #tpu.memory_space<vmem>>
      %dma_wait3A_88 = arith.constant 0 : i32
      %dma_wait3A_89 = tpu.memref_slice %arg13[%add3A_35, %dma_wait3A_88] : memref<10016x72xf32, #tpu.memory_space<vmem_shared>> -> memref<64x72xf32, #tpu.memory_space<vmem_shared>>
      %dma_wait3A_90 = arith.constant 0 : i32
      %dma_wait3A_91 = tpu.memref_slice %arg13[%add3A_35, %dma_wait3A_90] : memref<10016x72xf32, #tpu.memory_space<vmem_shared>> -> memref<64x72xf32, #tpu.memory_space<vmem_shared>>
      %dma_wait3A_92 = arith.constant 0 : i32
      %dma_wait3A_93 = arith.constant 0 : i32
      %dma_wait3A_94 = tpu.memref_slice %arg12[%dma_wait3A_92, %dma_wait3A_93] : memref<64x72xf32, #tpu.memory_space<vmem>> -> memref<64x72xf32, #tpu.memory_space<vmem>>
      tpu.wait_dma2 semaphore(%run_scoped3A : memref<!tpu.dma_semaphore, #tpu.memory_space<semaphore_mem>>) src(%dma_wait3A_94 : memref<64x72xf32, #tpu.memory_space<vmem>>) dst(%dma_wait3A_91 : memref<64x72xf32, #tpu.memory_space<vmem_shared>>)
      tpu.yield
    }) : () -> ()
    %mul3A_36 = arith.constant 626 : i32
    %mul3A_37 = arith.muli %arg1, %mul3A_36 : i32
    %add3A_38 = arith.constant 512 : i32
    %add3A_39 = arith.addi %mul3A_37, %add3A_38 : i32
    "tpu.region"() ({
      %run_scoped3A = tpu.sem_alloc : memref<!tpu.dma_semaphore, #tpu.memory_space<semaphore_mem>>
      %dma_start3A_76 = arith.constant 0 : i32
      %dma_start3A_77 = arith.constant 0 : i32
      %dma_start3A_78 = tpu.memref_slice %arg12[%dma_start3A_76, %dma_start3A_77] : memref<64x72xf32, #tpu.memory_space<vmem>> -> memref<64x72xf32, #tpu.memory_space<vmem>>
      %dma_start3A_79 = arith.constant 0 : i32
      %dma_start3A_80 = tpu.memref_slice %arg13[%add3A_39, %dma_start3A_79] : memref<10016x72xf32, #tpu.memory_space<vmem_shared>> -> memref<64x72xf32, #tpu.memory_space<vmem_shared>>
      %dma_start3A_81 = arith.constant 0 : i32
      %dma_start3A_82 = tpu.memref_slice %arg13[%add3A_39, %dma_start3A_81] : memref<10016x72xf32, #tpu.memory_space<vmem_shared>> -> memref<64x72xf32, #tpu.memory_space<vmem_shared>>
      %dma_start3A_83 = arith.constant 0 : i32
      %dma_start3A_84 = arith.constant 0 : i32
      %dma_start3A_85 = tpu.memref_slice %arg12[%dma_start3A_83, %dma_start3A_84] : memref<64x72xf32, #tpu.memory_space<vmem>> -> memref<64x72xf32, #tpu.memory_space<vmem>>
      tpu.enqueue_dma source(%dma_start3A_85 : memref<64x72xf32, #tpu.memory_space<vmem>>) target(%dma_start3A_82 : memref<64x72xf32, #tpu.memory_space<vmem_shared>>) target_semaphore(%run_scoped3A : memref<!tpu.dma_semaphore, #tpu.memory_space<semaphore_mem>>)
      %dma_wait3A = arith.constant 0 : i32
      %dma_wait3A_86 = arith.constant 0 : i32
      %dma_wait3A_87 = tpu.memref_slice %arg12[%dma_wait3A, %dma_wait3A_86] : memref<64x72xf32, #tpu.memory_space<vmem>> -> memref<64x72xf32, #tpu.memory_space<vmem>>
      %dma_wait3A_88 = arith.constant 0 : i32
      %dma_wait3A_89 = tpu.memref_slice %arg13[%add3A_39, %dma_wait3A_88] : memref<10016x72xf32, #tpu.memory_space<vmem_shared>> -> memref<64x72xf32, #tpu.memory_space<vmem_shared>>
      %dma_wait3A_90 = arith.constant 0 : i32
      %dma_wait3A_91 = tpu.memref_slice %arg13[%add3A_39, %dma_wait3A_90] : memref<10016x72xf32, #tpu.memory_space<vmem_shared>> -> memref<64x72xf32, #tpu.memory_space<vmem_shared>>
      %dma_wait3A_92 = arith.constant 0 : i32
      %dma_wait3A_93 = arith.constant 0 : i32
      %dma_wait3A_94 = tpu.memref_slice %arg12[%dma_wait3A_92, %dma_wait3A_93] : memref<64x72xf32, #tpu.memory_space<vmem>> -> memref<64x72xf32, #tpu.memory_space<vmem>>
      tpu.wait_dma2 semaphore(%run_scoped3A : memref<!tpu.dma_semaphore, #tpu.memory_space<semaphore_mem>>) src(%dma_wait3A_94 : memref<64x72xf32, #tpu.memory_space<vmem>>) dst(%dma_wait3A_91 : memref<64x72xf32, #tpu.memory_space<vmem_shared>>)
      tpu.yield
    }) : () -> ()
    %mul3A_40 = arith.constant 626 : i32
    %mul3A_41 = arith.muli %arg1, %mul3A_40 : i32
    %add3A_42 = arith.constant 576 : i32
    %add3A_43 = arith.addi %mul3A_41, %add3A_42 : i32
    "tpu.region"() ({
      %run_scoped3A = tpu.sem_alloc : memref<!tpu.dma_semaphore, #tpu.memory_space<semaphore_mem>>
      %dma_start3A_76 = arith.constant 0 : i32
      %dma_start3A_77 = arith.constant 0 : i32
      %dma_start3A_78 = tpu.memref_slice %arg12[%dma_start3A_76, %dma_start3A_77] : memref<64x72xf32, #tpu.memory_space<vmem>> -> memref<50x72xf32, #tpu.memory_space<vmem>>
      %dma_start3A_79 = arith.constant 0 : i32
      %dma_start3A_80 = tpu.memref_slice %arg13[%add3A_43, %dma_start3A_79] : memref<10016x72xf32, #tpu.memory_space<vmem_shared>> -> memref<50x72xf32, #tpu.memory_space<vmem_shared>>
      %dma_start3A_81 = arith.constant 0 : i32
      %dma_start3A_82 = tpu.memref_slice %arg13[%add3A_43, %dma_start3A_81] : memref<10016x72xf32, #tpu.memory_space<vmem_shared>> -> memref<50x72xf32, #tpu.memory_space<vmem_shared>>
      %dma_start3A_83 = arith.constant 0 : i32
      %dma_start3A_84 = arith.constant 0 : i32
      %dma_start3A_85 = tpu.memref_slice %arg12[%dma_start3A_83, %dma_start3A_84] : memref<64x72xf32, #tpu.memory_space<vmem>> -> memref<50x72xf32, #tpu.memory_space<vmem>>
      tpu.enqueue_dma source(%dma_start3A_85 : memref<50x72xf32, #tpu.memory_space<vmem>>) target(%dma_start3A_82 : memref<50x72xf32, #tpu.memory_space<vmem_shared>>) target_semaphore(%run_scoped3A : memref<!tpu.dma_semaphore, #tpu.memory_space<semaphore_mem>>)
      %dma_wait3A = arith.constant 0 : i32
      %dma_wait3A_86 = arith.constant 0 : i32
      %dma_wait3A_87 = tpu.memref_slice %arg12[%dma_wait3A, %dma_wait3A_86] : memref<64x72xf32, #tpu.memory_space<vmem>> -> memref<50x72xf32, #tpu.memory_space<vmem>>
      %dma_wait3A_88 = arith.constant 0 : i32
      %dma_wait3A_89 = tpu.memref_slice %arg13[%add3A_43, %dma_wait3A_88] : memref<10016x72xf32, #tpu.memory_space<vmem_shared>> -> memref<50x72xf32, #tpu.memory_space<vmem_shared>>
      %dma_wait3A_90 = arith.constant 0 : i32
      %dma_wait3A_91 = tpu.memref_slice %arg13[%add3A_43, %dma_wait3A_90] : memref<10016x72xf32, #tpu.memory_space<vmem_shared>> -> memref<50x72xf32, #tpu.memory_space<vmem_shared>>
      %dma_wait3A_92 = arith.constant 0 : i32
      %dma_wait3A_93 = arith.constant 0 : i32
      %dma_wait3A_94 = tpu.memref_slice %arg12[%dma_wait3A_92, %dma_wait3A_93] : memref<64x72xf32, #tpu.memory_space<vmem>> -> memref<50x72xf32, #tpu.memory_space<vmem>>
      tpu.wait_dma2 semaphore(%run_scoped3A : memref<!tpu.dma_semaphore, #tpu.memory_space<semaphore_mem>>) src(%dma_wait3A_94 : memref<50x72xf32, #tpu.memory_space<vmem>>) dst(%dma_wait3A_91 : memref<50x72xf32, #tpu.memory_space<vmem_shared>>)
      tpu.yield
    }) : () -> ()
    %barrier3A = arith.constant 0 : index
    tpu.barrier barrier_id(%barrier3A)
    %dma_start3A = arith.constant 0 : i32
    %dma_start3A_44 = arith.constant 0 : i32
    %dma_start3A_45 = tpu.memref_slice %arg7[%dma_start3A, %dma_start3A_44] : memref<316x64xi32, #tpu.memory_space<vmem>> -> memref<1x64xi32, #tpu.memory_space<vmem>>
    %dma_start3A_46 = tpu.memref_squeeze %dma_start3A_45 : memref<1x64xi32, #tpu.memory_space<vmem>> -> memref<64xi32, #tpu.memory_space<vmem>>
    %dma_start3A_47 = arith.constant 0 : i32
    %dma_start3A_48 = arith.constant 0 : i32
    %dma_start3A_49 = tpu.memref_slice %arg2[%arg0, %dma_start3A_47, %dma_start3A_48] : memref<2x10000x128xf32, #tpu.memory_space<hbm>> -> memref<1x10000x128xf32, #tpu.memory_space<hbm>>
    %dma_start3A_50 = tpu.memref_squeeze %dma_start3A_49 : memref<1x10000x128xf32, #tpu.memory_space<hbm>> -> memref<10000x128xf32, #tpu.memory_space<hbm>>
    %dma_start3A_51 = arith.constant 0 : i32
    %dma_start3A_52 = arith.constant 0 : i32
    %dma_start3A_53 = tpu.memref_slice %dma_start3A_50[%dma_start3A_51, %dma_start3A_52] : memref<10000x128xf32, #tpu.memory_space<hbm>> -> memref<10000x128xf32, #tpu.memory_space<hbm>>
    tpu.enqueue_indirect_dma source(%dma_start3A_53 : memref<10000x128xf32, #tpu.memory_space<hbm>>) target(%arg9 : memref<64x128xf32, #tpu.memory_space<vmem>>) offsets(%dma_start3A_46 : memref<64xi32, #tpu.memory_space<vmem>>) semaphore(%arg14 : memref<!tpu.dma_semaphore, #tpu.memory_space<semaphore_mem>>)
    %dma_start3A_54 = arith.constant 0 : i32
    %dma_start3A_55 = arith.constant 0 : i32
    %dma_start3A_56 = tpu.memref_slice %arg8[%dma_start3A_54, %dma_start3A_55] : memref<316x64xi32, #tpu.memory_space<vmem>> -> memref<1x64xi32, #tpu.memory_space<vmem>>
    %dma_start3A_57 = tpu.memref_squeeze %dma_start3A_56 : memref<1x64xi32, #tpu.memory_space<vmem>> -> memref<64xi32, #tpu.memory_space<vmem>>
    %dma_start3A_58 = arith.constant 0 : i32
    %dma_start3A_59 = arith.constant 0 : i32
    %dma_start3A_60 = tpu.memref_slice %arg3[%arg0, %dma_start3A_58, %dma_start3A_59] : memref<2x10016x64xf32, #tpu.memory_space<hbm>> -> memref<1x10016x64xf32, #tpu.memory_space<hbm>>
    %dma_start3A_61 = tpu.memref_squeeze %dma_start3A_60 : memref<1x10016x64xf32, #tpu.memory_space<hbm>> -> memref<10016x64xf32, #tpu.memory_space<hbm>>
    %dma_start3A_62 = arith.constant 0 : i32
    %dma_start3A_63 = arith.constant 0 : i32
    %dma_start3A_64 = tpu.memref_slice %dma_start3A_61[%dma_start3A_62, %dma_start3A_63] : memref<10016x64xf32, #tpu.memory_space<hbm>> -> memref<10016x64xf32, #tpu.memory_space<hbm>>
    tpu.enqueue_indirect_dma source(%dma_start3A_64 : memref<10016x64xf32, #tpu.memory_space<hbm>>) target(%arg11 : memref<64x64xf32, #tpu.memory_space<vmem>>) offsets(%dma_start3A_57 : memref<64xi32, #tpu.memory_space<vmem>>) semaphore(%arg16 : memref<!tpu.dma_semaphore, #tpu.memory_space<semaphore_mem>>)
    %scan3A_65 = arith.constant 0 : i32
    %scan3A_66 = arith.constant 0 : i32
    %scan3A_67 = arith.constant 158 : i32
    %scan3A_68 = arith.addi %scan3A_66, %scan3A_67 : i32
    %scan3A_69 = arith.constant 1 : i32
    scf.for %scan3A_76 = %scan3A_66 to %scan3A_68 step %scan3A_69  : i32 {
      %mul3A_77 = arith.constant 2 : i32
      %mul3A_78 = arith.muli %mul3A_77, %scan3A_76 : i32
      %add3A_79 = arith.constant 1 : i32
      %add3A_80 = arith.addi %mul3A_78, %add3A_79 : i32
      %dma_wait3A = arith.constant 0 : i32
      %dma_wait3A_81 = tpu.memref_slice %arg7[%mul3A_78, %dma_wait3A] : memref<316x64xi32, #tpu.memory_space<vmem>> -> memref<1x64xi32, #tpu.memory_space<vmem>>
      %dma_wait3A_82 = tpu.memref_squeeze %dma_wait3A_81 : memref<1x64xi32, #tpu.memory_space<vmem>> -> memref<64xi32, #tpu.memory_space<vmem>>
      %dma_wait3A_83 = arith.constant 0 : i32
      %dma_wait3A_84 = arith.constant 0 : i32
      %dma_wait3A_85 = tpu.memref_slice %arg2[%arg0, %dma_wait3A_83, %dma_wait3A_84] : memref<2x10000x128xf32, #tpu.memory_space<hbm>> -> memref<1x10000x128xf32, #tpu.memory_space<hbm>>
      %dma_wait3A_86 = tpu.memref_squeeze %dma_wait3A_85 : memref<1x10000x128xf32, #tpu.memory_space<hbm>> -> memref<10000x128xf32, #tpu.memory_space<hbm>>
      %dma_wait3A_87 = arith.constant 0 : i32
      %dma_wait3A_88 = arith.constant 0 : i32
      %dma_wait3A_89 = tpu.memref_slice %dma_wait3A_86[%dma_wait3A_87, %dma_wait3A_88] : memref<10000x128xf32, #tpu.memory_space<hbm>> -> memref<10000x128xf32, #tpu.memory_space<hbm>>
      tpu.wait_indirect_dma semaphore(%arg14 : memref<!tpu.dma_semaphore, #tpu.memory_space<semaphore_mem>>) src(%dma_wait3A_89 : memref<10000x128xf32, #tpu.memory_space<hbm>>) dst(%arg9 : memref<64x128xf32, #tpu.memory_space<vmem>>)
      %dma_wait3A_90 = arith.constant 0 : i32
      %dma_wait3A_91 = tpu.memref_slice %arg8[%mul3A_78, %dma_wait3A_90] : memref<316x64xi32, #tpu.memory_space<vmem>> -> memref<1x64xi32, #tpu.memory_space<vmem>>
      %dma_wait3A_92 = tpu.memref_squeeze %dma_wait3A_91 : memref<1x64xi32, #tpu.memory_space<vmem>> -> memref<64xi32, #tpu.memory_space<vmem>>
      %dma_wait3A_93 = arith.constant 0 : i32
      %dma_wait3A_94 = arith.constant 0 : i32
      %dma_wait3A_95 = tpu.memref_slice %arg3[%arg0, %dma_wait3A_93, %dma_wait3A_94] : memref<2x10016x64xf32, #tpu.memory_space<hbm>> -> memref<1x10016x64xf32, #tpu.memory_space<hbm>>
      %dma_wait3A_96 = tpu.memref_squeeze %dma_wait3A_95 : memref<1x10016x64xf32, #tpu.memory_space<hbm>> -> memref<10016x64xf32, #tpu.memory_space<hbm>>
      %dma_wait3A_97 = arith.constant 0 : i32
      %dma_wait3A_98 = arith.constant 0 : i32
      %dma_wait3A_99 = tpu.memref_slice %dma_wait3A_96[%dma_wait3A_97, %dma_wait3A_98] : memref<10016x64xf32, #tpu.memory_space<hbm>> -> memref<10016x64xf32, #tpu.memory_space<hbm>>
      tpu.wait_indirect_dma semaphore(%arg16 : memref<!tpu.dma_semaphore, #tpu.memory_space<semaphore_mem>>) src(%dma_wait3A_99 : memref<10016x64xf32, #tpu.memory_space<hbm>>) dst(%arg11 : memref<64x64xf32, #tpu.memory_space<vmem>>)
      %dma_start3A_100 = arith.constant 0 : i32
      %dma_start3A_101 = tpu.memref_slice %arg7[%add3A_80, %dma_start3A_100] : memref<316x64xi32, #tpu.memory_space<vmem>> -> memref<1x64xi32, #tpu.memory_space<vmem>>
      %dma_start3A_102 = tpu.memref_squeeze %dma_start3A_101 : memref<1x64xi32, #tpu.memory_space<vmem>> -> memref<64xi32, #tpu.memory_space<vmem>>
      %dma_start3A_103 = arith.constant 0 : i32
      %dma_start3A_104 = arith.constant 0 : i32
      %dma_start3A_105 = tpu.memref_slice %arg2[%arg0, %dma_start3A_103, %dma_start3A_104] : memref<2x10000x128xf32, #tpu.memory_space<hbm>> -> memref<1x10000x128xf32, #tpu.memory_space<hbm>>
      %dma_start3A_106 = tpu.memref_squeeze %dma_start3A_105 : memref<1x10000x128xf32, #tpu.memory_space<hbm>> -> memref<10000x128xf32, #tpu.memory_space<hbm>>
      %dma_start3A_107 = arith.constant 0 : i32
      %dma_start3A_108 = arith.constant 0 : i32
      %dma_start3A_109 = tpu.memref_slice %dma_start3A_106[%dma_start3A_107, %dma_start3A_108] : memref<10000x128xf32, #tpu.memory_space<hbm>> -> memref<10000x128xf32, #tpu.memory_space<hbm>>
      tpu.enqueue_indirect_dma source(%dma_start3A_109 : memref<10000x128xf32, #tpu.memory_space<hbm>>) target(%arg10 : memref<64x128xf32, #tpu.memory_space<vmem>>) offsets(%dma_start3A_102 : memref<64xi32, #tpu.memory_space<vmem>>) semaphore(%arg15 : memref<!tpu.dma_semaphore, #tpu.memory_space<semaphore_mem>>)
      %scan3A_110 = arith.constant 0 : i32
      %scan3A_111 = arith.constant 0 : i32
      %scan3A_112 = arith.constant 16 : i32
      %scan3A_113 = arith.addi %scan3A_111, %scan3A_112 : i32
      %scan3A_114 = arith.constant 1 : i32
      scf.for %scan3A_163 = %scan3A_111 to %scan3A_113 step %scan3A_114  : i32 {
        %mul3A_164 = arith.constant 4 : i32
        %mul3A_165 = arith.muli %mul3A_164, %scan3A_163 : i32
        %broadcast_in_dim3A_166 = arith.constant 0.000000e+00 : f32
        %broadcast_in_dim3A_167 = vector.broadcast %broadcast_in_dim3A_166 : f32 to vector<16xf32>
        %get3A = arith.index_cast %mul3A_165 : i32 to index
        %get3A_168 = arith.constant 0 : index
        %get3A_169 = tpu.vector_load %arg9[%get3A, %get3A_168] {strides = array<i32>} : memref<64x128xf32, #tpu.memory_space<vmem>>, vector<16xf32>,
        %get3A_170 = arith.index_cast %mul3A_165 : i32 to index
        %get3A_171 = arith.constant 0 : index
        %get3A_172 = tpu.vector_load %arg11[%get3A_170, %get3A_171] {strides = array<i32>} : memref<64x64xf32, #tpu.memory_space<vmem>>, vector<16xf32>,
        %mul3A_173 = arith.mulf %get3A_169, %get3A_172 : vector<16xf32>
        %reduce_sum3A = arith.constant true
        %reduce_sum3A_174 = vector.broadcast %reduce_sum3A : i1 to vector<16xi1>
        %reduce_sum3A_175 = tpu.scan <sum>, %mul3A_173 masked %reduce_sum3A_174 : vector<16xf32>, vector<16xi1> -> vector<16xf32>
        %reduce_sum3A_176 = vector.extract %reduce_sum3A_175[15] : f32 from vector<16xf32>
        %broadcast_in_dim3A_177 = vector.broadcast %reduce_sum3A_176 : f32 to vector<16xf32>
        %exp3A = math.exp %broadcast_in_dim3A_177 : vector<16xf32>
        %eq3A = arith.constant 0 : i32
        %eq3A_178 = vector.broadcast %eq3A : i32 to vector<16xi32>
        %eq3A_179 = arith.cmpi eq, %iota3A, %eq3A_178 : vector<16xi32>
        %select_n3A = arith.select %eq3A_179, %exp3A, %broadcast_in_dim3A_167 : vector<16xi1>, vector<16xf32>
        %get3A_180 = arith.index_cast %mul3A_165 : i32 to index
        %get3A_181 = arith.constant 16 : index
        %get3A_182 = tpu.vector_load %arg9[%get3A_180, %get3A_181] {strides = array<i32>} : memref<64x128xf32, #tpu.memory_space<vmem>>, vector<16xf32>,
        %get3A_183 = arith.index_cast %mul3A_165 : i32 to index
        %get3A_184 = arith.constant 16 : index
        %get3A_185 = tpu.vector_load %arg11[%get3A_183, %get3A_184] {strides = array<i32>} : memref<64x64xf32, #tpu.memory_space<vmem>>, vector<16xf32>,
        %mul3A_186 = arith.mulf %get3A_182, %get3A_185 : vector<16xf32>
        %reduce_sum3A_187 = arith.constant true
        %reduce_sum3A_188 = vector.broadcast %reduce_sum3A_187 : i1 to vector<16xi1>
        %reduce_sum3A_189 = tpu.scan <sum>, %mul3A_186 masked %reduce_sum3A_188 : vector<16xf32>, vector<16xi1> -> vector<16xf32>
        %reduce_sum3A_190 = vector.extract %reduce_sum3A_189[15] : f32 from vector<16xf32>
        %broadcast_in_dim3A_191 = vector.broadcast %reduce_sum3A_190 : f32 to vector<16xf32>
        %exp3A_192 = math.exp %broadcast_in_dim3A_191 : vector<16xf32>
        %eq3A_193 = arith.constant 1 : i32
        %eq3A_194 = vector.broadcast %eq3A_193 : i32 to vector<16xi32>
        %eq3A_195 = arith.cmpi eq, %iota3A, %eq3A_194 : vector<16xi32>
        %select_n3A_196 = arith.select %eq3A_195, %exp3A_192, %select_n3A : vector<16xi1>, vector<16xf32>
        %get3A_197 = arith.index_cast %mul3A_165 : i32 to index
        %get3A_198 = arith.constant 32 : index
        %get3A_199 = tpu.vector_load %arg9[%get3A_197, %get3A_198] {strides = array<i32>} : memref<64x128xf32, #tpu.memory_space<vmem>>, vector<16xf32>,
        %get3A_200 = arith.index_cast %mul3A_165 : i32 to index
        %get3A_201 = arith.constant 32 : index
        %get3A_202 = tpu.vector_load %arg11[%get3A_200, %get3A_201] {strides = array<i32>} : memref<64x64xf32, #tpu.memory_space<vmem>>, vector<16xf32>,
        %mul3A_203 = arith.mulf %get3A_199, %get3A_202 : vector<16xf32>
        %reduce_sum3A_204 = arith.constant true
        %reduce_sum3A_205 = vector.broadcast %reduce_sum3A_204 : i1 to vector<16xi1>
        %reduce_sum3A_206 = tpu.scan <sum>, %mul3A_203 masked %reduce_sum3A_205 : vector<16xf32>, vector<16xi1> -> vector<16xf32>
        %reduce_sum3A_207 = vector.extract %reduce_sum3A_206[15] : f32 from vector<16xf32>
        %broadcast_in_dim3A_208 = vector.broadcast %reduce_sum3A_207 : f32 to vector<16xf32>
        %exp3A_209 = math.exp %broadcast_in_dim3A_208 : vector<16xf32>
        %eq3A_210 = arith.constant 2 : i32
        %eq3A_211 = vector.broadcast %eq3A_210 : i32 to vector<16xi32>
        %eq3A_212 = arith.cmpi eq, %iota3A, %eq3A_211 : vector<16xi32>
        %select_n3A_213 = arith.select %eq3A_212, %exp3A_209, %select_n3A_196 : vector<16xi1>, vector<16xf32>
        %get3A_214 = arith.index_cast %mul3A_165 : i32 to index
        %get3A_215 = arith.constant 48 : index
        %get3A_216 = tpu.vector_load %arg9[%get3A_214, %get3A_215] {strides = array<i32>} : memref<64x128xf32, #tpu.memory_space<vmem>>, vector<16xf32>,
        %get3A_217 = arith.index_cast %mul3A_165 : i32 to index
        %get3A_218 = arith.constant 48 : index
        %get3A_219 = tpu.vector_load %arg11[%get3A_217, %get3A_218] {strides = array<i32>} : memref<64x64xf32, #tpu.memory_space<vmem>>, vector<16xf32>,
        %mul3A_220 = arith.mulf %get3A_216, %get3A_219 : vector<16xf32>
        %reduce_sum3A_221 = arith.constant true
        %reduce_sum3A_222 = vector.broadcast %reduce_sum3A_221 : i1 to vector<16xi1>
        %reduce_sum3A_223 = tpu.scan <sum>, %mul3A_220 masked %reduce_sum3A_222 : vector<16xf32>, vector<16xi1> -> vector<16xf32>
        %reduce_sum3A_224 = vector.extract %reduce_sum3A_223[15] : f32 from vector<16xf32>
        %broadcast_in_dim3A_225 = vector.broadcast %reduce_sum3A_224 : f32 to vector<16xf32>
        %exp3A_226 = math.exp %broadcast_in_dim3A_225 : vector<16xf32>
        %eq3A_227 = arith.constant 3 : i32
        %eq3A_228 = vector.broadcast %eq3A_227 : i32 to vector<16xi32>
        %eq3A_229 = arith.cmpi eq, %iota3A, %eq3A_228 : vector<16xi32>
        %select_n3A_230 = arith.select %eq3A_229, %exp3A_226, %select_n3A_213 : vector<16xi1>, vector<16xf32>
        %broadcast_in_dim3A_231 = vector.broadcast %mul3A_165 : i32 to vector<16xi32>
        %lt3A_232 = arith.constant 8 : i32
        %lt3A_233 = vector.broadcast %lt3A_232 : i32 to vector<16xi32>
        %lt3A_234 = arith.cmpi slt, %iota3A, %lt3A_233 : vector<16xi32>
        tpu.vector_store_idx %arg12[%broadcast_in_dim3A_231, %iota3A], %select_n3A_230 masked %lt3A_234 : memref<64x72xf32, #tpu.memory_space<vmem>>[vector<16xi32>, vector<16xi32>], vector<16xf32>, vector<16xi1>
        %get3A_235 = arith.index_cast %mul3A_165 : i32 to index
        %get3A_236 = arith.constant 64 : index
        %get3A_237 = tpu.vector_load %arg9[%get3A_235, %get3A_236] {strides = array<i32>} : memref<64x128xf32, #tpu.memory_space<vmem>>, vector<16xf32>,
        %mul3A_238 = arith.mulf %get3A_237, %exp3A : vector<16xf32>
        %swap3A = arith.index_cast %mul3A_165 : i32 to index
        %swap3A_239 = arith.constant 8 : index
        %swap3A_240 = tpu.vector_load %arg12[%swap3A, %swap3A_239] {strides = array<i32>} : memref<64x72xf32, #tpu.memory_space<vmem>>, vector<16xf32>,
        tpu.vector_store %arg12[%swap3A, %swap3A_239], %mul3A_238 {strides = array<i32>} : memref<64x72xf32, #tpu.memory_space<vmem>>, vector<16xf32>,
        %get3A_241 = arith.index_cast %mul3A_165 : i32 to index
        %get3A_242 = arith.constant 80 : index
        %get3A_243 = tpu.vector_load %arg9[%get3A_241, %get3A_242] {strides = array<i32>} : memref<64x128xf32, #tpu.memory_space<vmem>>, vector<16xf32>,
        %mul3A_244 = arith.mulf %get3A_243, %exp3A_192 : vector<16xf32>
        %swap3A_245 = arith.index_cast %mul3A_165 : i32 to index
        %swap3A_246 = arith.constant 24 : index
        %swap3A_247 = tpu.vector_load %arg12[%swap3A_245, %swap3A_246] {strides = array<i32>} : memref<64x72xf32, #tpu.memory_space<vmem>>, vector<16xf32>,
        tpu.vector_store %arg12[%swap3A_245, %swap3A_246], %mul3A_244 {strides = array<i32>} : memref<64x72xf32, #tpu.memory_space<vmem>>, vector<16xf32>,
        %get3A_248 = arith.index_cast %mul3A_165 : i32 to index
        %get3A_249 = arith.constant 96 : index
        %get3A_250 = tpu.vector_load %arg9[%get3A_248, %get3A_249] {strides = array<i32>} : memref<64x128xf32, #tpu.memory_space<vmem>>, vector<16xf32>,
        %mul3A_251 = arith.mulf %get3A_250, %exp3A_209 : vector<16xf32>
        %swap3A_252 = arith.index_cast %mul3A_165 : i32 to index
        %swap3A_253 = arith.constant 40 : index
        %swap3A_254 = tpu.vector_load %arg12[%swap3A_252, %swap3A_253] {strides = array<i32>} : memref<64x72xf32, #tpu.memory_space<vmem>>, vector<16xf32>,
        tpu.vector_store %arg12[%swap3A_252, %swap3A_253], %mul3A_251 {strides = array<i32>} : memref<64x72xf32, #tpu.memory_space<vmem>>, vector<16xf32>,
        %get3A_255 = arith.index_cast %mul3A_165 : i32 to index
        %get3A_256 = arith.constant 112 : index
        %get3A_257 = tpu.vector_load %arg9[%get3A_255, %get3A_256] {strides = array<i32>} : memref<64x128xf32, #tpu.memory_space<vmem>>, vector<16xf32>,
        %mul3A_258 = arith.mulf %get3A_257, %exp3A_226 : vector<16xf32>
        %swap3A_259 = arith.index_cast %mul3A_165 : i32 to index
        %swap3A_260 = arith.constant 56 : index
        %swap3A_261 = tpu.vector_load %arg12[%swap3A_259, %swap3A_260] {strides = array<i32>} : memref<64x72xf32, #tpu.memory_space<vmem>>, vector<16xf32>,
        tpu.vector_store %arg12[%swap3A_259, %swap3A_260], %mul3A_258 {strides = array<i32>} : memref<64x72xf32, #tpu.memory_space<vmem>>, vector<16xf32>,
        %mul3A_262 = arith.constant 4 : i32
        %mul3A_263 = arith.muli %mul3A_262, %scan3A_163 : i32
        %add3A_264 = arith.constant 1 : i32
        %add3A_265 = arith.addi %mul3A_263, %add3A_264 : i32
        %broadcast_in_dim3A_266 = arith.constant 0.000000e+00 : f32
        %broadcast_in_dim3A_267 = vector.broadcast %broadcast_in_dim3A_266 : f32 to vector<16xf32>
        %get3A_268 = arith.index_cast %add3A_265 : i32 to index
        %get3A_269 = arith.constant 0 : index
        %get3A_270 = tpu.vector_load %arg9[%get3A_268, %get3A_269] {strides = array<i32>} : memref<64x128xf32, #tpu.memory_space<vmem>>, vector<16xf32>,
        %get3A_271 = arith.index_cast %add3A_265 : i32 to index
        %get3A_272 = arith.constant 0 : index
        %get3A_273 = tpu.vector_load %arg11[%get3A_271, %get3A_272] {strides = array<i32>} : memref<64x64xf32, #tpu.memory_space<vmem>>, vector<16xf32>,
        %mul3A_274 = arith.mulf %get3A_270, %get3A_273 : vector<16xf32>
        %reduce_sum3A_275 = arith.constant true
        %reduce_sum3A_276 = vector.broadcast %reduce_sum3A_275 : i1 to vector<16xi1>
        %reduce_sum3A_277 = tpu.scan <sum>, %mul3A_274 masked %reduce_sum3A_276 : vector<16xf32>, vector<16xi1> -> vector<16xf32>
        %reduce_sum3A_278 = vector.extract %reduce_sum3A_277[15] : f32 from vector<16xf32>
        %broadcast_in_dim3A_279 = vector.broadcast %reduce_sum3A_278 : f32 to vector<16xf32>
        %exp3A_280 = math.exp %broadcast_in_dim3A_279 : vector<16xf32>
        %eq3A_281 = arith.constant 0 : i32
        %eq3A_282 = vector.broadcast %eq3A_281 : i32 to vector<16xi32>
        %eq3A_283 = arith.cmpi eq, %iota3A, %eq3A_282 : vector<16xi32>
        %select_n3A_284 = arith.select %eq3A_283, %exp3A_280, %broadcast_in_dim3A_267 : vector<16xi1>, vector<16xf32>
        %get3A_285 = arith.index_cast %add3A_265 : i32 to index
        %get3A_286 = arith.constant 16 : index
        %get3A_287 = tpu.vector_load %arg9[%get3A_285, %get3A_286] {strides = array<i32>} : memref<64x128xf32, #tpu.memory_space<vmem>>, vector<16xf32>,
        %get3A_288 = arith.index_cast %add3A_265 : i32 to index
        %get3A_289 = arith.constant 16 : index
        %get3A_290 = tpu.vector_load %arg11[%get3A_288, %get3A_289] {strides = array<i32>} : memref<64x64xf32, #tpu.memory_space<vmem>>, vector<16xf32>,
        %mul3A_291 = arith.mulf %get3A_287, %get3A_290 : vector<16xf32>
        %reduce_sum3A_292 = arith.constant true
        %reduce_sum3A_293 = vector.broadcast %reduce_sum3A_292 : i1 to vector<16xi1>
        %reduce_sum3A_294 = tpu.scan <sum>, %mul3A_291 masked %reduce_sum3A_293 : vector<16xf32>, vector<16xi1> -> vector<16xf32>
        %reduce_sum3A_295 = vector.extract %reduce_sum3A_294[15] : f32 from vector<16xf32>
        %broadcast_in_dim3A_296 = vector.broadcast %reduce_sum3A_295 : f32 to vector<16xf32>
        %exp3A_297 = math.exp %broadcast_in_dim3A_296 : vector<16xf32>
        %eq3A_298 = arith.constant 1 : i32
        %eq3A_299 = vector.broadcast %eq3A_298 : i32 to vector<16xi32>
        %eq3A_300 = arith.cmpi eq, %iota3A, %eq3A_299 : vector<16xi32>
        %select_n3A_301 = arith.select %eq3A_300, %exp3A_297, %select_n3A_284 : vector<16xi1>, vector<16xf32>
        %get3A_302 = arith.index_cast %add3A_265 : i32 to index
        %get3A_303 = arith.constant 32 : index
        %get3A_304 = tpu.vector_load %arg9[%get3A_302, %get3A_303] {strides = array<i32>} : memref<64x128xf32, #tpu.memory_space<vmem>>, vector<16xf32>,
        %get3A_305 = arith.index_cast %add3A_265 : i32 to index
        %get3A_306 = arith.constant 32 : index
        %get3A_307 = tpu.vector_load %arg11[%get3A_305, %get3A_306] {strides = array<i32>} : memref<64x64xf32, #tpu.memory_space<vmem>>, vector<16xf32>,
        %mul3A_308 = arith.mulf %get3A_304, %get3A_307 : vector<16xf32>
        %reduce_sum3A_309 = arith.constant true
        %reduce_sum3A_310 = vector.broadcast %reduce_sum3A_309 : i1 to vector<16xi1>
        %reduce_sum3A_311 = tpu.scan <sum>, %mul3A_308 masked %reduce_sum3A_310 : vector<16xf32>, vector<16xi1> -> vector<16xf32>
        %reduce_sum3A_312 = vector.extract %reduce_sum3A_311[15] : f32 from vector<16xf32>
        %broadcast_in_dim3A_313 = vector.broadcast %reduce_sum3A_312 : f32 to vector<16xf32>
        %exp3A_314 = math.exp %broadcast_in_dim3A_313 : vector<16xf32>
        %eq3A_315 = arith.constant 2 : i32
        %eq3A_316 = vector.broadcast %eq3A_315 : i32 to vector<16xi32>
        %eq3A_317 = arith.cmpi eq, %iota3A, %eq3A_316 : vector<16xi32>
        %select_n3A_318 = arith.select %eq3A_317, %exp3A_314, %select_n3A_301 : vector<16xi1>, vector<16xf32>
        %get3A_319 = arith.index_cast %add3A_265 : i32 to index
        %get3A_320 = arith.constant 48 : index
        %get3A_321 = tpu.vector_load %arg9[%get3A_319, %get3A_320] {strides = array<i32>} : memref<64x128xf32, #tpu.memory_space<vmem>>, vector<16xf32>,
        %get3A_322 = arith.index_cast %add3A_265 : i32 to index
        %get3A_323 = arith.constant 48 : index
        %get3A_324 = tpu.vector_load %arg11[%get3A_322, %get3A_323] {strides = array<i32>} : memref<64x64xf32, #tpu.memory_space<vmem>>, vector<16xf32>,
        %mul3A_325 = arith.mulf %get3A_321, %get3A_324 : vector<16xf32>
        %reduce_sum3A_326 = arith.constant true
        %reduce_sum3A_327 = vector.broadcast %reduce_sum3A_326 : i1 to vector<16xi1>
        %reduce_sum3A_328 = tpu.scan <sum>, %mul3A_325 masked %reduce_sum3A_327 : vector<16xf32>, vector<16xi1> -> vector<16xf32>
        %reduce_sum3A_329 = vector.extract %reduce_sum3A_328[15] : f32 from vector<16xf32>
        %broadcast_in_dim3A_330 = vector.broadcast %reduce_sum3A_329 : f32 to vector<16xf32>
        %exp3A_331 = math.exp %broadcast_in_dim3A_330 : vector<16xf32>
        %eq3A_332 = arith.constant 3 : i32
        %eq3A_333 = vector.broadcast %eq3A_332 : i32 to vector<16xi32>
        %eq3A_334 = arith.cmpi eq, %iota3A, %eq3A_333 : vector<16xi32>
        %select_n3A_335 = arith.select %eq3A_334, %exp3A_331, %select_n3A_318 : vector<16xi1>, vector<16xf32>
        %broadcast_in_dim3A_336 = vector.broadcast %add3A_265 : i32 to vector<16xi32>
        %lt3A_337 = arith.constant 8 : i32
        %lt3A_338 = vector.broadcast %lt3A_337 : i32 to vector<16xi32>
        %lt3A_339 = arith.cmpi slt, %iota3A, %lt3A_338 : vector<16xi32>
        tpu.vector_store_idx %arg12[%broadcast_in_dim3A_336, %iota3A], %select_n3A_335 masked %lt3A_339 : memref<64x72xf32, #tpu.memory_space<vmem>>[vector<16xi32>, vector<16xi32>], vector<16xf32>, vector<16xi1>
        %get3A_340 = arith.index_cast %add3A_265 : i32 to index
        %get3A_341 = arith.constant 64 : index
        %get3A_342 = tpu.vector_load %arg9[%get3A_340, %get3A_341] {strides = array<i32>} : memref<64x128xf32, #tpu.memory_space<vmem>>, vector<16xf32>,
        %mul3A_343 = arith.mulf %get3A_342, %exp3A_280 : vector<16xf32>
        %swap3A_344 = arith.index_cast %add3A_265 : i32 to index
        %swap3A_345 = arith.constant 8 : index
        %swap3A_346 = tpu.vector_load %arg12[%swap3A_344, %swap3A_345] {strides = array<i32>} : memref<64x72xf32, #tpu.memory_space<vmem>>, vector<16xf32>,
        tpu.vector_store %arg12[%swap3A_344, %swap3A_345], %mul3A_343 {strides = array<i32>} : memref<64x72xf32, #tpu.memory_space<vmem>>, vector<16xf32>,
        %get3A_347 = arith.index_cast %add3A_265 : i32 to index
        %get3A_348 = arith.constant 80 : index
        %get3A_349 = tpu.vector_load %arg9[%get3A_347, %get3A_348] {strides = array<i32>} : memref<64x128xf32, #tpu.memory_space<vmem>>, vector<16xf32>,
        %mul3A_350 = arith.mulf %get3A_349, %exp3A_297 : vector<16xf32>
        %swap3A_351 = arith.index_cast %add3A_265 : i32 to index
        %swap3A_352 = arith.constant 24 : index
        %swap3A_353 = tpu.vector_load %arg12[%swap3A_351, %swap3A_352] {strides = array<i32>} : memref<64x72xf32, #tpu.memory_space<vmem>>, vector<16xf32>,
        tpu.vector_store %arg12[%swap3A_351, %swap3A_352], %mul3A_350 {strides = array<i32>} : memref<64x72xf32, #tpu.memory_space<vmem>>, vector<16xf32>,
        %get3A_354 = arith.index_cast %add3A_265 : i32 to index
        %get3A_355 = arith.constant 96 : index
        %get3A_356 = tpu.vector_load %arg9[%get3A_354, %get3A_355] {strides = array<i32>} : memref<64x128xf32, #tpu.memory_space<vmem>>, vector<16xf32>,
        %mul3A_357 = arith.mulf %get3A_356, %exp3A_314 : vector<16xf32>
        %swap3A_358 = arith.index_cast %add3A_265 : i32 to index
        %swap3A_359 = arith.constant 40 : index
        %swap3A_360 = tpu.vector_load %arg12[%swap3A_358, %swap3A_359] {strides = array<i32>} : memref<64x72xf32, #tpu.memory_space<vmem>>, vector<16xf32>,
        tpu.vector_store %arg12[%swap3A_358, %swap3A_359], %mul3A_357 {strides = array<i32>} : memref<64x72xf32, #tpu.memory_space<vmem>>, vector<16xf32>,
        %get3A_361 = arith.index_cast %add3A_265 : i32 to index
        %get3A_362 = arith.constant 112 : index
        %get3A_363 = tpu.vector_load %arg9[%get3A_361, %get3A_362] {strides = array<i32>} : memref<64x128xf32, #tpu.memory_space<vmem>>, vector<16xf32>,
        %mul3A_364 = arith.mulf %get3A_363, %exp3A_331 : vector<16xf32>
        %swap3A_365 = arith.index_cast %add3A_265 : i32 to index
        %swap3A_366 = arith.constant 56 : index
        %swap3A_367 = tpu.vector_load %arg12[%swap3A_365, %swap3A_366] {strides = array<i32>} : memref<64x72xf32, #tpu.memory_space<vmem>>, vector<16xf32>,
        tpu.vector_store %arg12[%swap3A_365, %swap3A_366], %mul3A_364 {strides = array<i32>} : memref<64x72xf32, #tpu.memory_space<vmem>>, vector<16xf32>,
        %mul3A_368 = arith.constant 4 : i32
        %mul3A_369 = arith.muli %mul3A_368, %scan3A_163 : i32
        %add3A_370 = arith.constant 2 : i32
        %add3A_371 = arith.addi %mul3A_369, %add3A_370 : i32
        %broadcast_in_dim3A_372 = arith.constant 0.000000e+00 : f32
        %broadcast_in_dim3A_373 = vector.broadcast %broadcast_in_dim3A_372 : f32 to vector<16xf32>
        %get3A_374 = arith.index_cast %add3A_371 : i32 to index
        %get3A_375 = arith.constant 0 : index
        %get3A_376 = tpu.vector_load %arg9[%get3A_374, %get3A_375] {strides = array<i32>} : memref<64x128xf32, #tpu.memory_space<vmem>>, vector<16xf32>,
        %get3A_377 = arith.index_cast %add3A_371 : i32 to index
        %get3A_378 = arith.constant 0 : index
        %get3A_379 = tpu.vector_load %arg11[%get3A_377, %get3A_378] {strides = array<i32>} : memref<64x64xf32, #tpu.memory_space<vmem>>, vector<16xf32>,
        %mul3A_380 = arith.mulf %get3A_376, %get3A_379 : vector<16xf32>
        %reduce_sum3A_381 = arith.constant true
        %reduce_sum3A_382 = vector.broadcast %reduce_sum3A_381 : i1 to vector<16xi1>
        %reduce_sum3A_383 = tpu.scan <sum>, %mul3A_380 masked %reduce_sum3A_382 : vector<16xf32>, vector<16xi1> -> vector<16xf32>
        %reduce_sum3A_384 = vector.extract %reduce_sum3A_383[15] : f32 from vector<16xf32>
        %broadcast_in_dim3A_385 = vector.broadcast %reduce_sum3A_384 : f32 to vector<16xf32>
        %exp3A_386 = math.exp %broadcast_in_dim3A_385 : vector<16xf32>
        %eq3A_387 = arith.constant 0 : i32
        %eq3A_388 = vector.broadcast %eq3A_387 : i32 to vector<16xi32>
        %eq3A_389 = arith.cmpi eq, %iota3A, %eq3A_388 : vector<16xi32>
        %select_n3A_390 = arith.select %eq3A_389, %exp3A_386, %broadcast_in_dim3A_373 : vector<16xi1>, vector<16xf32>
        %get3A_391 = arith.index_cast %add3A_371 : i32 to index
        %get3A_392 = arith.constant 16 : index
        %get3A_393 = tpu.vector_load %arg9[%get3A_391, %get3A_392] {strides = array<i32>} : memref<64x128xf32, #tpu.memory_space<vmem>>, vector<16xf32>,
        %get3A_394 = arith.index_cast %add3A_371 : i32 to index
        %get3A_395 = arith.constant 16 : index
        %get3A_396 = tpu.vector_load %arg11[%get3A_394, %get3A_395] {strides = array<i32>} : memref<64x64xf32, #tpu.memory_space<vmem>>, vector<16xf32>,
        %mul3A_397 = arith.mulf %get3A_393, %get3A_396 : vector<16xf32>
        %reduce_sum3A_398 = arith.constant true
        %reduce_sum3A_399 = vector.broadcast %reduce_sum3A_398 : i1 to vector<16xi1>
        %reduce_sum3A_400 = tpu.scan <sum>, %mul3A_397 masked %reduce_sum3A_399 : vector<16xf32>, vector<16xi1> -> vector<16xf32>
        %reduce_sum3A_401 = vector.extract %reduce_sum3A_400[15] : f32 from vector<16xf32>
        %broadcast_in_dim3A_402 = vector.broadcast %reduce_sum3A_401 : f32 to vector<16xf32>
        %exp3A_403 = math.exp %broadcast_in_dim3A_402 : vector<16xf32>
        %eq3A_404 = arith.constant 1 : i32
        %eq3A_405 = vector.broadcast %eq3A_404 : i32 to vector<16xi32>
        %eq3A_406 = arith.cmpi eq, %iota3A, %eq3A_405 : vector<16xi32>
        %select_n3A_407 = arith.select %eq3A_406, %exp3A_403, %select_n3A_390 : vector<16xi1>, vector<16xf32>
        %get3A_408 = arith.index_cast %add3A_371 : i32 to index
        %get3A_409 = arith.constant 32 : index
        %get3A_410 = tpu.vector_load %arg9[%get3A_408, %get3A_409] {strides = array<i32>} : memref<64x128xf32, #tpu.memory_space<vmem>>, vector<16xf32>,
        %get3A_411 = arith.index_cast %add3A_371 : i32 to index
        %get3A_412 = arith.constant 32 : index
        %get3A_413 = tpu.vector_load %arg11[%get3A_411, %get3A_412] {strides = array<i32>} : memref<64x64xf32, #tpu.memory_space<vmem>>, vector<16xf32>,
        %mul3A_414 = arith.mulf %get3A_410, %get3A_413 : vector<16xf32>
        %reduce_sum3A_415 = arith.constant true
        %reduce_sum3A_416 = vector.broadcast %reduce_sum3A_415 : i1 to vector<16xi1>
        %reduce_sum3A_417 = tpu.scan <sum>, %mul3A_414 masked %reduce_sum3A_416 : vector<16xf32>, vector<16xi1> -> vector<16xf32>
        %reduce_sum3A_418 = vector.extract %reduce_sum3A_417[15] : f32 from vector<16xf32>
        %broadcast_in_dim3A_419 = vector.broadcast %reduce_sum3A_418 : f32 to vector<16xf32>
        %exp3A_420 = math.exp %broadcast_in_dim3A_419 : vector<16xf32>
        %eq3A_421 = arith.constant 2 : i32
        %eq3A_422 = vector.broadcast %eq3A_421 : i32 to vector<16xi32>
        %eq3A_423 = arith.cmpi eq, %iota3A, %eq3A_422 : vector<16xi32>
        %select_n3A_424 = arith.select %eq3A_423, %exp3A_420, %select_n3A_407 : vector<16xi1>, vector<16xf32>
        %get3A_425 = arith.index_cast %add3A_371 : i32 to index
        %get3A_426 = arith.constant 48 : index
        %get3A_427 = tpu.vector_load %arg9[%get3A_425, %get3A_426] {strides = array<i32>} : memref<64x128xf32, #tpu.memory_space<vmem>>, vector<16xf32>,
        %get3A_428 = arith.index_cast %add3A_371 : i32 to index
        %get3A_429 = arith.constant 48 : index
        %get3A_430 = tpu.vector_load %arg11[%get3A_428, %get3A_429] {strides = array<i32>} : memref<64x64xf32, #tpu.memory_space<vmem>>, vector<16xf32>,
        %mul3A_431 = arith.mulf %get3A_427, %get3A_430 : vector<16xf32>
        %reduce_sum3A_432 = arith.constant true
        %reduce_sum3A_433 = vector.broadcast %reduce_sum3A_432 : i1 to vector<16xi1>
        %reduce_sum3A_434 = tpu.scan <sum>, %mul3A_431 masked %reduce_sum3A_433 : vector<16xf32>, vector<16xi1> -> vector<16xf32>
        %reduce_sum3A_435 = vector.extract %reduce_sum3A_434[15] : f32 from vector<16xf32>
        %broadcast_in_dim3A_436 = vector.broadcast %reduce_sum3A_435 : f32 to vector<16xf32>
        %exp3A_437 = math.exp %broadcast_in_dim3A_436 : vector<16xf32>
        %eq3A_438 = arith.constant 3 : i32
        %eq3A_439 = vector.broadcast %eq3A_438 : i32 to vector<16xi32>
        %eq3A_440 = arith.cmpi eq, %iota3A, %eq3A_439 : vector<16xi32>
        %select_n3A_441 = arith.select %eq3A_440, %exp3A_437, %select_n3A_424 : vector<16xi1>, vector<16xf32>
        %broadcast_in_dim3A_442 = vector.broadcast %add3A_371 : i32 to vector<16xi32>
        %lt3A_443 = arith.constant 8 : i32
        %lt3A_444 = vector.broadcast %lt3A_443 : i32 to vector<16xi32>
        %lt3A_445 = arith.cmpi slt, %iota3A, %lt3A_444 : vector<16xi32>
        tpu.vector_store_idx %arg12[%broadcast_in_dim3A_442, %iota3A], %select_n3A_441 masked %lt3A_445 : memref<64x72xf32, #tpu.memory_space<vmem>>[vector<16xi32>, vector<16xi32>], vector<16xf32>, vector<16xi1>
        %get3A_446 = arith.index_cast %add3A_371 : i32 to index
        %get3A_447 = arith.constant 64 : index
        %get3A_448 = tpu.vector_load %arg9[%get3A_446, %get3A_447] {strides = array<i32>} : memref<64x128xf32, #tpu.memory_space<vmem>>, vector<16xf32>,
        %mul3A_449 = arith.mulf %get3A_448, %exp3A_386 : vector<16xf32>
        %swap3A_450 = arith.index_cast %add3A_371 : i32 to index
        %swap3A_451 = arith.constant 8 : index
        %swap3A_452 = tpu.vector_load %arg12[%swap3A_450, %swap3A_451] {strides = array<i32>} : memref<64x72xf32, #tpu.memory_space<vmem>>, vector<16xf32>,
        tpu.vector_store %arg12[%swap3A_450, %swap3A_451], %mul3A_449 {strides = array<i32>} : memref<64x72xf32, #tpu.memory_space<vmem>>, vector<16xf32>,
        %get3A_453 = arith.index_cast %add3A_371 : i32 to index
        %get3A_454 = arith.constant 80 : index
        %get3A_455 = tpu.vector_load %arg9[%get3A_453, %get3A_454] {strides = array<i32>} : memref<64x128xf32, #tpu.memory_space<vmem>>, vector<16xf32>,
        %mul3A_456 = arith.mulf %get3A_455, %exp3A_403 : vector<16xf32>
        %swap3A_457 = arith.index_cast %add3A_371 : i32 to index
        %swap3A_458 = arith.constant 24 : index
        %swap3A_459 = tpu.vector_load %arg12[%swap3A_457, %swap3A_458] {strides = array<i32>} : memref<64x72xf32, #tpu.memory_space<vmem>>, vector<16xf32>,
        tpu.vector_store %arg12[%swap3A_457, %swap3A_458], %mul3A_456 {strides = array<i32>} : memref<64x72xf32, #tpu.memory_space<vmem>>, vector<16xf32>,
        %get3A_460 = arith.index_cast %add3A_371 : i32 to index
        %get3A_461 = arith.constant 96 : index
        %get3A_462 = tpu.vector_load %arg9[%get3A_460, %get3A_461] {strides = array<i32>} : memref<64x128xf32, #tpu.memory_space<vmem>>, vector<16xf32>,
        %mul3A_463 = arith.mulf %get3A_462, %exp3A_420 : vector<16xf32>
        %swap3A_464 = arith.index_cast %add3A_371 : i32 to index
        %swap3A_465 = arith.constant 40 : index
        %swap3A_466 = tpu.vector_load %arg12[%swap3A_464, %swap3A_465] {strides = array<i32>} : memref<64x72xf32, #tpu.memory_space<vmem>>, vector<16xf32>,
        tpu.vector_store %arg12[%swap3A_464, %swap3A_465], %mul3A_463 {strides = array<i32>} : memref<64x72xf32, #tpu.memory_space<vmem>>, vector<16xf32>,
        %get3A_467 = arith.index_cast %add3A_371 : i32 to index
        %get3A_468 = arith.constant 112 : index
        %get3A_469 = tpu.vector_load %arg9[%get3A_467, %get3A_468] {strides = array<i32>} : memref<64x128xf32, #tpu.memory_space<vmem>>, vector<16xf32>,
        %mul3A_470 = arith.mulf %get3A_469, %exp3A_437 : vector<16xf32>
        %swap3A_471 = arith.index_cast %add3A_371 : i32 to index
        %swap3A_472 = arith.constant 56 : index
        %swap3A_473 = tpu.vector_load %arg12[%swap3A_471, %swap3A_472] {strides = array<i32>} : memref<64x72xf32, #tpu.memory_space<vmem>>, vector<16xf32>,
        tpu.vector_store %arg12[%swap3A_471, %swap3A_472], %mul3A_470 {strides = array<i32>} : memref<64x72xf32, #tpu.memory_space<vmem>>, vector<16xf32>,
        %mul3A_474 = arith.constant 4 : i32
        %mul3A_475 = arith.muli %mul3A_474, %scan3A_163 : i32
        %add3A_476 = arith.constant 3 : i32
        %add3A_477 = arith.addi %mul3A_475, %add3A_476 : i32
        %broadcast_in_dim3A_478 = arith.constant 0.000000e+00 : f32
        %broadcast_in_dim3A_479 = vector.broadcast %broadcast_in_dim3A_478 : f32 to vector<16xf32>
        %get3A_480 = arith.index_cast %add3A_477 : i32 to index
        %get3A_481 = arith.constant 0 : index
        %get3A_482 = tpu.vector_load %arg9[%get3A_480, %get3A_481] {strides = array<i32>} : memref<64x128xf32, #tpu.memory_space<vmem>>, vector<16xf32>,
        %get3A_483 = arith.index_cast %add3A_477 : i32 to index
        %get3A_484 = arith.constant 0 : index
        %get3A_485 = tpu.vector_load %arg11[%get3A_483, %get3A_484] {strides = array<i32>} : memref<64x64xf32, #tpu.memory_space<vmem>>, vector<16xf32>,
        %mul3A_486 = arith.mulf %get3A_482, %get3A_485 : vector<16xf32>
        %reduce_sum3A_487 = arith.constant true
        %reduce_sum3A_488 = vector.broadcast %reduce_sum3A_487 : i1 to vector<16xi1>
        %reduce_sum3A_489 = tpu.scan <sum>, %mul3A_486 masked %reduce_sum3A_488 : vector<16xf32>, vector<16xi1> -> vector<16xf32>
        %reduce_sum3A_490 = vector.extract %reduce_sum3A_489[15] : f32 from vector<16xf32>
        %broadcast_in_dim3A_491 = vector.broadcast %reduce_sum3A_490 : f32 to vector<16xf32>
        %exp3A_492 = math.exp %broadcast_in_dim3A_491 : vector<16xf32>
        %eq3A_493 = arith.constant 0 : i32
        %eq3A_494 = vector.broadcast %eq3A_493 : i32 to vector<16xi32>
        %eq3A_495 = arith.cmpi eq, %iota3A, %eq3A_494 : vector<16xi32>
        %select_n3A_496 = arith.select %eq3A_495, %exp3A_492, %broadcast_in_dim3A_479 : vector<16xi1>, vector<16xf32>
        %get3A_497 = arith.index_cast %add3A_477 : i32 to index
        %get3A_498 = arith.constant 16 : index
        %get3A_499 = tpu.vector_load %arg9[%get3A_497, %get3A_498] {strides = array<i32>} : memref<64x128xf32, #tpu.memory_space<vmem>>, vector<16xf32>,
        %get3A_500 = arith.index_cast %add3A_477 : i32 to index
        %get3A_501 = arith.constant 16 : index
        %get3A_502 = tpu.vector_load %arg11[%get3A_500, %get3A_501] {strides = array<i32>} : memref<64x64xf32, #tpu.memory_space<vmem>>, vector<16xf32>,
        %mul3A_503 = arith.mulf %get3A_499, %get3A_502 : vector<16xf32>
        %reduce_sum3A_504 = arith.constant true
        %reduce_sum3A_505 = vector.broadcast %reduce_sum3A_504 : i1 to vector<16xi1>
        %reduce_sum3A_506 = tpu.scan <sum>, %mul3A_503 masked %reduce_sum3A_505 : vector<16xf32>, vector<16xi1> -> vector<16xf32>
        %reduce_sum3A_507 = vector.extract %reduce_sum3A_506[15] : f32 from vector<16xf32>
        %broadcast_in_dim3A_508 = vector.broadcast %reduce_sum3A_507 : f32 to vector<16xf32>
        %exp3A_509 = math.exp %broadcast_in_dim3A_508 : vector<16xf32>
        %eq3A_510 = arith.constant 1 : i32
        %eq3A_511 = vector.broadcast %eq3A_510 : i32 to vector<16xi32>
        %eq3A_512 = arith.cmpi eq, %iota3A, %eq3A_511 : vector<16xi32>
        %select_n3A_513 = arith.select %eq3A_512, %exp3A_509, %select_n3A_496 : vector<16xi1>, vector<16xf32>
        %get3A_514 = arith.index_cast %add3A_477 : i32 to index
        %get3A_515 = arith.constant 32 : index
        %get3A_516 = tpu.vector_load %arg9[%get3A_514, %get3A_515] {strides = array<i32>} : memref<64x128xf32, #tpu.memory_space<vmem>>, vector<16xf32>,
        %get3A_517 = arith.index_cast %add3A_477 : i32 to index
        %get3A_518 = arith.constant 32 : index
        %get3A_519 = tpu.vector_load %arg11[%get3A_517, %get3A_518] {strides = array<i32>} : memref<64x64xf32, #tpu.memory_space<vmem>>, vector<16xf32>,
        %mul3A_520 = arith.mulf %get3A_516, %get3A_519 : vector<16xf32>
        %reduce_sum3A_521 = arith.constant true
        %reduce_sum3A_522 = vector.broadcast %reduce_sum3A_521 : i1 to vector<16xi1>
        %reduce_sum3A_523 = tpu.scan <sum>, %mul3A_520 masked %reduce_sum3A_522 : vector<16xf32>, vector<16xi1> -> vector<16xf32>
        %reduce_sum3A_524 = vector.extract %reduce_sum3A_523[15] : f32 from vector<16xf32>
        %broadcast_in_dim3A_525 = vector.broadcast %reduce_sum3A_524 : f32 to vector<16xf32>
        %exp3A_526 = math.exp %broadcast_in_dim3A_525 : vector<16xf32>
        %eq3A_527 = arith.constant 2 : i32
        %eq3A_528 = vector.broadcast %eq3A_527 : i32 to vector<16xi32>
        %eq3A_529 = arith.cmpi eq, %iota3A, %eq3A_528 : vector<16xi32>
        %select_n3A_530 = arith.select %eq3A_529, %exp3A_526, %select_n3A_513 : vector<16xi1>, vector<16xf32>
        %get3A_531 = arith.index_cast %add3A_477 : i32 to index
        %get3A_532 = arith.constant 48 : index
        %get3A_533 = tpu.vector_load %arg9[%get3A_531, %get3A_532] {strides = array<i32>} : memref<64x128xf32, #tpu.memory_space<vmem>>, vector<16xf32>,
        %get3A_534 = arith.index_cast %add3A_477 : i32 to index
        %get3A_535 = arith.constant 48 : index
        %get3A_536 = tpu.vector_load %arg11[%get3A_534, %get3A_535] {strides = array<i32>} : memref<64x64xf32, #tpu.memory_space<vmem>>, vector<16xf32>,
        %mul3A_537 = arith.mulf %get3A_533, %get3A_536 : vector<16xf32>
        %reduce_sum3A_538 = arith.constant true
        %reduce_sum3A_539 = vector.broadcast %reduce_sum3A_538 : i1 to vector<16xi1>
        %reduce_sum3A_540 = tpu.scan <sum>, %mul3A_537 masked %reduce_sum3A_539 : vector<16xf32>, vector<16xi1> -> vector<16xf32>
        %reduce_sum3A_541 = vector.extract %reduce_sum3A_540[15] : f32 from vector<16xf32>
        %broadcast_in_dim3A_542 = vector.broadcast %reduce_sum3A_541 : f32 to vector<16xf32>
        %exp3A_543 = math.exp %broadcast_in_dim3A_542 : vector<16xf32>
        %eq3A_544 = arith.constant 3 : i32
        %eq3A_545 = vector.broadcast %eq3A_544 : i32 to vector<16xi32>
        %eq3A_546 = arith.cmpi eq, %iota3A, %eq3A_545 : vector<16xi32>
        %select_n3A_547 = arith.select %eq3A_546, %exp3A_543, %select_n3A_530 : vector<16xi1>, vector<16xf32>
        %broadcast_in_dim3A_548 = vector.broadcast %add3A_477 : i32 to vector<16xi32>
        %lt3A_549 = arith.constant 8 : i32
        %lt3A_550 = vector.broadcast %lt3A_549 : i32 to vector<16xi32>
        %lt3A_551 = arith.cmpi slt, %iota3A, %lt3A_550 : vector<16xi32>
        tpu.vector_store_idx %arg12[%broadcast_in_dim3A_548, %iota3A], %select_n3A_547 masked %lt3A_551 : memref<64x72xf32, #tpu.memory_space<vmem>>[vector<16xi32>, vector<16xi32>], vector<16xf32>, vector<16xi1>
        %get3A_552 = arith.index_cast %add3A_477 : i32 to index
        %get3A_553 = arith.constant 64 : index
        %get3A_554 = tpu.vector_load %arg9[%get3A_552, %get3A_553] {strides = array<i32>} : memref<64x128xf32, #tpu.memory_space<vmem>>, vector<16xf32>,
        %mul3A_555 = arith.mulf %get3A_554, %exp3A_492 : vector<16xf32>
        %swap3A_556 = arith.index_cast %add3A_477 : i32 to index
        %swap3A_557 = arith.constant 8 : index
        %swap3A_558 = tpu.vector_load %arg12[%swap3A_556, %swap3A_557] {strides = array<i32>} : memref<64x72xf32, #tpu.memory_space<vmem>>, vector<16xf32>,
        tpu.vector_store %arg12[%swap3A_556, %swap3A_557], %mul3A_555 {strides = array<i32>} : memref<64x72xf32, #tpu.memory_space<vmem>>, vector<16xf32>,
        %get3A_559 = arith.index_cast %add3A_477 : i32 to index
        %get3A_560 = arith.constant 80 : index
        %get3A_561 = tpu.vector_load %arg9[%get3A_559, %get3A_560] {strides = array<i32>} : memref<64x128xf32, #tpu.memory_space<vmem>>, vector<16xf32>,
        %mul3A_562 = arith.mulf %get3A_561, %exp3A_509 : vector<16xf32>
        %swap3A_563 = arith.index_cast %add3A_477 : i32 to index
        %swap3A_564 = arith.constant 24 : index
        %swap3A_565 = tpu.vector_load %arg12[%swap3A_563, %swap3A_564] {strides = array<i32>} : memref<64x72xf32, #tpu.memory_space<vmem>>, vector<16xf32>,
        tpu.vector_store %arg12[%swap3A_563, %swap3A_564], %mul3A_562 {strides = array<i32>} : memref<64x72xf32, #tpu.memory_space<vmem>>, vector<16xf32>,
        %get3A_566 = arith.index_cast %add3A_477 : i32 to index
        %get3A_567 = arith.constant 96 : index
        %get3A_568 = tpu.vector_load %arg9[%get3A_566, %get3A_567] {strides = array<i32>} : memref<64x128xf32, #tpu.memory_space<vmem>>, vector<16xf32>,
        %mul3A_569 = arith.mulf %get3A_568, %exp3A_526 : vector<16xf32>
        %swap3A_570 = arith.index_cast %add3A_477 : i32 to index
        %swap3A_571 = arith.constant 40 : index
        %swap3A_572 = tpu.vector_load %arg12[%swap3A_570, %swap3A_571] {strides = array<i32>} : memref<64x72xf32, #tpu.memory_space<vmem>>, vector<16xf32>,
        tpu.vector_store %arg12[%swap3A_570, %swap3A_571], %mul3A_569 {strides = array<i32>} : memref<64x72xf32, #tpu.memory_space<vmem>>, vector<16xf32>,
        %get3A_573 = arith.index_cast %add3A_477 : i32 to index
        %get3A_574 = arith.constant 112 : index
        %get3A_575 = tpu.vector_load %arg9[%get3A_573, %get3A_574] {strides = array<i32>} : memref<64x128xf32, #tpu.memory_space<vmem>>, vector<16xf32>,
        %mul3A_576 = arith.mulf %get3A_575, %exp3A_543 : vector<16xf32>
        %swap3A_577 = arith.index_cast %add3A_477 : i32 to index
        %swap3A_578 = arith.constant 56 : index
        %swap3A_579 = tpu.vector_load %arg12[%swap3A_577, %swap3A_578] {strides = array<i32>} : memref<64x72xf32, #tpu.memory_space<vmem>>, vector<16xf32>,
        tpu.vector_store %arg12[%swap3A_577, %swap3A_578], %mul3A_576 {strides = array<i32>} : memref<64x72xf32, #tpu.memory_space<vmem>>, vector<16xf32>,
      }
      %scan3A_115 = arith.constant 16 : i32
      "tpu.region"() ({
        %run_scoped3A = tpu.sem_alloc : memref<!tpu.dma_semaphore, #tpu.memory_space<semaphore_mem>>
        %dma_start3A_163 = arith.constant 0 : i32
        %dma_start3A_164 = tpu.memref_slice %arg8[%mul3A_78, %dma_start3A_163] : memref<316x64xi32, #tpu.memory_space<vmem>> -> memref<1x64xi32, #tpu.memory_space<vmem>>
        %dma_start3A_165 = tpu.memref_squeeze %dma_start3A_164 : memref<1x64xi32, #tpu.memory_space<vmem>> -> memref<64xi32, #tpu.memory_space<vmem>>
        %dma_start3A_166 = arith.constant 0 : i32
        %dma_start3A_167 = arith.constant 0 : i32
        %dma_start3A_168 = tpu.memref_slice %arg13[%dma_start3A_166, %dma_start3A_167] : memref<10016x72xf32, #tpu.memory_space<vmem_shared>> -> memref<10016x72xf32, #tpu.memory_space<vmem_shared>>
        tpu.enqueue_indirect_dma source(%arg12 : memref<64x72xf32, #tpu.memory_space<vmem>>) target(%dma_start3A_168 : memref<10016x72xf32, #tpu.memory_space<vmem_shared>>) offsets(%dma_start3A_165 : memref<64xi32, #tpu.memory_space<vmem>>) semaphore(%run_scoped3A : memref<!tpu.dma_semaphore, #tpu.memory_space<semaphore_mem>>) {add = true}
        %dma_wait3A_169 = arith.constant 0 : i32
        %dma_wait3A_170 = tpu.memref_slice %arg8[%mul3A_78, %dma_wait3A_169] : memref<316x64xi32, #tpu.memory_space<vmem>> -> memref<1x64xi32, #tpu.memory_space<vmem>>
        %dma_wait3A_171 = tpu.memref_squeeze %dma_wait3A_170 : memref<1x64xi32, #tpu.memory_space<vmem>> -> memref<64xi32, #tpu.memory_space<vmem>>
        %dma_wait3A_172 = arith.constant 0 : i32
        %dma_wait3A_173 = arith.constant 0 : i32
        %dma_wait3A_174 = tpu.memref_slice %arg13[%dma_wait3A_172, %dma_wait3A_173] : memref<10016x72xf32, #tpu.memory_space<vmem_shared>> -> memref<10016x72xf32, #tpu.memory_space<vmem_shared>>
        tpu.wait_indirect_dma semaphore(%run_scoped3A : memref<!tpu.dma_semaphore, #tpu.memory_space<semaphore_mem>>) src(%arg12 : memref<64x72xf32, #tpu.memory_space<vmem>>) dst(%dma_wait3A_174 : memref<10016x72xf32, #tpu.memory_space<vmem_shared>>)
        tpu.yield
      }) : () -> ()
      %dma_start3A_116 = arith.constant 0 : i32
      %dma_start3A_117 = tpu.memref_slice %arg8[%add3A_80, %dma_start3A_116] : memref<316x64xi32, #tpu.memory_space<vmem>> -> memref<1x64xi32, #tpu.memory_space<vmem>>
      %dma_start3A_118 = tpu.memref_squeeze %dma_start3A_117 : memref<1x64xi32, #tpu.memory_space<vmem>> -> memref<64xi32, #tpu.memory_space<vmem>>
      %dma_start3A_119 = arith.constant 0 : i32
      %dma_start3A_120 = arith.constant 0 : i32
      %dma_start3A_121 = tpu.memref_slice %arg3[%arg0, %dma_start3A_119, %dma_start3A_120] : memref<2x10016x64xf32, #tpu.memory_space<hbm>> -> memref<1x10016x64xf32, #tpu.memory_space<hbm>>
      %dma_start3A_122 = tpu.memref_squeeze %dma_start3A_121 : memref<1x10016x64xf32, #tpu.memory_space<hbm>> -> memref<10016x64xf32, #tpu.memory_space<hbm>>
      %dma_start3A_123 = arith.constant 0 : i32
      %dma_start3A_124 = arith.constant 0 : i32
      %dma_start3A_125 = tpu.memref_slice %dma_start3A_122[%dma_start3A_123, %dma_start3A_124] : memref<10016x64xf32, #tpu.memory_space<hbm>> -> memref<10016x64xf32, #tpu.memory_space<hbm>>
      tpu.enqueue_indirect_dma source(%dma_start3A_125 : memref<10016x64xf32, #tpu.memory_space<hbm>>) target(%arg11 : memref<64x64xf32, #tpu.memory_space<vmem>>) offsets(%dma_start3A_118 : memref<64xi32, #tpu.memory_space<vmem>>) semaphore(%arg16 : memref<!tpu.dma_semaphore, #tpu.memory_space<semaphore_mem>>)
      %dma_wait3A_126 = arith.constant 0 : i32
      %dma_wait3A_127 = tpu.memref_slice %arg7[%add3A_80, %dma_wait3A_126] : memref<316x64xi32, #tpu.memory_space<vmem>> -> memref<1x64xi32, #tpu.memory_space<vmem>>
      %dma_wait3A_128 = tpu.memref_squeeze %dma_wait3A_127 : memref<1x64xi32, #tpu.memory_space<vmem>> -> memref<64xi32, #tpu.memory_space<vmem>>
      %dma_wait3A_129 = arith.constant 0 : i32
      %dma_wait3A_130 = arith.constant 0 : i32
      %dma_wait3A_131 = tpu.memref_slice %arg2[%arg0, %dma_wait3A_129, %dma_wait3A_130] : memref<2x10000x128xf32, #tpu.memory_space<hbm>> -> memref<1x10000x128xf32, #tpu.memory_space<hbm>>
      %dma_wait3A_132 = tpu.memref_squeeze %dma_wait3A_131 : memref<1x10000x128xf32, #tpu.memory_space<hbm>> -> memref<10000x128xf32, #tpu.memory_space<hbm>>
      %dma_wait3A_133 = arith.constant 0 : i32
      %dma_wait3A_134 = arith.constant 0 : i32
      %dma_wait3A_135 = tpu.memref_slice %dma_wait3A_132[%dma_wait3A_133, %dma_wait3A_134] : memref<10000x128xf32, #tpu.memory_space<hbm>> -> memref<10000x128xf32, #tpu.memory_space<hbm>>
      tpu.wait_indirect_dma semaphore(%arg15 : memref<!tpu.dma_semaphore, #tpu.memory_space<semaphore_mem>>) src(%dma_wait3A_135 : memref<10000x128xf32, #tpu.memory_space<hbm>>) dst(%arg10 : memref<64x128xf32, #tpu.memory_space<vmem>>)
      %dma_wait3A_136 = arith.constant 0 : i32
      %dma_wait3A_137 = tpu.memref_slice %arg8[%add3A_80, %dma_wait3A_136] : memref<316x64xi32, #tpu.memory_space<vmem>> -> memref<1x64xi32, #tpu.memory_space<vmem>>
      %dma_wait3A_138 = tpu.memref_squeeze %dma_wait3A_137 : memref<1x64xi32, #tpu.memory_space<vmem>> -> memref<64xi32, #tpu.memory_space<vmem>>
      %dma_wait3A_139 = arith.constant 0 : i32
      %dma_wait3A_140 = arith.constant 0 : i32
      %dma_wait3A_141 = tpu.memref_slice %arg3[%arg0, %dma_wait3A_139, %dma_wait3A_140] : memref<2x10016x64xf32, #tpu.memory_space<hbm>> -> memref<1x10016x64xf32, #tpu.memory_space<hbm>>
      %dma_wait3A_142 = tpu.memref_squeeze %dma_wait3A_141 : memref<1x10016x64xf32, #tpu.memory_space<hbm>> -> memref<10016x64xf32, #tpu.memory_space<hbm>>
      %dma_wait3A_143 = arith.constant 0 : i32
      %dma_wait3A_144 = arith.constant 0 : i32
      %dma_wait3A_145 = tpu.memref_slice %dma_wait3A_142[%dma_wait3A_143, %dma_wait3A_144] : memref<10016x64xf32, #tpu.memory_space<hbm>> -> memref<10016x64xf32, #tpu.memory_space<hbm>>
      tpu.wait_indirect_dma semaphore(%arg16 : memref<!tpu.dma_semaphore, #tpu.memory_space<semaphore_mem>>) src(%dma_wait3A_145 : memref<10016x64xf32, #tpu.memory_space<hbm>>) dst(%arg11 : memref<64x64xf32, #tpu.memory_space<vmem>>)
      %add3A_146 = arith.constant 1 : i32
      %add3A_147 = arith.addi %add3A_80, %add3A_146 : i32
      %lt3A = arith.constant 316 : i32
      %lt3A_148 = arith.cmpi slt, %add3A_147, %lt3A : i32
      %convert_element_type3A = arith.extui %lt3A_148 : i1 to i32
      %cond3A = arith.constant 0 : i32
      %cond3A_149 = arith.cmpi ne, %convert_element_type3A, %cond3A : i32
      scf.if %cond3A_149 {
        %add3A_163 = arith.constant 1 : i32
        %add3A_164 = arith.addi %add3A_80, %add3A_163 : i32
        %dma_start3A_165 = arith.constant 0 : i32
        %dma_start3A_166 = tpu.memref_slice %arg7[%add3A_164, %dma_start3A_165] : memref<316x64xi32, #tpu.memory_space<vmem>> -> memref<1x64xi32, #tpu.memory_space<vmem>>
        %dma_start3A_167 = tpu.memref_squeeze %dma_start3A_166 : memref<1x64xi32, #tpu.memory_space<vmem>> -> memref<64xi32, #tpu.memory_space<vmem>>
        %dma_start3A_168 = arith.constant 0 : i32
        %dma_start3A_169 = arith.constant 0 : i32
        %dma_start3A_170 = tpu.memref_slice %arg2[%arg0, %dma_start3A_168, %dma_start3A_169] : memref<2x10000x128xf32, #tpu.memory_space<hbm>> -> memref<1x10000x128xf32, #tpu.memory_space<hbm>>
        %dma_start3A_171 = tpu.memref_squeeze %dma_start3A_170 : memref<1x10000x128xf32, #tpu.memory_space<hbm>> -> memref<10000x128xf32, #tpu.memory_space<hbm>>
        %dma_start3A_172 = arith.constant 0 : i32
        %dma_start3A_173 = arith.constant 0 : i32
        %dma_start3A_174 = tpu.memref_slice %dma_start3A_171[%dma_start3A_172, %dma_start3A_173] : memref<10000x128xf32, #tpu.memory_space<hbm>> -> memref<10000x128xf32, #tpu.memory_space<hbm>>
        tpu.enqueue_indirect_dma source(%dma_start3A_174 : memref<10000x128xf32, #tpu.memory_space<hbm>>) target(%arg9 : memref<64x128xf32, #tpu.memory_space<vmem>>) offsets(%dma_start3A_167 : memref<64xi32, #tpu.memory_space<vmem>>) semaphore(%arg14 : memref<!tpu.dma_semaphore, #tpu.memory_space<semaphore_mem>>)
      } else {
      }
      %scan3A_150 = arith.constant 0 : i32
      %scan3A_151 = arith.constant 0 : i32
      %scan3A_152 = arith.constant 16 : i32
      %scan3A_153 = arith.addi %scan3A_151, %scan3A_152 : i32
      %scan3A_154 = arith.constant 1 : i32
      scf.for %scan3A_163 = %scan3A_151 to %scan3A_153 step %scan3A_154  : i32 {
        %mul3A_164 = arith.constant 4 : i32
        %mul3A_165 = arith.muli %mul3A_164, %scan3A_163 : i32
        %broadcast_in_dim3A_166 = arith.constant 0.000000e+00 : f32
        %broadcast_in_dim3A_167 = vector.broadcast %broadcast_in_dim3A_166 : f32 to vector<16xf32>
        %get3A = arith.index_cast %mul3A_165 : i32 to index
        %get3A_168 = arith.constant 0 : index
        %get3A_169 = tpu.vector_load %arg10[%get3A, %get3A_168] {strides = array<i32>} : memref<64x128xf32, #tpu.memory_space<vmem>>, vector<16xf32>,
        %get3A_170 = arith.index_cast %mul3A_165 : i32 to index
        %get3A_171 = arith.constant 0 : index
        %get3A_172 = tpu.vector_load %arg11[%get3A_170, %get3A_171] {strides = array<i32>} : memref<64x64xf32, #tpu.memory_space<vmem>>, vector<16xf32>,
        %mul3A_173 = arith.mulf %get3A_169, %get3A_172 : vector<16xf32>
        %reduce_sum3A = arith.constant true
        %reduce_sum3A_174 = vector.broadcast %reduce_sum3A : i1 to vector<16xi1>
        %reduce_sum3A_175 = tpu.scan <sum>, %mul3A_173 masked %reduce_sum3A_174 : vector<16xf32>, vector<16xi1> -> vector<16xf32>
        %reduce_sum3A_176 = vector.extract %reduce_sum3A_175[15] : f32 from vector<16xf32>
        %broadcast_in_dim3A_177 = vector.broadcast %reduce_sum3A_176 : f32 to vector<16xf32>
        %exp3A = math.exp %broadcast_in_dim3A_177 : vector<16xf32>
        %eq3A = arith.constant 0 : i32
        %eq3A_178 = vector.broadcast %eq3A : i32 to vector<16xi32>
        %eq3A_179 = arith.cmpi eq, %iota3A, %eq3A_178 : vector<16xi32>
        %select_n3A = arith.select %eq3A_179, %exp3A, %broadcast_in_dim3A_167 : vector<16xi1>, vector<16xf32>
        %get3A_180 = arith.index_cast %mul3A_165 : i32 to index
        %get3A_181 = arith.constant 16 : index
        %get3A_182 = tpu.vector_load %arg10[%get3A_180, %get3A_181] {strides = array<i32>} : memref<64x128xf32, #tpu.memory_space<vmem>>, vector<16xf32>,
        %get3A_183 = arith.index_cast %mul3A_165 : i32 to index
        %get3A_184 = arith.constant 16 : index
        %get3A_185 = tpu.vector_load %arg11[%get3A_183, %get3A_184] {strides = array<i32>} : memref<64x64xf32, #tpu.memory_space<vmem>>, vector<16xf32>,
        %mul3A_186 = arith.mulf %get3A_182, %get3A_185 : vector<16xf32>
        %reduce_sum3A_187 = arith.constant true
        %reduce_sum3A_188 = vector.broadcast %reduce_sum3A_187 : i1 to vector<16xi1>
        %reduce_sum3A_189 = tpu.scan <sum>, %mul3A_186 masked %reduce_sum3A_188 : vector<16xf32>, vector<16xi1> -> vector<16xf32>
        %reduce_sum3A_190 = vector.extract %reduce_sum3A_189[15] : f32 from vector<16xf32>
        %broadcast_in_dim3A_191 = vector.broadcast %reduce_sum3A_190 : f32 to vector<16xf32>
        %exp3A_192 = math.exp %broadcast_in_dim3A_191 : vector<16xf32>
        %eq3A_193 = arith.constant 1 : i32
        %eq3A_194 = vector.broadcast %eq3A_193 : i32 to vector<16xi32>
        %eq3A_195 = arith.cmpi eq, %iota3A, %eq3A_194 : vector<16xi32>
        %select_n3A_196 = arith.select %eq3A_195, %exp3A_192, %select_n3A : vector<16xi1>, vector<16xf32>
        %get3A_197 = arith.index_cast %mul3A_165 : i32 to index
        %get3A_198 = arith.constant 32 : index
        %get3A_199 = tpu.vector_load %arg10[%get3A_197, %get3A_198] {strides = array<i32>} : memref<64x128xf32, #tpu.memory_space<vmem>>, vector<16xf32>,
        %get3A_200 = arith.index_cast %mul3A_165 : i32 to index
        %get3A_201 = arith.constant 32 : index
        %get3A_202 = tpu.vector_load %arg11[%get3A_200, %get3A_201] {strides = array<i32>} : memref<64x64xf32, #tpu.memory_space<vmem>>, vector<16xf32>,
        %mul3A_203 = arith.mulf %get3A_199, %get3A_202 : vector<16xf32>
        %reduce_sum3A_204 = arith.constant true
        %reduce_sum3A_205 = vector.broadcast %reduce_sum3A_204 : i1 to vector<16xi1>
        %reduce_sum3A_206 = tpu.scan <sum>, %mul3A_203 masked %reduce_sum3A_205 : vector<16xf32>, vector<16xi1> -> vector<16xf32>
        %reduce_sum3A_207 = vector.extract %reduce_sum3A_206[15] : f32 from vector<16xf32>
        %broadcast_in_dim3A_208 = vector.broadcast %reduce_sum3A_207 : f32 to vector<16xf32>
        %exp3A_209 = math.exp %broadcast_in_dim3A_208 : vector<16xf32>
        %eq3A_210 = arith.constant 2 : i32
        %eq3A_211 = vector.broadcast %eq3A_210 : i32 to vector<16xi32>
        %eq3A_212 = arith.cmpi eq, %iota3A, %eq3A_211 : vector<16xi32>
        %select_n3A_213 = arith.select %eq3A_212, %exp3A_209, %select_n3A_196 : vector<16xi1>, vector<16xf32>
        %get3A_214 = arith.index_cast %mul3A_165 : i32 to index
        %get3A_215 = arith.constant 48 : index
        %get3A_216 = tpu.vector_load %arg10[%get3A_214, %get3A_215] {strides = array<i32>} : memref<64x128xf32, #tpu.memory_space<vmem>>, vector<16xf32>,
        %get3A_217 = arith.index_cast %mul3A_165 : i32 to index
        %get3A_218 = arith.constant 48 : index
        %get3A_219 = tpu.vector_load %arg11[%get3A_217, %get3A_218] {strides = array<i32>} : memref<64x64xf32, #tpu.memory_space<vmem>>, vector<16xf32>,
        %mul3A_220 = arith.mulf %get3A_216, %get3A_219 : vector<16xf32>
        %reduce_sum3A_221 = arith.constant true
        %reduce_sum3A_222 = vector.broadcast %reduce_sum3A_221 : i1 to vector<16xi1>
        %reduce_sum3A_223 = tpu.scan <sum>, %mul3A_220 masked %reduce_sum3A_222 : vector<16xf32>, vector<16xi1> -> vector<16xf32>
        %reduce_sum3A_224 = vector.extract %reduce_sum3A_223[15] : f32 from vector<16xf32>
        %broadcast_in_dim3A_225 = vector.broadcast %reduce_sum3A_224 : f32 to vector<16xf32>
        %exp3A_226 = math.exp %broadcast_in_dim3A_225 : vector<16xf32>
        %eq3A_227 = arith.constant 3 : i32
        %eq3A_228 = vector.broadcast %eq3A_227 : i32 to vector<16xi32>
        %eq3A_229 = arith.cmpi eq, %iota3A, %eq3A_228 : vector<16xi32>
        %select_n3A_230 = arith.select %eq3A_229, %exp3A_226, %select_n3A_213 : vector<16xi1>, vector<16xf32>
        %broadcast_in_dim3A_231 = vector.broadcast %mul3A_165 : i32 to vector<16xi32>
        %lt3A_232 = arith.constant 8 : i32
        %lt3A_233 = vector.broadcast %lt3A_232 : i32 to vector<16xi32>
        %lt3A_234 = arith.cmpi slt, %iota3A, %lt3A_233 : vector<16xi32>
        tpu.vector_store_idx %arg12[%broadcast_in_dim3A_231, %iota3A], %select_n3A_230 masked %lt3A_234 : memref<64x72xf32, #tpu.memory_space<vmem>>[vector<16xi32>, vector<16xi32>], vector<16xf32>, vector<16xi1>
        %get3A_235 = arith.index_cast %mul3A_165 : i32 to index
        %get3A_236 = arith.constant 64 : index
        %get3A_237 = tpu.vector_load %arg10[%get3A_235, %get3A_236] {strides = array<i32>} : memref<64x128xf32, #tpu.memory_space<vmem>>, vector<16xf32>,
        %mul3A_238 = arith.mulf %get3A_237, %exp3A : vector<16xf32>
        %swap3A = arith.index_cast %mul3A_165 : i32 to index
        %swap3A_239 = arith.constant 8 : index
        %swap3A_240 = tpu.vector_load %arg12[%swap3A, %swap3A_239] {strides = array<i32>} : memref<64x72xf32, #tpu.memory_space<vmem>>, vector<16xf32>,
        tpu.vector_store %arg12[%swap3A, %swap3A_239], %mul3A_238 {strides = array<i32>} : memref<64x72xf32, #tpu.memory_space<vmem>>, vector<16xf32>,
        %get3A_241 = arith.index_cast %mul3A_165 : i32 to index
        %get3A_242 = arith.constant 80 : index
        %get3A_243 = tpu.vector_load %arg10[%get3A_241, %get3A_242] {strides = array<i32>} : memref<64x128xf32, #tpu.memory_space<vmem>>, vector<16xf32>,
        %mul3A_244 = arith.mulf %get3A_243, %exp3A_192 : vector<16xf32>
        %swap3A_245 = arith.index_cast %mul3A_165 : i32 to index
        %swap3A_246 = arith.constant 24 : index
        %swap3A_247 = tpu.vector_load %arg12[%swap3A_245, %swap3A_246] {strides = array<i32>} : memref<64x72xf32, #tpu.memory_space<vmem>>, vector<16xf32>,
        tpu.vector_store %arg12[%swap3A_245, %swap3A_246], %mul3A_244 {strides = array<i32>} : memref<64x72xf32, #tpu.memory_space<vmem>>, vector<16xf32>,
        %get3A_248 = arith.index_cast %mul3A_165 : i32 to index
        %get3A_249 = arith.constant 96 : index
        %get3A_250 = tpu.vector_load %arg10[%get3A_248, %get3A_249] {strides = array<i32>} : memref<64x128xf32, #tpu.memory_space<vmem>>, vector<16xf32>,
        %mul3A_251 = arith.mulf %get3A_250, %exp3A_209 : vector<16xf32>
        %swap3A_252 = arith.index_cast %mul3A_165 : i32 to index
        %swap3A_253 = arith.constant 40 : index
        %swap3A_254 = tpu.vector_load %arg12[%swap3A_252, %swap3A_253] {strides = array<i32>} : memref<64x72xf32, #tpu.memory_space<vmem>>, vector<16xf32>,
        tpu.vector_store %arg12[%swap3A_252, %swap3A_253], %mul3A_251 {strides = array<i32>} : memref<64x72xf32, #tpu.memory_space<vmem>>, vector<16xf32>,
        %get3A_255 = arith.index_cast %mul3A_165 : i32 to index
        %get3A_256 = arith.constant 112 : index
        %get3A_257 = tpu.vector_load %arg10[%get3A_255, %get3A_256] {strides = array<i32>} : memref<64x128xf32, #tpu.memory_space<vmem>>, vector<16xf32>,
        %mul3A_258 = arith.mulf %get3A_257, %exp3A_226 : vector<16xf32>
        %swap3A_259 = arith.index_cast %mul3A_165 : i32 to index
        %swap3A_260 = arith.constant 56 : index
        %swap3A_261 = tpu.vector_load %arg12[%swap3A_259, %swap3A_260] {strides = array<i32>} : memref<64x72xf32, #tpu.memory_space<vmem>>, vector<16xf32>,
        tpu.vector_store %arg12[%swap3A_259, %swap3A_260], %mul3A_258 {strides = array<i32>} : memref<64x72xf32, #tpu.memory_space<vmem>>, vector<16xf32>,
        %mul3A_262 = arith.constant 4 : i32
        %mul3A_263 = arith.muli %mul3A_262, %scan3A_163 : i32
        %add3A_264 = arith.constant 1 : i32
        %add3A_265 = arith.addi %mul3A_263, %add3A_264 : i32
        %broadcast_in_dim3A_266 = arith.constant 0.000000e+00 : f32
        %broadcast_in_dim3A_267 = vector.broadcast %broadcast_in_dim3A_266 : f32 to vector<16xf32>
        %get3A_268 = arith.index_cast %add3A_265 : i32 to index
        %get3A_269 = arith.constant 0 : index
        %get3A_270 = tpu.vector_load %arg10[%get3A_268, %get3A_269] {strides = array<i32>} : memref<64x128xf32, #tpu.memory_space<vmem>>, vector<16xf32>,
        %get3A_271 = arith.index_cast %add3A_265 : i32 to index
        %get3A_272 = arith.constant 0 : index
        %get3A_273 = tpu.vector_load %arg11[%get3A_271, %get3A_272] {strides = array<i32>} : memref<64x64xf32, #tpu.memory_space<vmem>>, vector<16xf32>,
        %mul3A_274 = arith.mulf %get3A_270, %get3A_273 : vector<16xf32>
        %reduce_sum3A_275 = arith.constant true
        %reduce_sum3A_276 = vector.broadcast %reduce_sum3A_275 : i1 to vector<16xi1>
        %reduce_sum3A_277 = tpu.scan <sum>, %mul3A_274 masked %reduce_sum3A_276 : vector<16xf32>, vector<16xi1> -> vector<16xf32>
        %reduce_sum3A_278 = vector.extract %reduce_sum3A_277[15] : f32 from vector<16xf32>
        %broadcast_in_dim3A_279 = vector.broadcast %reduce_sum3A_278 : f32 to vector<16xf32>
        %exp3A_280 = math.exp %broadcast_in_dim3A_279 : vector<16xf32>
        %eq3A_281 = arith.constant 0 : i32
        %eq3A_282 = vector.broadcast %eq3A_281 : i32 to vector<16xi32>
        %eq3A_283 = arith.cmpi eq, %iota3A, %eq3A_282 : vector<16xi32>
        %select_n3A_284 = arith.select %eq3A_283, %exp3A_280, %broadcast_in_dim3A_267 : vector<16xi1>, vector<16xf32>
        %get3A_285 = arith.index_cast %add3A_265 : i32 to index
        %get3A_286 = arith.constant 16 : index
        %get3A_287 = tpu.vector_load %arg10[%get3A_285, %get3A_286] {strides = array<i32>} : memref<64x128xf32, #tpu.memory_space<vmem>>, vector<16xf32>,
        %get3A_288 = arith.index_cast %add3A_265 : i32 to index
        %get3A_289 = arith.constant 16 : index
        %get3A_290 = tpu.vector_load %arg11[%get3A_288, %get3A_289] {strides = array<i32>} : memref<64x64xf32, #tpu.memory_space<vmem>>, vector<16xf32>,
        %mul3A_291 = arith.mulf %get3A_287, %get3A_290 : vector<16xf32>
        %reduce_sum3A_292 = arith.constant true
        %reduce_sum3A_293 = vector.broadcast %reduce_sum3A_292 : i1 to vector<16xi1>
        %reduce_sum3A_294 = tpu.scan <sum>, %mul3A_291 masked %reduce_sum3A_293 : vector<16xf32>, vector<16xi1> -> vector<16xf32>
        %reduce_sum3A_295 = vector.extract %reduce_sum3A_294[15] : f32 from vector<16xf32>
        %broadcast_in_dim3A_296 = vector.broadcast %reduce_sum3A_295 : f32 to vector<16xf32>
        %exp3A_297 = math.exp %broadcast_in_dim3A_296 : vector<16xf32>
        %eq3A_298 = arith.constant 1 : i32
        %eq3A_299 = vector.broadcast %eq3A_298 : i32 to vector<16xi32>
        %eq3A_300 = arith.cmpi eq, %iota3A, %eq3A_299 : vector<16xi32>
        %select_n3A_301 = arith.select %eq3A_300, %exp3A_297, %select_n3A_284 : vector<16xi1>, vector<16xf32>
        %get3A_302 = arith.index_cast %add3A_265 : i32 to index
        %get3A_303 = arith.constant 32 : index
        %get3A_304 = tpu.vector_load %arg10[%get3A_302, %get3A_303] {strides = array<i32>} : memref<64x128xf32, #tpu.memory_space<vmem>>, vector<16xf32>,
        %get3A_305 = arith.index_cast %add3A_265 : i32 to index
        %get3A_306 = arith.constant 32 : index
        %get3A_307 = tpu.vector_load %arg11[%get3A_305, %get3A_306] {strides = array<i32>} : memref<64x64xf32, #tpu.memory_space<vmem>>, vector<16xf32>,
        %mul3A_308 = arith.mulf %get3A_304, %get3A_307 : vector<16xf32>
        %reduce_sum3A_309 = arith.constant true
        %reduce_sum3A_310 = vector.broadcast %reduce_sum3A_309 : i1 to vector<16xi1>
        %reduce_sum3A_311 = tpu.scan <sum>, %mul3A_308 masked %reduce_sum3A_310 : vector<16xf32>, vector<16xi1> -> vector<16xf32>
        %reduce_sum3A_312 = vector.extract %reduce_sum3A_311[15] : f32 from vector<16xf32>
        %broadcast_in_dim3A_313 = vector.broadcast %reduce_sum3A_312 : f32 to vector<16xf32>
        %exp3A_314 = math.exp %broadcast_in_dim3A_313 : vector<16xf32>
        %eq3A_315 = arith.constant 2 : i32
        %eq3A_316 = vector.broadcast %eq3A_315 : i32 to vector<16xi32>
        %eq3A_317 = arith.cmpi eq, %iota3A, %eq3A_316 : vector<16xi32>
        %select_n3A_318 = arith.select %eq3A_317, %exp3A_314, %select_n3A_301 : vector<16xi1>, vector<16xf32>
        %get3A_319 = arith.index_cast %add3A_265 : i32 to index
        %get3A_320 = arith.constant 48 : index
        %get3A_321 = tpu.vector_load %arg10[%get3A_319, %get3A_320] {strides = array<i32>} : memref<64x128xf32, #tpu.memory_space<vmem>>, vector<16xf32>,
        %get3A_322 = arith.index_cast %add3A_265 : i32 to index
        %get3A_323 = arith.constant 48 : index
        %get3A_324 = tpu.vector_load %arg11[%get3A_322, %get3A_323] {strides = array<i32>} : memref<64x64xf32, #tpu.memory_space<vmem>>, vector<16xf32>,
        %mul3A_325 = arith.mulf %get3A_321, %get3A_324 : vector<16xf32>
        %reduce_sum3A_326 = arith.constant true
        %reduce_sum3A_327 = vector.broadcast %reduce_sum3A_326 : i1 to vector<16xi1>
        %reduce_sum3A_328 = tpu.scan <sum>, %mul3A_325 masked %reduce_sum3A_327 : vector<16xf32>, vector<16xi1> -> vector<16xf32>
        %reduce_sum3A_329 = vector.extract %reduce_sum3A_328[15] : f32 from vector<16xf32>
        %broadcast_in_dim3A_330 = vector.broadcast %reduce_sum3A_329 : f32 to vector<16xf32>
        %exp3A_331 = math.exp %broadcast_in_dim3A_330 : vector<16xf32>
        %eq3A_332 = arith.constant 3 : i32
        %eq3A_333 = vector.broadcast %eq3A_332 : i32 to vector<16xi32>
        %eq3A_334 = arith.cmpi eq, %iota3A, %eq3A_333 : vector<16xi32>
        %select_n3A_335 = arith.select %eq3A_334, %exp3A_331, %select_n3A_318 : vector<16xi1>, vector<16xf32>
        %broadcast_in_dim3A_336 = vector.broadcast %add3A_265 : i32 to vector<16xi32>
        %lt3A_337 = arith.constant 8 : i32
        %lt3A_338 = vector.broadcast %lt3A_337 : i32 to vector<16xi32>
        %lt3A_339 = arith.cmpi slt, %iota3A, %lt3A_338 : vector<16xi32>
        tpu.vector_store_idx %arg12[%broadcast_in_dim3A_336, %iota3A], %select_n3A_335 masked %lt3A_339 : memref<64x72xf32, #tpu.memory_space<vmem>>[vector<16xi32>, vector<16xi32>], vector<16xf32>, vector<16xi1>
        %get3A_340 = arith.index_cast %add3A_265 : i32 to index
        %get3A_341 = arith.constant 64 : index
        %get3A_342 = tpu.vector_load %arg10[%get3A_340, %get3A_341] {strides = array<i32>} : memref<64x128xf32, #tpu.memory_space<vmem>>, vector<16xf32>,
        %mul3A_343 = arith.mulf %get3A_342, %exp3A_280 : vector<16xf32>
        %swap3A_344 = arith.index_cast %add3A_265 : i32 to index
        %swap3A_345 = arith.constant 8 : index
        %swap3A_346 = tpu.vector_load %arg12[%swap3A_344, %swap3A_345] {strides = array<i32>} : memref<64x72xf32, #tpu.memory_space<vmem>>, vector<16xf32>,
        tpu.vector_store %arg12[%swap3A_344, %swap3A_345], %mul3A_343 {strides = array<i32>} : memref<64x72xf32, #tpu.memory_space<vmem>>, vector<16xf32>,
        %get3A_347 = arith.index_cast %add3A_265 : i32 to index
        %get3A_348 = arith.constant 80 : index
        %get3A_349 = tpu.vector_load %arg10[%get3A_347, %get3A_348] {strides = array<i32>} : memref<64x128xf32, #tpu.memory_space<vmem>>, vector<16xf32>,
        %mul3A_350 = arith.mulf %get3A_349, %exp3A_297 : vector<16xf32>
        %swap3A_351 = arith.index_cast %add3A_265 : i32 to index
        %swap3A_352 = arith.constant 24 : index
        %swap3A_353 = tpu.vector_load %arg12[%swap3A_351, %swap3A_352] {strides = array<i32>} : memref<64x72xf32, #tpu.memory_space<vmem>>, vector<16xf32>,
        tpu.vector_store %arg12[%swap3A_351, %swap3A_352], %mul3A_350 {strides = array<i32>} : memref<64x72xf32, #tpu.memory_space<vmem>>, vector<16xf32>,
        %get3A_354 = arith.index_cast %add3A_265 : i32 to index
        %get3A_355 = arith.constant 96 : index
        %get3A_356 = tpu.vector_load %arg10[%get3A_354, %get3A_355] {strides = array<i32>} : memref<64x128xf32, #tpu.memory_space<vmem>>, vector<16xf32>,
        %mul3A_357 = arith.mulf %get3A_356, %exp3A_314 : vector<16xf32>
        %swap3A_358 = arith.index_cast %add3A_265 : i32 to index
        %swap3A_359 = arith.constant 40 : index
        %swap3A_360 = tpu.vector_load %arg12[%swap3A_358, %swap3A_359] {strides = array<i32>} : memref<64x72xf32, #tpu.memory_space<vmem>>, vector<16xf32>,
        tpu.vector_store %arg12[%swap3A_358, %swap3A_359], %mul3A_357 {strides = array<i32>} : memref<64x72xf32, #tpu.memory_space<vmem>>, vector<16xf32>,
        %get3A_361 = arith.index_cast %add3A_265 : i32 to index
        %get3A_362 = arith.constant 112 : index
        %get3A_363 = tpu.vector_load %arg10[%get3A_361, %get3A_362] {strides = array<i32>} : memref<64x128xf32, #tpu.memory_space<vmem>>, vector<16xf32>,
        %mul3A_364 = arith.mulf %get3A_363, %exp3A_331 : vector<16xf32>
        %swap3A_365 = arith.index_cast %add3A_265 : i32 to index
        %swap3A_366 = arith.constant 56 : index
        %swap3A_367 = tpu.vector_load %arg12[%swap3A_365, %swap3A_366] {strides = array<i32>} : memref<64x72xf32, #tpu.memory_space<vmem>>, vector<16xf32>,
        tpu.vector_store %arg12[%swap3A_365, %swap3A_366], %mul3A_364 {strides = array<i32>} : memref<64x72xf32, #tpu.memory_space<vmem>>, vector<16xf32>,
        %mul3A_368 = arith.constant 4 : i32
        %mul3A_369 = arith.muli %mul3A_368, %scan3A_163 : i32
        %add3A_370 = arith.constant 2 : i32
        %add3A_371 = arith.addi %mul3A_369, %add3A_370 : i32
        %broadcast_in_dim3A_372 = arith.constant 0.000000e+00 : f32
        %broadcast_in_dim3A_373 = vector.broadcast %broadcast_in_dim3A_372 : f32 to vector<16xf32>
        %get3A_374 = arith.index_cast %add3A_371 : i32 to index
        %get3A_375 = arith.constant 0 : index
        %get3A_376 = tpu.vector_load %arg10[%get3A_374, %get3A_375] {strides = array<i32>} : memref<64x128xf32, #tpu.memory_space<vmem>>, vector<16xf32>,
        %get3A_377 = arith.index_cast %add3A_371 : i32 to index
        %get3A_378 = arith.constant 0 : index
        %get3A_379 = tpu.vector_load %arg11[%get3A_377, %get3A_378] {strides = array<i32>} : memref<64x64xf32, #tpu.memory_space<vmem>>, vector<16xf32>,
        %mul3A_380 = arith.mulf %get3A_376, %get3A_379 : vector<16xf32>
        %reduce_sum3A_381 = arith.constant true
        %reduce_sum3A_382 = vector.broadcast %reduce_sum3A_381 : i1 to vector<16xi1>
        %reduce_sum3A_383 = tpu.scan <sum>, %mul3A_380 masked %reduce_sum3A_382 : vector<16xf32>, vector<16xi1> -> vector<16xf32>
        %reduce_sum3A_384 = vector.extract %reduce_sum3A_383[15] : f32 from vector<16xf32>
        %broadcast_in_dim3A_385 = vector.broadcast %reduce_sum3A_384 : f32 to vector<16xf32>
        %exp3A_386 = math.exp %broadcast_in_dim3A_385 : vector<16xf32>
        %eq3A_387 = arith.constant 0 : i32
        %eq3A_388 = vector.broadcast %eq3A_387 : i32 to vector<16xi32>
        %eq3A_389 = arith.cmpi eq, %iota3A, %eq3A_388 : vector<16xi32>
        %select_n3A_390 = arith.select %eq3A_389, %exp3A_386, %broadcast_in_dim3A_373 : vector<16xi1>, vector<16xf32>
        %get3A_391 = arith.index_cast %add3A_371 : i32 to index
        %get3A_392 = arith.constant 16 : index
        %get3A_393 = tpu.vector_load %arg10[%get3A_391, %get3A_392] {strides = array<i32>} : memref<64x128xf32, #tpu.memory_space<vmem>>, vector<16xf32>,
        %get3A_394 = arith.index_cast %add3A_371 : i32 to index
        %get3A_395 = arith.constant 16 : index
        %get3A_396 = tpu.vector_load %arg11[%get3A_394, %get3A_395] {strides = array<i32>} : memref<64x64xf32, #tpu.memory_space<vmem>>, vector<16xf32>,
        %mul3A_397 = arith.mulf %get3A_393, %get3A_396 : vector<16xf32>
        %reduce_sum3A_398 = arith.constant true
        %reduce_sum3A_399 = vector.broadcast %reduce_sum3A_398 : i1 to vector<16xi1>
        %reduce_sum3A_400 = tpu.scan <sum>, %mul3A_397 masked %reduce_sum3A_399 : vector<16xf32>, vector<16xi1> -> vector<16xf32>
        %reduce_sum3A_401 = vector.extract %reduce_sum3A_400[15] : f32 from vector<16xf32>
        %broadcast_in_dim3A_402 = vector.broadcast %reduce_sum3A_401 : f32 to vector<16xf32>
        %exp3A_403 = math.exp %broadcast_in_dim3A_402 : vector<16xf32>
        %eq3A_404 = arith.constant 1 : i32
        %eq3A_405 = vector.broadcast %eq3A_404 : i32 to vector<16xi32>
        %eq3A_406 = arith.cmpi eq, %iota3A, %eq3A_405 : vector<16xi32>
        %select_n3A_407 = arith.select %eq3A_406, %exp3A_403, %select_n3A_390 : vector<16xi1>, vector<16xf32>
        %get3A_408 = arith.index_cast %add3A_371 : i32 to index
        %get3A_409 = arith.constant 32 : index
        %get3A_410 = tpu.vector_load %arg10[%get3A_408, %get3A_409] {strides = array<i32>} : memref<64x128xf32, #tpu.memory_space<vmem>>, vector<16xf32>,
        %get3A_411 = arith.index_cast %add3A_371 : i32 to index
        %get3A_412 = arith.constant 32 : index
        %get3A_413 = tpu.vector_load %arg11[%get3A_411, %get3A_412] {strides = array<i32>} : memref<64x64xf32, #tpu.memory_space<vmem>>, vector<16xf32>,
        %mul3A_414 = arith.mulf %get3A_410, %get3A_413 : vector<16xf32>
        %reduce_sum3A_415 = arith.constant true
        %reduce_sum3A_416 = vector.broadcast %reduce_sum3A_415 : i1 to vector<16xi1>
        %reduce_sum3A_417 = tpu.scan <sum>, %mul3A_414 masked %reduce_sum3A_416 : vector<16xf32>, vector<16xi1> -> vector<16xf32>
        %reduce_sum3A_418 = vector.extract %reduce_sum3A_417[15] : f32 from vector<16xf32>
        %broadcast_in_dim3A_419 = vector.broadcast %reduce_sum3A_418 : f32 to vector<16xf32>
        %exp3A_420 = math.exp %broadcast_in_dim3A_419 : vector<16xf32>
        %eq3A_421 = arith.constant 2 : i32
        %eq3A_422 = vector.broadcast %eq3A_421 : i32 to vector<16xi32>
        %eq3A_423 = arith.cmpi eq, %iota3A, %eq3A_422 : vector<16xi32>
        %select_n3A_424 = arith.select %eq3A_423, %exp3A_420, %select_n3A_407 : vector<16xi1>, vector<16xf32>
        %get3A_425 = arith.index_cast %add3A_371 : i32 to index
        %get3A_426 = arith.constant 48 : index
        %get3A_427 = tpu.vector_load %arg10[%get3A_425, %get3A_426] {strides = array<i32>} : memref<64x128xf32, #tpu.memory_space<vmem>>, vector<16xf32>,
        %get3A_428 = arith.index_cast %add3A_371 : i32 to index
        %get3A_429 = arith.constant 48 : index
        %get3A_430 = tpu.vector_load %arg11[%get3A_428, %get3A_429] {strides = array<i32>} : memref<64x64xf32, #tpu.memory_space<vmem>>, vector<16xf32>,
        %mul3A_431 = arith.mulf %get3A_427, %get3A_430 : vector<16xf32>
        %reduce_sum3A_432 = arith.constant true
        %reduce_sum3A_433 = vector.broadcast %reduce_sum3A_432 : i1 to vector<16xi1>
        %reduce_sum3A_434 = tpu.scan <sum>, %mul3A_431 masked %reduce_sum3A_433 : vector<16xf32>, vector<16xi1> -> vector<16xf32>
        %reduce_sum3A_435 = vector.extract %reduce_sum3A_434[15] : f32 from vector<16xf32>
        %broadcast_in_dim3A_436 = vector.broadcast %reduce_sum3A_435 : f32 to vector<16xf32>
        %exp3A_437 = math.exp %broadcast_in_dim3A_436 : vector<16xf32>
        %eq3A_438 = arith.constant 3 : i32
        %eq3A_439 = vector.broadcast %eq3A_438 : i32 to vector<16xi32>
        %eq3A_440 = arith.cmpi eq, %iota3A, %eq3A_439 : vector<16xi32>
        %select_n3A_441 = arith.select %eq3A_440, %exp3A_437, %select_n3A_424 : vector<16xi1>, vector<16xf32>
        %broadcast_in_dim3A_442 = vector.broadcast %add3A_371 : i32 to vector<16xi32>
        %lt3A_443 = arith.constant 8 : i32
        %lt3A_444 = vector.broadcast %lt3A_443 : i32 to vector<16xi32>
        %lt3A_445 = arith.cmpi slt, %iota3A, %lt3A_444 : vector<16xi32>
        tpu.vector_store_idx %arg12[%broadcast_in_dim3A_442, %iota3A], %select_n3A_441 masked %lt3A_445 : memref<64x72xf32, #tpu.memory_space<vmem>>[vector<16xi32>, vector<16xi32>], vector<16xf32>, vector<16xi1>
        %get3A_446 = arith.index_cast %add3A_371 : i32 to index
        %get3A_447 = arith.constant 64 : index
        %get3A_448 = tpu.vector_load %arg10[%get3A_446, %get3A_447] {strides = array<i32>} : memref<64x128xf32, #tpu.memory_space<vmem>>, vector<16xf32>,
        %mul3A_449 = arith.mulf %get3A_448, %exp3A_386 : vector<16xf32>
        %swap3A_450 = arith.index_cast %add3A_371 : i32 to index
        %swap3A_451 = arith.constant 8 : index
        %swap3A_452 = tpu.vector_load %arg12[%swap3A_450, %swap3A_451] {strides = array<i32>} : memref<64x72xf32, #tpu.memory_space<vmem>>, vector<16xf32>,
        tpu.vector_store %arg12[%swap3A_450, %swap3A_451], %mul3A_449 {strides = array<i32>} : memref<64x72xf32, #tpu.memory_space<vmem>>, vector<16xf32>,
        %get3A_453 = arith.index_cast %add3A_371 : i32 to index
        %get3A_454 = arith.constant 80 : index
        %get3A_455 = tpu.vector_load %arg10[%get3A_453, %get3A_454] {strides = array<i32>} : memref<64x128xf32, #tpu.memory_space<vmem>>, vector<16xf32>,
        %mul3A_456 = arith.mulf %get3A_455, %exp3A_403 : vector<16xf32>
        %swap3A_457 = arith.index_cast %add3A_371 : i32 to index
        %swap3A_458 = arith.constant 24 : index
        %swap3A_459 = tpu.vector_load %arg12[%swap3A_457, %swap3A_458] {strides = array<i32>} : memref<64x72xf32, #tpu.memory_space<vmem>>, vector<16xf32>,
        tpu.vector_store %arg12[%swap3A_457, %swap3A_458], %mul3A_456 {strides = array<i32>} : memref<64x72xf32, #tpu.memory_space<vmem>>, vector<16xf32>,
        %get3A_460 = arith.index_cast %add3A_371 : i32 to index
        %get3A_461 = arith.constant 96 : index
        %get3A_462 = tpu.vector_load %arg10[%get3A_460, %get3A_461] {strides = array<i32>} : memref<64x128xf32, #tpu.memory_space<vmem>>, vector<16xf32>,
        %mul3A_463 = arith.mulf %get3A_462, %exp3A_420 : vector<16xf32>
        %swap3A_464 = arith.index_cast %add3A_371 : i32 to index
        %swap3A_465 = arith.constant 40 : index
        %swap3A_466 = tpu.vector_load %arg12[%swap3A_464, %swap3A_465] {strides = array<i32>} : memref<64x72xf32, #tpu.memory_space<vmem>>, vector<16xf32>,
        tpu.vector_store %arg12[%swap3A_464, %swap3A_465], %mul3A_463 {strides = array<i32>} : memref<64x72xf32, #tpu.memory_space<vmem>>, vector<16xf32>,
        %get3A_467 = arith.index_cast %add3A_371 : i32 to index
        %get3A_468 = arith.constant 112 : index
        %get3A_469 = tpu.vector_load %arg10[%get3A_467, %get3A_468] {strides = array<i32>} : memref<64x128xf32, #tpu.memory_space<vmem>>, vector<16xf32>,
        %mul3A_470 = arith.mulf %get3A_469, %exp3A_437 : vector<16xf32>
        %swap3A_471 = arith.index_cast %add3A_371 : i32 to index
        %swap3A_472 = arith.constant 56 : index
        %swap3A_473 = tpu.vector_load %arg12[%swap3A_471, %swap3A_472] {strides = array<i32>} : memref<64x72xf32, #tpu.memory_space<vmem>>, vector<16xf32>,
        tpu.vector_store %arg12[%swap3A_471, %swap3A_472], %mul3A_470 {strides = array<i32>} : memref<64x72xf32, #tpu.memory_space<vmem>>, vector<16xf32>,
        %mul3A_474 = arith.constant 4 : i32
        %mul3A_475 = arith.muli %mul3A_474, %scan3A_163 : i32
        %add3A_476 = arith.constant 3 : i32
        %add3A_477 = arith.addi %mul3A_475, %add3A_476 : i32
        %broadcast_in_dim3A_478 = arith.constant 0.000000e+00 : f32
        %broadcast_in_dim3A_479 = vector.broadcast %broadcast_in_dim3A_478 : f32 to vector<16xf32>
        %get3A_480 = arith.index_cast %add3A_477 : i32 to index
        %get3A_481 = arith.constant 0 : index
        %get3A_482 = tpu.vector_load %arg10[%get3A_480, %get3A_481] {strides = array<i32>} : memref<64x128xf32, #tpu.memory_space<vmem>>, vector<16xf32>,
        %get3A_483 = arith.index_cast %add3A_477 : i32 to index
        %get3A_484 = arith.constant 0 : index
        %get3A_485 = tpu.vector_load %arg11[%get3A_483, %get3A_484] {strides = array<i32>} : memref<64x64xf32, #tpu.memory_space<vmem>>, vector<16xf32>,
        %mul3A_486 = arith.mulf %get3A_482, %get3A_485 : vector<16xf32>
        %reduce_sum3A_487 = arith.constant true
        %reduce_sum3A_488 = vector.broadcast %reduce_sum3A_487 : i1 to vector<16xi1>
        %reduce_sum3A_489 = tpu.scan <sum>, %mul3A_486 masked %reduce_sum3A_488 : vector<16xf32>, vector<16xi1> -> vector<16xf32>
        %reduce_sum3A_490 = vector.extract %reduce_sum3A_489[15] : f32 from vector<16xf32>
        %broadcast_in_dim3A_491 = vector.broadcast %reduce_sum3A_490 : f32 to vector<16xf32>
        %exp3A_492 = math.exp %broadcast_in_dim3A_491 : vector<16xf32>
        %eq3A_493 = arith.constant 0 : i32
        %eq3A_494 = vector.broadcast %eq3A_493 : i32 to vector<16xi32>
        %eq3A_495 = arith.cmpi eq, %iota3A, %eq3A_494 : vector<16xi32>
        %select_n3A_496 = arith.select %eq3A_495, %exp3A_492, %broadcast_in_dim3A_479 : vector<16xi1>, vector<16xf32>
        %get3A_497 = arith.index_cast %add3A_477 : i32 to index
        %get3A_498 = arith.constant 16 : index
        %get3A_499 = tpu.vector_load %arg10[%get3A_497, %get3A_498] {strides = array<i32>} : memref<64x128xf32, #tpu.memory_space<vmem>>, vector<16xf32>,
        %get3A_500 = arith.index_cast %add3A_477 : i32 to index
        %get3A_501 = arith.constant 16 : index
        %get3A_502 = tpu.vector_load %arg11[%get3A_500, %get3A_501] {strides = array<i32>} : memref<64x64xf32, #tpu.memory_space<vmem>>, vector<16xf32>,
        %mul3A_503 = arith.mulf %get3A_499, %get3A_502 : vector<16xf32>
        %reduce_sum3A_504 = arith.constant true
        %reduce_sum3A_505 = vector.broadcast %reduce_sum3A_504 : i1 to vector<16xi1>
        %reduce_sum3A_506 = tpu.scan <sum>, %mul3A_503 masked %reduce_sum3A_505 : vector<16xf32>, vector<16xi1> -> vector<16xf32>
        %reduce_sum3A_507 = vector.extract %reduce_sum3A_506[15] : f32 from vector<16xf32>
        %broadcast_in_dim3A_508 = vector.broadcast %reduce_sum3A_507 : f32 to vector<16xf32>
        %exp3A_509 = math.exp %broadcast_in_dim3A_508 : vector<16xf32>
        %eq3A_510 = arith.constant 1 : i32
        %eq3A_511 = vector.broadcast %eq3A_510 : i32 to vector<16xi32>
        %eq3A_512 = arith.cmpi eq, %iota3A, %eq3A_511 : vector<16xi32>
        %select_n3A_513 = arith.select %eq3A_512, %exp3A_509, %select_n3A_496 : vector<16xi1>, vector<16xf32>
        %get3A_514 = arith.index_cast %add3A_477 : i32 to index
        %get3A_515 = arith.constant 32 : index
        %get3A_516 = tpu.vector_load %arg10[%get3A_514, %get3A_515] {strides = array<i32>} : memref<64x128xf32, #tpu.memory_space<vmem>>, vector<16xf32>,
        %get3A_517 = arith.index_cast %add3A_477 : i32 to index
        %get3A_518 = arith.constant 32 : index
        %get3A_519 = tpu.vector_load %arg11[%get3A_517, %get3A_518] {strides = array<i32>} : memref<64x64xf32, #tpu.memory_space<vmem>>, vector<16xf32>,
        %mul3A_520 = arith.mulf %get3A_516, %get3A_519 : vector<16xf32>
        %reduce_sum3A_521 = arith.constant true
        %reduce_sum3A_522 = vector.broadcast %reduce_sum3A_521 : i1 to vector<16xi1>
        %reduce_sum3A_523 = tpu.scan <sum>, %mul3A_520 masked %reduce_sum3A_522 : vector<16xf32>, vector<16xi1> -> vector<16xf32>
        %reduce_sum3A_524 = vector.extract %reduce_sum3A_523[15] : f32 from vector<16xf32>
        %broadcast_in_dim3A_525 = vector.broadcast %reduce_sum3A_524 : f32 to vector<16xf32>
        %exp3A_526 = math.exp %broadcast_in_dim3A_525 : vector<16xf32>
        %eq3A_527 = arith.constant 2 : i32
        %eq3A_528 = vector.broadcast %eq3A_527 : i32 to vector<16xi32>
        %eq3A_529 = arith.cmpi eq, %iota3A, %eq3A_528 : vector<16xi32>
        %select_n3A_530 = arith.select %eq3A_529, %exp3A_526, %select_n3A_513 : vector<16xi1>, vector<16xf32>
        %get3A_531 = arith.index_cast %add3A_477 : i32 to index
        %get3A_532 = arith.constant 48 : index
        %get3A_533 = tpu.vector_load %arg10[%get3A_531, %get3A_532] {strides = array<i32>} : memref<64x128xf32, #tpu.memory_space<vmem>>, vector<16xf32>,
        %get3A_534 = arith.index_cast %add3A_477 : i32 to index
        %get3A_535 = arith.constant 48 : index
        %get3A_536 = tpu.vector_load %arg11[%get3A_534, %get3A_535] {strides = array<i32>} : memref<64x64xf32, #tpu.memory_space<vmem>>, vector<16xf32>,
        %mul3A_537 = arith.mulf %get3A_533, %get3A_536 : vector<16xf32>
        %reduce_sum3A_538 = arith.constant true
        %reduce_sum3A_539 = vector.broadcast %reduce_sum3A_538 : i1 to vector<16xi1>
        %reduce_sum3A_540 = tpu.scan <sum>, %mul3A_537 masked %reduce_sum3A_539 : vector<16xf32>, vector<16xi1> -> vector<16xf32>
        %reduce_sum3A_541 = vector.extract %reduce_sum3A_540[15] : f32 from vector<16xf32>
        %broadcast_in_dim3A_542 = vector.broadcast %reduce_sum3A_541 : f32 to vector<16xf32>
        %exp3A_543 = math.exp %broadcast_in_dim3A_542 : vector<16xf32>
        %eq3A_544 = arith.constant 3 : i32
        %eq3A_545 = vector.broadcast %eq3A_544 : i32 to vector<16xi32>
        %eq3A_546 = arith.cmpi eq, %iota3A, %eq3A_545 : vector<16xi32>
        %select_n3A_547 = arith.select %eq3A_546, %exp3A_543, %select_n3A_530 : vector<16xi1>, vector<16xf32>
        %broadcast_in_dim3A_548 = vector.broadcast %add3A_477 : i32 to vector<16xi32>
        %lt3A_549 = arith.constant 8 : i32
        %lt3A_550 = vector.broadcast %lt3A_549 : i32 to vector<16xi32>
        %lt3A_551 = arith.cmpi slt, %iota3A, %lt3A_550 : vector<16xi32>
        tpu.vector_store_idx %arg12[%broadcast_in_dim3A_548, %iota3A], %select_n3A_547 masked %lt3A_551 : memref<64x72xf32, #tpu.memory_space<vmem>>[vector<16xi32>, vector<16xi32>], vector<16xf32>, vector<16xi1>
        %get3A_552 = arith.index_cast %add3A_477 : i32 to index
        %get3A_553 = arith.constant 64 : index
        %get3A_554 = tpu.vector_load %arg10[%get3A_552, %get3A_553] {strides = array<i32>} : memref<64x128xf32, #tpu.memory_space<vmem>>, vector<16xf32>,
        %mul3A_555 = arith.mulf %get3A_554, %exp3A_492 : vector<16xf32>
        %swap3A_556 = arith.index_cast %add3A_477 : i32 to index
        %swap3A_557 = arith.constant 8 : index
        %swap3A_558 = tpu.vector_load %arg12[%swap3A_556, %swap3A_557] {strides = array<i32>} : memref<64x72xf32, #tpu.memory_space<vmem>>, vector<16xf32>,
        tpu.vector_store %arg12[%swap3A_556, %swap3A_557], %mul3A_555 {strides = array<i32>} : memref<64x72xf32, #tpu.memory_space<vmem>>, vector<16xf32>,
        %get3A_559 = arith.index_cast %add3A_477 : i32 to index
        %get3A_560 = arith.constant 80 : index
        %get3A_561 = tpu.vector_load %arg10[%get3A_559, %get3A_560] {strides = array<i32>} : memref<64x128xf32, #tpu.memory_space<vmem>>, vector<16xf32>,
        %mul3A_562 = arith.mulf %get3A_561, %exp3A_509 : vector<16xf32>
        %swap3A_563 = arith.index_cast %add3A_477 : i32 to index
        %swap3A_564 = arith.constant 24 : index
        %swap3A_565 = tpu.vector_load %arg12[%swap3A_563, %swap3A_564] {strides = array<i32>} : memref<64x72xf32, #tpu.memory_space<vmem>>, vector<16xf32>,
        tpu.vector_store %arg12[%swap3A_563, %swap3A_564], %mul3A_562 {strides = array<i32>} : memref<64x72xf32, #tpu.memory_space<vmem>>, vector<16xf32>,
        %get3A_566 = arith.index_cast %add3A_477 : i32 to index
        %get3A_567 = arith.constant 96 : index
        %get3A_568 = tpu.vector_load %arg10[%get3A_566, %get3A_567] {strides = array<i32>} : memref<64x128xf32, #tpu.memory_space<vmem>>, vector<16xf32>,
        %mul3A_569 = arith.mulf %get3A_568, %exp3A_526 : vector<16xf32>
        %swap3A_570 = arith.index_cast %add3A_477 : i32 to index
        %swap3A_571 = arith.constant 40 : index
        %swap3A_572 = tpu.vector_load %arg12[%swap3A_570, %swap3A_571] {strides = array<i32>} : memref<64x72xf32, #tpu.memory_space<vmem>>, vector<16xf32>,
        tpu.vector_store %arg12[%swap3A_570, %swap3A_571], %mul3A_569 {strides = array<i32>} : memref<64x72xf32, #tpu.memory_space<vmem>>, vector<16xf32>,
        %get3A_573 = arith.index_cast %add3A_477 : i32 to index
        %get3A_574 = arith.constant 112 : index
        %get3A_575 = tpu.vector_load %arg10[%get3A_573, %get3A_574] {strides = array<i32>} : memref<64x128xf32, #tpu.memory_space<vmem>>, vector<16xf32>,
        %mul3A_576 = arith.mulf %get3A_575, %exp3A_543 : vector<16xf32>
        %swap3A_577 = arith.index_cast %add3A_477 : i32 to index
        %swap3A_578 = arith.constant 56 : index
        %swap3A_579 = tpu.vector_load %arg12[%swap3A_577, %swap3A_578] {strides = array<i32>} : memref<64x72xf32, #tpu.memory_space<vmem>>, vector<16xf32>,
        tpu.vector_store %arg12[%swap3A_577, %swap3A_578], %mul3A_576 {strides = array<i32>} : memref<64x72xf32, #tpu.memory_space<vmem>>, vector<16xf32>,
      }
      %scan3A_155 = arith.constant 16 : i32
      "tpu.region"() ({
        %run_scoped3A = tpu.sem_alloc : memref<!tpu.dma_semaphore, #tpu.memory_space<semaphore_mem>>
        %dma_start3A_163 = arith.constant 0 : i32
        %dma_start3A_164 = tpu.memref_slice %arg8[%add3A_80, %dma_start3A_163] : memref<316x64xi32, #tpu.memory_space<vmem>> -> memref<1x64xi32, #tpu.memory_space<vmem>>
        %dma_start3A_165 = tpu.memref_squeeze %dma_start3A_164 : memref<1x64xi32, #tpu.memory_space<vmem>> -> memref<64xi32, #tpu.memory_space<vmem>>
        %dma_start3A_166 = arith.constant 0 : i32
        %dma_start3A_167 = arith.constant 0 : i32
        %dma_start3A_168 = tpu.memref_slice %arg13[%dma_start3A_166, %dma_start3A_167] : memref<10016x72xf32, #tpu.memory_space<vmem_shared>> -> memref<10016x72xf32, #tpu.memory_space<vmem_shared>>
        tpu.enqueue_indirect_dma source(%arg12 : memref<64x72xf32, #tpu.memory_space<vmem>>) target(%dma_start3A_168 : memref<10016x72xf32, #tpu.memory_space<vmem_shared>>) offsets(%dma_start3A_165 : memref<64xi32, #tpu.memory_space<vmem>>) semaphore(%run_scoped3A : memref<!tpu.dma_semaphore, #tpu.memory_space<semaphore_mem>>) {add = true}
        %dma_wait3A_169 = arith.constant 0 : i32
        %dma_wait3A_170 = tpu.memref_slice %arg8[%add3A_80, %dma_wait3A_169] : memref<316x64xi32, #tpu.memory_space<vmem>> -> memref<1x64xi32, #tpu.memory_space<vmem>>
        %dma_wait3A_171 = tpu.memref_squeeze %dma_wait3A_170 : memref<1x64xi32, #tpu.memory_space<vmem>> -> memref<64xi32, #tpu.memory_space<vmem>>
        %dma_wait3A_172 = arith.constant 0 : i32
        %dma_wait3A_173 = arith.constant 0 : i32
        %dma_wait3A_174 = tpu.memref_slice %arg13[%dma_wait3A_172, %dma_wait3A_173] : memref<10016x72xf32, #tpu.memory_space<vmem_shared>> -> memref<10016x72xf32, #tpu.memory_space<vmem_shared>>
        tpu.wait_indirect_dma semaphore(%run_scoped3A : memref<!tpu.dma_semaphore, #tpu.memory_space<semaphore_mem>>) src(%arg12 : memref<64x72xf32, #tpu.memory_space<vmem>>) dst(%dma_wait3A_174 : memref<10016x72xf32, #tpu.memory_space<vmem_shared>>)
        tpu.yield
      }) : () -> ()
      %add3A_156 = arith.constant 1 : i32
      %add3A_157 = arith.addi %add3A_80, %add3A_156 : i32
      %lt3A_158 = arith.constant 316 : i32
      %lt3A_159 = arith.cmpi slt, %add3A_157, %lt3A_158 : i32
      %convert_element_type3A_160 = arith.extui %lt3A_159 : i1 to i32
      %cond3A_161 = arith.constant 0 : i32
      %cond3A_162 = arith.cmpi ne, %convert_element_type3A_160, %cond3A_161 : i32
      scf.if %cond3A_162 {
        %add3A_163 = arith.constant 1 : i32
        %add3A_164 = arith.addi %add3A_80, %add3A_163 : i32
        %dma_start3A_165 = arith.constant 0 : i32
        %dma_start3A_166 = tpu.memref_slice %arg8[%add3A_164, %dma_start3A_165] : memref<316x64xi32, #tpu.memory_space<vmem>> -> memref<1x64xi32, #tpu.memory_space<vmem>>
        %dma_start3A_167 = tpu.memref_squeeze %dma_start3A_166 : memref<1x64xi32, #tpu.memory_space<vmem>> -> memref<64xi32, #tpu.memory_space<vmem>>
        %dma_start3A_168 = arith.constant 0 : i32
        %dma_start3A_169 = arith.constant 0 : i32
        %dma_start3A_170 = tpu.memref_slice %arg3[%arg0, %dma_start3A_168, %dma_start3A_169] : memref<2x10016x64xf32, #tpu.memory_space<hbm>> -> memref<1x10016x64xf32, #tpu.memory_space<hbm>>
        %dma_start3A_171 = tpu.memref_squeeze %dma_start3A_170 : memref<1x10016x64xf32, #tpu.memory_space<hbm>> -> memref<10016x64xf32, #tpu.memory_space<hbm>>
        %dma_start3A_172 = arith.constant 0 : i32
        %dma_start3A_173 = arith.constant 0 : i32
        %dma_start3A_174 = tpu.memref_slice %dma_start3A_171[%dma_start3A_172, %dma_start3A_173] : memref<10016x64xf32, #tpu.memory_space<hbm>> -> memref<10016x64xf32, #tpu.memory_space<hbm>>
        tpu.enqueue_indirect_dma source(%dma_start3A_174 : memref<10016x64xf32, #tpu.memory_space<hbm>>) target(%arg11 : memref<64x64xf32, #tpu.memory_space<vmem>>) offsets(%dma_start3A_167 : memref<64xi32, #tpu.memory_space<vmem>>) semaphore(%arg16 : memref<!tpu.dma_semaphore, #tpu.memory_space<semaphore_mem>>)
      } else {
      }
    }
    %scan3A_70 = arith.constant 158 : i32
    %barrier3A_71 = arith.constant 0 : index
    tpu.barrier barrier_id(%barrier3A_71)
    %mul3A_72 = arith.constant 626 : i32
    %mul3A_73 = arith.muli %arg1, %mul3A_72 : i32
    %mul3A_74 = arith.constant 626 : i32
    %mul3A_75 = arith.muli %arg1, %mul3A_74 : i32
    "tpu.region"() ({
      %run_scoped3A = tpu.sem_alloc : memref<!tpu.dma_semaphore, #tpu.memory_space<semaphore_mem>>
      %dma_start3A_76 = arith.constant 0 : i32
      %dma_start3A_77 = tpu.memref_slice %arg6[%arg0, %mul3A_75, %dma_start3A_76] : memref<2x10016x72xf32, #tpu.memory_space<hbm>> -> memref<1x626x72xf32, #tpu.memory_space<hbm>>
      %dma_start3A_78 = tpu.memref_squeeze %dma_start3A_77 : memref<1x626x72xf32, #tpu.memory_space<hbm>> -> memref<626x72xf32, #tpu.memory_space<hbm>>
      %dma_start3A_79 = arith.constant 0 : i32
      %dma_start3A_80 = tpu.memref_slice %arg13[%mul3A_73, %dma_start3A_79] : memref<10016x72xf32, #tpu.memory_space<vmem_shared>> -> memref<626x72xf32, #tpu.memory_space<vmem_shared>>
      tpu.enqueue_dma source(%dma_start3A_80 : memref<626x72xf32, #tpu.memory_space<vmem_shared>>) target(%dma_start3A_78 : memref<626x72xf32, #tpu.memory_space<hbm>>) target_semaphore(%run_scoped3A : memref<!tpu.dma_semaphore, #tpu.memory_space<semaphore_mem>>)
      %dma_wait3A = arith.constant 0 : i32
      %dma_wait3A_81 = tpu.memref_slice %arg6[%arg0, %mul3A_75, %dma_wait3A] : memref<2x10016x72xf32, #tpu.memory_space<hbm>> -> memref<1x626x72xf32, #tpu.memory_space<hbm>>
      %dma_wait3A_82 = tpu.memref_squeeze %dma_wait3A_81 : memref<1x626x72xf32, #tpu.memory_space<hbm>> -> memref<626x72xf32, #tpu.memory_space<hbm>>
      %dma_wait3A_83 = arith.constant 0 : i32
      %dma_wait3A_84 = tpu.memref_slice %arg13[%mul3A_73, %dma_wait3A_83] : memref<10016x72xf32, #tpu.memory_space<vmem_shared>> -> memref<626x72xf32, #tpu.memory_space<vmem_shared>>
      tpu.wait_dma2 semaphore(%run_scoped3A : memref<!tpu.dma_semaphore, #tpu.memory_space<semaphore_mem>>) src(%dma_wait3A_84 : memref<626x72xf32, #tpu.memory_space<vmem_shared>>) dst(%dma_wait3A_82 : memref<626x72xf32, #tpu.memory_space<hbm>>)
      tpu.yield
    }) : () -> ()
    return
  }
}

module attributes {stable_mosaic.version = 14 : i64} {
  func.func @_qkv_body(%arg0: i32, %arg1: memref<400x128xf32, #tpu.memory_space<vmem>>, %arg2: memref<128x128xf32, #tpu.memory_space<vmem>>, %arg3: memref<1x128xf32, #tpu.memory_space<vmem>>, %arg4: memref<128x128xf32, #tpu.memory_space<vmem>>, %arg5: memref<1x128xf32, #tpu.memory_space<vmem>>, %arg6: memref<128x128xf32, #tpu.memory_space<vmem>>, %arg7: memref<1x128xf32, #tpu.memory_space<vmem>>, %arg8: memref<2x400x128xf32, #tpu.memory_space<vmem>>, %arg9: memref<2x400x64xf32, #tpu.memory_space<vmem>>) attributes {dimension_semantics = [#tpu.dimension_semantics<arbitrary>], iteration_bounds = array<i64: 25>, scalar_prefetch = 0 : i64, scratch_operands = 0 : i64, tpu.core_type = #tpu.core_type<tc>, window_params = [{transform_indices = @transform_0, window_bounds = array<i64: 400, 128>}, {pipeline_mode = #tpu.pipeline_mode<synchronous>, transform_indices = @transform_1, window_bounds = array<i64: 128, 128>}, {pipeline_mode = #tpu.pipeline_mode<synchronous>, transform_indices = @transform_2, window_bounds = array<i64: 1, 128>}, {pipeline_mode = #tpu.pipeline_mode<synchronous>, transform_indices = @transform_3, window_bounds = array<i64: 128, 128>}, {pipeline_mode = #tpu.pipeline_mode<synchronous>, transform_indices = @transform_4, window_bounds = array<i64: 1, 128>}, {pipeline_mode = #tpu.pipeline_mode<synchronous>, transform_indices = @transform_5, window_bounds = array<i64: 128, 128>}, {pipeline_mode = #tpu.pipeline_mode<synchronous>, transform_indices = @transform_6, window_bounds = array<i64: 1, 128>}, {transform_indices = @transform_7, window_bounds = array<i64: 2, 400, 128>}, {transform_indices = @transform_8, window_bounds = array<i64: 2, 400, 64>}]} {
    %get3A = arith.constant 0 : index
    %get3A_0 = arith.constant 0 : index
    %get3A_1 = vector.load %arg1[%get3A, %get3A_0] : memref<400x128xf32, #tpu.memory_space<vmem>>, vector<400x128xf32>
    %get3A_2 = arith.constant 0 : index
    %get3A_3 = arith.constant 0 : index
    %get3A_4 = vector.load %arg2[%get3A_2, %get3A_3] : memref<128x128xf32, #tpu.memory_space<vmem>>, vector<128x128xf32>
    %dot_general3A = arith.constant dense<0.000000e+00> : vector<400x128xf32>
    %dot_general3A_5 = tpu.matmul %get3A_1, %get3A_4, %dot_general3A {dimension_numbers = #tpu.dot_dimension_numbers<[1], [1], [0], [0], [0, 0, 1, 0], [], []>, transpose_lhs_hint = false} : vector<400x128xf32>, vector<128x128xf32>, vector<400x128xf32> -> vector<400x128xf32>
    %get3A_6 = arith.constant 0 : index
    %get3A_7 = arith.constant 0 : index
    %get3A_8 = vector.load %arg4[%get3A_6, %get3A_7] : memref<128x128xf32, #tpu.memory_space<vmem>>, vector<128x128xf32>
    %dot_general3A_9 = arith.constant dense<0.000000e+00> : vector<400x128xf32>
    %dot_general3A_10 = tpu.matmul %get3A_1, %get3A_8, %dot_general3A_9 {dimension_numbers = #tpu.dot_dimension_numbers<[1], [1], [0], [0], [0, 0, 1, 0], [], []>, transpose_lhs_hint = false} : vector<400x128xf32>, vector<128x128xf32>, vector<400x128xf32> -> vector<400x128xf32>
    %get3A_11 = arith.constant 0 : index
    %get3A_12 = arith.constant 0 : index
    %get3A_13 = vector.load %arg6[%get3A_11, %get3A_12] : memref<128x128xf32, #tpu.memory_space<vmem>>, vector<128x128xf32>
    %dot_general3A_14 = arith.constant dense<0.000000e+00> : vector<400x128xf32>
    %dot_general3A_15 = tpu.matmul %get3A_1, %get3A_13, %dot_general3A_14 {dimension_numbers = #tpu.dot_dimension_numbers<[1], [1], [0], [0], [0, 0, 1, 0], [], []>, transpose_lhs_hint = false} : vector<400x128xf32>, vector<128x128xf32>, vector<400x128xf32> -> vector<400x128xf32>
    %get3A_16 = arith.constant 0 : index
    %get3A_17 = arith.constant 0 : index
    %get3A_18 = vector.load %arg3[%get3A_16, %get3A_17] : memref<1x128xf32, #tpu.memory_space<vmem>>, vector<1x128xf32>
    %add3A = vector.broadcast %get3A_18 : vector<1x128xf32> to vector<400x128xf32>
    %add3A_19 = arith.addf %dot_general3A_5, %add3A : vector<400x128xf32>
    %get3A_20 = arith.constant 0 : index
    %get3A_21 = arith.constant 0 : index
    %get3A_22 = vector.load %arg5[%get3A_20, %get3A_21] : memref<1x128xf32, #tpu.memory_space<vmem>>, vector<1x128xf32>
    %add3A_23 = vector.broadcast %get3A_22 : vector<1x128xf32> to vector<400x128xf32>
    %add3A_24 = arith.addf %dot_general3A_10, %add3A_23 : vector<400x128xf32>
    %get3A_25 = arith.constant 0 : index
    %get3A_26 = arith.constant 0 : index
    %get3A_27 = vector.load %arg7[%get3A_25, %get3A_26] : memref<1x128xf32, #tpu.memory_space<vmem>>, vector<1x128xf32>
    %add3A_28 = vector.broadcast %get3A_27 : vector<1x128xf32> to vector<400x128xf32>
    %add3A_29 = arith.addf %dot_general3A_15, %add3A_28 : vector<400x128xf32>
    %mul3A = arith.constant 2.500000e-01 : f32
    %mul3A_30 = vector.broadcast %mul3A : f32 to vector<400x128xf32>
    %mul3A_31 = arith.mulf %add3A_19, %mul3A_30 : vector<400x128xf32>
    %slice3A = vector.extract_strided_slice %mul3A_31 {offsets = [0, 0], sizes = [400, 64], strides = [1, 1]} : vector<400x128xf32> to vector<400x64xf32>
    %swap3A = arith.constant 0 : index
    %swap3A_32 = arith.constant 0 : index
    %swap3A_33 = arith.constant 0 : index
    %swap3A_34 = vector.load %arg8[%swap3A, %swap3A_32, %swap3A_33] : memref<2x400x128xf32, #tpu.memory_space<vmem>>, vector<1x400x64xf32>
    %swap3A_35 = vector.shape_cast %swap3A_34 : vector<1x400x64xf32> to vector<400x64xf32>
    %swap3A_36 = vector.shape_cast %slice3A : vector<400x64xf32> to vector<1x400x64xf32>
    tpu.vector_store %arg8[%swap3A, %swap3A_32, %swap3A_33], %swap3A_36 {strides = array<i32>} : memref<2x400x128xf32, #tpu.memory_space<vmem>>, vector<1x400x64xf32>,
    %slice3A_37 = vector.extract_strided_slice %add3A_29 {offsets = [0, 0], sizes = [400, 64], strides = [1, 1]} : vector<400x128xf32> to vector<400x64xf32>
    %swap3A_38 = arith.constant 0 : index
    %swap3A_39 = arith.constant 0 : index
    %swap3A_40 = arith.constant 64 : index
    %swap3A_41 = vector.load %arg8[%swap3A_38, %swap3A_39, %swap3A_40] : memref<2x400x128xf32, #tpu.memory_space<vmem>>, vector<1x400x64xf32>
    %swap3A_42 = vector.shape_cast %swap3A_41 : vector<1x400x64xf32> to vector<400x64xf32>
    %swap3A_43 = vector.shape_cast %slice3A_37 : vector<400x64xf32> to vector<1x400x64xf32>
    tpu.vector_store %arg8[%swap3A_38, %swap3A_39, %swap3A_40], %swap3A_43 {strides = array<i32>} : memref<2x400x128xf32, #tpu.memory_space<vmem>>, vector<1x400x64xf32>,
    %slice3A_44 = vector.extract_strided_slice %mul3A_31 {offsets = [0, 64], sizes = [400, 64], strides = [1, 1]} : vector<400x128xf32> to vector<400x64xf32>
    %swap3A_45 = arith.constant 1 : index
    %swap3A_46 = arith.constant 0 : index
    %swap3A_47 = arith.constant 0 : index
    %swap3A_48 = vector.load %arg8[%swap3A_45, %swap3A_46, %swap3A_47] : memref<2x400x128xf32, #tpu.memory_space<vmem>>, vector<1x400x64xf32>
    %swap3A_49 = vector.shape_cast %swap3A_48 : vector<1x400x64xf32> to vector<400x64xf32>
    %swap3A_50 = vector.shape_cast %slice3A_44 : vector<400x64xf32> to vector<1x400x64xf32>
    tpu.vector_store %arg8[%swap3A_45, %swap3A_46, %swap3A_47], %swap3A_50 {strides = array<i32>} : memref<2x400x128xf32, #tpu.memory_space<vmem>>, vector<1x400x64xf32>,
    %slice3A_51 = vector.extract_strided_slice %add3A_29 {offsets = [0, 64], sizes = [400, 64], strides = [1, 1]} : vector<400x128xf32> to vector<400x64xf32>
    %swap3A_52 = arith.constant 1 : index
    %swap3A_53 = arith.constant 0 : index
    %swap3A_54 = arith.constant 64 : index
    %swap3A_55 = vector.load %arg8[%swap3A_52, %swap3A_53, %swap3A_54] : memref<2x400x128xf32, #tpu.memory_space<vmem>>, vector<1x400x64xf32>
    %swap3A_56 = vector.shape_cast %swap3A_55 : vector<1x400x64xf32> to vector<400x64xf32>
    %swap3A_57 = vector.shape_cast %slice3A_51 : vector<400x64xf32> to vector<1x400x64xf32>
    tpu.vector_store %arg8[%swap3A_52, %swap3A_53, %swap3A_54], %swap3A_57 {strides = array<i32>} : memref<2x400x128xf32, #tpu.memory_space<vmem>>, vector<1x400x64xf32>,
    %slice3A_58 = vector.extract_strided_slice %add3A_24 {offsets = [0, 0], sizes = [400, 64], strides = [1, 1]} : vector<400x128xf32> to vector<400x64xf32>
    %swap3A_59 = arith.constant 0 : index
    %swap3A_60 = arith.constant 0 : index
    %swap3A_61 = arith.constant 0 : index
    %swap3A_62 = vector.load %arg9[%swap3A_59, %swap3A_60, %swap3A_61] : memref<2x400x64xf32, #tpu.memory_space<vmem>>, vector<1x400x64xf32>
    %swap3A_63 = vector.shape_cast %swap3A_62 : vector<1x400x64xf32> to vector<400x64xf32>
    %swap3A_64 = vector.shape_cast %slice3A_58 : vector<400x64xf32> to vector<1x400x64xf32>
    tpu.vector_store %arg9[%swap3A_59, %swap3A_60, %swap3A_61], %swap3A_64 {strides = array<i32>} : memref<2x400x64xf32, #tpu.memory_space<vmem>>, vector<1x400x64xf32>,
    %slice3A_65 = vector.extract_strided_slice %add3A_24 {offsets = [0, 64], sizes = [400, 64], strides = [1, 1]} : vector<400x128xf32> to vector<400x64xf32>
    %swap3A_66 = arith.constant 1 : index
    %swap3A_67 = arith.constant 0 : index
    %swap3A_68 = arith.constant 0 : index
    %swap3A_69 = vector.load %arg9[%swap3A_66, %swap3A_67, %swap3A_68] : memref<2x400x64xf32, #tpu.memory_space<vmem>>, vector<1x400x64xf32>
    %swap3A_70 = vector.shape_cast %swap3A_69 : vector<1x400x64xf32> to vector<400x64xf32>
    %swap3A_71 = vector.shape_cast %slice3A_65 : vector<400x64xf32> to vector<1x400x64xf32>
    tpu.vector_store %arg9[%swap3A_66, %swap3A_67, %swap3A_68], %swap3A_71 {strides = array<i32>} : memref<2x400x64xf32, #tpu.memory_space<vmem>>, vector<1x400x64xf32>,
    return
  }
  func.func @transform_0(%arg0: i32) -> (i32, i32) {
    %c0_i32 = arith.constant 0 : i32
    %c0_i32_0 = arith.constant 0 : i32
    return %arg0, %c0_i32 : i32, i32
  }
  func.func @transform_1(%arg0: i32) -> (i32, i32) {
    %c0_i32 = arith.constant 0 : i32
    %c0_i32_0 = arith.constant 0 : i32
    %c0_i32_1 = arith.constant 0 : i32
    return %c0_i32, %c0_i32_0 : i32, i32
  }
  func.func @transform_2(%arg0: i32) -> (i32, i32) {
    %c0_i32 = arith.constant 0 : i32
    %c0_i32_0 = arith.constant 0 : i32
    %c0_i32_1 = arith.constant 0 : i32
    return %c0_i32, %c0_i32_0 : i32, i32
  }
  func.func @transform_3(%arg0: i32) -> (i32, i32) {
    %c0_i32 = arith.constant 0 : i32
    %c0_i32_0 = arith.constant 0 : i32
    %c0_i32_1 = arith.constant 0 : i32
    return %c0_i32, %c0_i32_0 : i32, i32
  }
  func.func @transform_4(%arg0: i32) -> (i32, i32) {
    %c0_i32 = arith.constant 0 : i32
    %c0_i32_0 = arith.constant 0 : i32
    %c0_i32_1 = arith.constant 0 : i32
    return %c0_i32, %c0_i32_0 : i32, i32
  }
  func.func @transform_5(%arg0: i32) -> (i32, i32) {
    %c0_i32 = arith.constant 0 : i32
    %c0_i32_0 = arith.constant 0 : i32
    %c0_i32_1 = arith.constant 0 : i32
    return %c0_i32, %c0_i32_0 : i32, i32
  }
  func.func @transform_6(%arg0: i32) -> (i32, i32) {
    %c0_i32 = arith.constant 0 : i32
    %c0_i32_0 = arith.constant 0 : i32
    %c0_i32_1 = arith.constant 0 : i32
    return %c0_i32, %c0_i32_0 : i32, i32
  }
  func.func @transform_7(%arg0: i32) -> (i32, i32, i32) {
    %c0_i32 = arith.constant 0 : i32
    %c0_i32_0 = arith.constant 0 : i32
    %c0_i32_1 = arith.constant 0 : i32
    return %c0_i32, %arg0, %c0_i32_0 : i32, i32, i32
  }
  func.func @transform_8(%arg0: i32) -> (i32, i32, i32) {
    %c0_i32 = arith.constant 0 : i32
    %c0_i32_0 = arith.constant 0 : i32
    %c0_i32_1 = arith.constant 0 : i32
    return %c0_i32, %arg0, %c0_i32_0 : i32, i32, i32
  }
}

module attributes {stable_mosaic.version = 14 : i64} {
  func.func @_final_body(%arg0: i32, %arg1: memref<1x400x72xf32, #tpu.memory_space<vmem>>, %arg2: memref<1x400x72xf32, #tpu.memory_space<vmem>>, %arg3: memref<128x128xf32, #tpu.memory_space<vmem>>, %arg4: memref<1x128xf32, #tpu.memory_space<vmem>>, %arg5: memref<400x128xf32, #tpu.memory_space<vmem>>) attributes {dimension_semantics = [#tpu.dimension_semantics<arbitrary>], iteration_bounds = array<i64: 25>, scalar_prefetch = 0 : i64, scratch_operands = 0 : i64, tpu.core_type = #tpu.core_type<tc>, window_params = [{transform_indices = @transform_0, window_bounds = array<i64: 1, 400, 72>}, {transform_indices = @transform_1, window_bounds = array<i64: 1, 400, 72>}, {pipeline_mode = #tpu.pipeline_mode<synchronous>, transform_indices = @transform_2, window_bounds = array<i64: 128, 128>}, {pipeline_mode = #tpu.pipeline_mode<synchronous>, transform_indices = @transform_3, window_bounds = array<i64: 1, 128>}, {transform_indices = @transform_4, window_bounds = array<i64: 400, 128>}]} {
    %get3A = arith.constant 0 : index
    %get3A_0 = arith.constant 0 : index
    %get3A_1 = arith.constant 0 : index
    %get3A_2 = vector.load %arg1[%get3A, %get3A_0, %get3A_1] : memref<1x400x72xf32, #tpu.memory_space<vmem>>, vector<1x400x72xf32>
    %get3A_3 = vector.shape_cast %get3A_2 : vector<1x400x72xf32> to vector<400x72xf32>
    %get3A_4 = arith.constant 0 : index
    %get3A_5 = arith.constant 0 : index
    %get3A_6 = arith.constant 0 : index
    %get3A_7 = vector.load %arg2[%get3A_4, %get3A_5, %get3A_6] : memref<1x400x72xf32, #tpu.memory_space<vmem>>, vector<1x400x72xf32>
    %get3A_8 = vector.shape_cast %get3A_7 : vector<1x400x72xf32> to vector<400x72xf32>
    %slice3A = vector.extract_strided_slice %get3A_3 {offsets = [0, 0], sizes = [400, 1], strides = [1, 1]} : vector<400x72xf32> to vector<400x1xf32>
    %slice3A_9 = vector.extract_strided_slice %get3A_3 {offsets = [0, 8], sizes = [400, 16], strides = [1, 1]} : vector<400x72xf32> to vector<400x16xf32>
    %gt3A = arith.constant 0.000000e+00 : f32
    %gt3A_10 = vector.broadcast %gt3A : f32 to vector<400x1xf32>
    %gt3A_11 = arith.cmpf ogt, %slice3A, %gt3A_10 : vector<400x1xf32>
    %div3A = vector.broadcast %slice3A : vector<400x1xf32> to vector<400x16xf32>
    %div3A_12 = arith.divf %slice3A_9, %div3A : vector<400x16xf32>
    %jit3A = arith.constant 0.000000e+00 : f32
    %broadcast_in_dim3A = vector.shape_cast %gt3A_11 : vector<400x1xi1> to vector<400x1xi1>
    %broadcast_in_dim3A_13 = vector.broadcast %broadcast_in_dim3A : vector<400x1xi1> to vector<400x16xi1>
    %broadcast_in_dim3A_14 = vector.broadcast %jit3A : f32 to vector<400x16xf32>
    %select_n3A = arith.select %broadcast_in_dim3A_13, %div3A_12, %broadcast_in_dim3A_14 : vector<400x16xi1>, vector<400x16xf32>
    %slice3A_15 = vector.extract_strided_slice %get3A_3 {offsets = [0, 1], sizes = [400, 1], strides = [1, 1]} : vector<400x72xf32> to vector<400x1xf32>
    %slice3A_16 = vector.extract_strided_slice %get3A_3 {offsets = [0, 24], sizes = [400, 16], strides = [1, 1]} : vector<400x72xf32> to vector<400x16xf32>
    %gt3A_17 = arith.constant 0.000000e+00 : f32
    %gt3A_18 = vector.broadcast %gt3A_17 : f32 to vector<400x1xf32>
    %gt3A_19 = arith.cmpf ogt, %slice3A_15, %gt3A_18 : vector<400x1xf32>
    %div3A_20 = vector.broadcast %slice3A_15 : vector<400x1xf32> to vector<400x16xf32>
    %div3A_21 = arith.divf %slice3A_16, %div3A_20 : vector<400x16xf32>
    %jit3A_22 = arith.constant 0.000000e+00 : f32
    %broadcast_in_dim3A_23 = vector.shape_cast %gt3A_19 : vector<400x1xi1> to vector<400x1xi1>
    %broadcast_in_dim3A_24 = vector.broadcast %broadcast_in_dim3A_23 : vector<400x1xi1> to vector<400x16xi1>
    %broadcast_in_dim3A_25 = vector.broadcast %jit3A_22 : f32 to vector<400x16xf32>
    %select_n3A_26 = arith.select %broadcast_in_dim3A_24, %div3A_21, %broadcast_in_dim3A_25 : vector<400x16xi1>, vector<400x16xf32>
    %slice3A_27 = vector.extract_strided_slice %get3A_3 {offsets = [0, 2], sizes = [400, 1], strides = [1, 1]} : vector<400x72xf32> to vector<400x1xf32>
    %slice3A_28 = vector.extract_strided_slice %get3A_3 {offsets = [0, 40], sizes = [400, 16], strides = [1, 1]} : vector<400x72xf32> to vector<400x16xf32>
    %gt3A_29 = arith.constant 0.000000e+00 : f32
    %gt3A_30 = vector.broadcast %gt3A_29 : f32 to vector<400x1xf32>
    %gt3A_31 = arith.cmpf ogt, %slice3A_27, %gt3A_30 : vector<400x1xf32>
    %div3A_32 = vector.broadcast %slice3A_27 : vector<400x1xf32> to vector<400x16xf32>
    %div3A_33 = arith.divf %slice3A_28, %div3A_32 : vector<400x16xf32>
    %jit3A_34 = arith.constant 0.000000e+00 : f32
    %broadcast_in_dim3A_35 = vector.shape_cast %gt3A_31 : vector<400x1xi1> to vector<400x1xi1>
    %broadcast_in_dim3A_36 = vector.broadcast %broadcast_in_dim3A_35 : vector<400x1xi1> to vector<400x16xi1>
    %broadcast_in_dim3A_37 = vector.broadcast %jit3A_34 : f32 to vector<400x16xf32>
    %select_n3A_38 = arith.select %broadcast_in_dim3A_36, %div3A_33, %broadcast_in_dim3A_37 : vector<400x16xi1>, vector<400x16xf32>
    %slice3A_39 = vector.extract_strided_slice %get3A_3 {offsets = [0, 3], sizes = [400, 1], strides = [1, 1]} : vector<400x72xf32> to vector<400x1xf32>
    %slice3A_40 = vector.extract_strided_slice %get3A_3 {offsets = [0, 56], sizes = [400, 16], strides = [1, 1]} : vector<400x72xf32> to vector<400x16xf32>
    %gt3A_41 = arith.constant 0.000000e+00 : f32
    %gt3A_42 = vector.broadcast %gt3A_41 : f32 to vector<400x1xf32>
    %gt3A_43 = arith.cmpf ogt, %slice3A_39, %gt3A_42 : vector<400x1xf32>
    %div3A_44 = vector.broadcast %slice3A_39 : vector<400x1xf32> to vector<400x16xf32>
    %div3A_45 = arith.divf %slice3A_40, %div3A_44 : vector<400x16xf32>
    %jit3A_46 = arith.constant 0.000000e+00 : f32
    %broadcast_in_dim3A_47 = vector.shape_cast %gt3A_43 : vector<400x1xi1> to vector<400x1xi1>
    %broadcast_in_dim3A_48 = vector.broadcast %broadcast_in_dim3A_47 : vector<400x1xi1> to vector<400x16xi1>
    %broadcast_in_dim3A_49 = vector.broadcast %jit3A_46 : f32 to vector<400x16xf32>
    %select_n3A_50 = arith.select %broadcast_in_dim3A_48, %div3A_45, %broadcast_in_dim3A_49 : vector<400x16xi1>, vector<400x16xf32>
    %slice3A_51 = vector.extract_strided_slice %get3A_8 {offsets = [0, 0], sizes = [400, 1], strides = [1, 1]} : vector<400x72xf32> to vector<400x1xf32>
    %slice3A_52 = vector.extract_strided_slice %get3A_8 {offsets = [0, 8], sizes = [400, 16], strides = [1, 1]} : vector<400x72xf32> to vector<400x16xf32>
    %gt3A_53 = arith.constant 0.000000e+00 : f32
    %gt3A_54 = vector.broadcast %gt3A_53 : f32 to vector<400x1xf32>
    %gt3A_55 = arith.cmpf ogt, %slice3A_51, %gt3A_54 : vector<400x1xf32>
    %div3A_56 = vector.broadcast %slice3A_51 : vector<400x1xf32> to vector<400x16xf32>
    %div3A_57 = arith.divf %slice3A_52, %div3A_56 : vector<400x16xf32>
    %jit3A_58 = arith.constant 0.000000e+00 : f32
    %broadcast_in_dim3A_59 = vector.shape_cast %gt3A_55 : vector<400x1xi1> to vector<400x1xi1>
    %broadcast_in_dim3A_60 = vector.broadcast %broadcast_in_dim3A_59 : vector<400x1xi1> to vector<400x16xi1>
    %broadcast_in_dim3A_61 = vector.broadcast %jit3A_58 : f32 to vector<400x16xf32>
    %select_n3A_62 = arith.select %broadcast_in_dim3A_60, %div3A_57, %broadcast_in_dim3A_61 : vector<400x16xi1>, vector<400x16xf32>
    %slice3A_63 = vector.extract_strided_slice %get3A_8 {offsets = [0, 1], sizes = [400, 1], strides = [1, 1]} : vector<400x72xf32> to vector<400x1xf32>
    %slice3A_64 = vector.extract_strided_slice %get3A_8 {offsets = [0, 24], sizes = [400, 16], strides = [1, 1]} : vector<400x72xf32> to vector<400x16xf32>
    %gt3A_65 = arith.constant 0.000000e+00 : f32
    %gt3A_66 = vector.broadcast %gt3A_65 : f32 to vector<400x1xf32>
    %gt3A_67 = arith.cmpf ogt, %slice3A_63, %gt3A_66 : vector<400x1xf32>
    %div3A_68 = vector.broadcast %slice3A_63 : vector<400x1xf32> to vector<400x16xf32>
    %div3A_69 = arith.divf %slice3A_64, %div3A_68 : vector<400x16xf32>
    %jit3A_70 = arith.constant 0.000000e+00 : f32
    %broadcast_in_dim3A_71 = vector.shape_cast %gt3A_67 : vector<400x1xi1> to vector<400x1xi1>
    %broadcast_in_dim3A_72 = vector.broadcast %broadcast_in_dim3A_71 : vector<400x1xi1> to vector<400x16xi1>
    %broadcast_in_dim3A_73 = vector.broadcast %jit3A_70 : f32 to vector<400x16xf32>
    %select_n3A_74 = arith.select %broadcast_in_dim3A_72, %div3A_69, %broadcast_in_dim3A_73 : vector<400x16xi1>, vector<400x16xf32>
    %slice3A_75 = vector.extract_strided_slice %get3A_8 {offsets = [0, 2], sizes = [400, 1], strides = [1, 1]} : vector<400x72xf32> to vector<400x1xf32>
    %slice3A_76 = vector.extract_strided_slice %get3A_8 {offsets = [0, 40], sizes = [400, 16], strides = [1, 1]} : vector<400x72xf32> to vector<400x16xf32>
    %gt3A_77 = arith.constant 0.000000e+00 : f32
    %gt3A_78 = vector.broadcast %gt3A_77 : f32 to vector<400x1xf32>
    %gt3A_79 = arith.cmpf ogt, %slice3A_75, %gt3A_78 : vector<400x1xf32>
    %div3A_80 = vector.broadcast %slice3A_75 : vector<400x1xf32> to vector<400x16xf32>
    %div3A_81 = arith.divf %slice3A_76, %div3A_80 : vector<400x16xf32>
    %jit3A_82 = arith.constant 0.000000e+00 : f32
    %broadcast_in_dim3A_83 = vector.shape_cast %gt3A_79 : vector<400x1xi1> to vector<400x1xi1>
    %broadcast_in_dim3A_84 = vector.broadcast %broadcast_in_dim3A_83 : vector<400x1xi1> to vector<400x16xi1>
    %broadcast_in_dim3A_85 = vector.broadcast %jit3A_82 : f32 to vector<400x16xf32>
    %select_n3A_86 = arith.select %broadcast_in_dim3A_84, %div3A_81, %broadcast_in_dim3A_85 : vector<400x16xi1>, vector<400x16xf32>
    %slice3A_87 = vector.extract_strided_slice %get3A_8 {offsets = [0, 3], sizes = [400, 1], strides = [1, 1]} : vector<400x72xf32> to vector<400x1xf32>
    %slice3A_88 = vector.extract_strided_slice %get3A_8 {offsets = [0, 56], sizes = [400, 16], strides = [1, 1]} : vector<400x72xf32> to vector<400x16xf32>
    %gt3A_89 = arith.constant 0.000000e+00 : f32
    %gt3A_90 = vector.broadcast %gt3A_89 : f32 to vector<400x1xf32>
    %gt3A_91 = arith.cmpf ogt, %slice3A_87, %gt3A_90 : vector<400x1xf32>
    %div3A_92 = vector.broadcast %slice3A_87 : vector<400x1xf32> to vector<400x16xf32>
    %div3A_93 = arith.divf %slice3A_88, %div3A_92 : vector<400x16xf32>
    %jit3A_94 = arith.constant 0.000000e+00 : f32
    %broadcast_in_dim3A_95 = vector.shape_cast %gt3A_91 : vector<400x1xi1> to vector<400x1xi1>
    %broadcast_in_dim3A_96 = vector.broadcast %broadcast_in_dim3A_95 : vector<400x1xi1> to vector<400x16xi1>
    %broadcast_in_dim3A_97 = vector.broadcast %jit3A_94 : f32 to vector<400x16xf32>
    %select_n3A_98 = arith.select %broadcast_in_dim3A_96, %div3A_93, %broadcast_in_dim3A_97 : vector<400x16xi1>, vector<400x16xf32>
    %concatenate3A = tpu.concatenate %select_n3A, %select_n3A_26, %select_n3A_38, %select_n3A_50, %select_n3A_62, %select_n3A_74, %select_n3A_86, %select_n3A_98 in 1 : vector<400x16xf32>, vector<400x16xf32>, vector<400x16xf32>, vector<400x16xf32>, vector<400x16xf32>, vector<400x16xf32>, vector<400x16xf32>, vector<400x16xf32> -> vector<400x128xf32>
    %get3A_99 = arith.constant 0 : index
    %get3A_100 = arith.constant 0 : index
    %get3A_101 = vector.load %arg3[%get3A_99, %get3A_100] : memref<128x128xf32, #tpu.memory_space<vmem>>, vector<128x128xf32>
    %dot_general3A = arith.constant dense<0.000000e+00> : vector<400x128xf32>
    %dot_general3A_102 = tpu.matmul %concatenate3A, %get3A_101, %dot_general3A {dimension_numbers = #tpu.dot_dimension_numbers<[1], [1], [0], [0], [0, 0, 1, 0], [], []>, transpose_lhs_hint = false} : vector<400x128xf32>, vector<128x128xf32>, vector<400x128xf32> -> vector<400x128xf32>
    %get3A_103 = arith.constant 0 : index
    %get3A_104 = arith.constant 0 : index
    %get3A_105 = vector.load %arg4[%get3A_103, %get3A_104] : memref<1x128xf32, #tpu.memory_space<vmem>>, vector<1x128xf32>
    %add3A = vector.broadcast %get3A_105 : vector<1x128xf32> to vector<400x128xf32>
    %add3A_106 = arith.addf %dot_general3A_102, %add3A : vector<400x128xf32>
    %swap3A = arith.constant 0 : index
    %swap3A_107 = arith.constant 0 : index
    %swap3A_108 = vector.load %arg5[%swap3A, %swap3A_107] : memref<400x128xf32, #tpu.memory_space<vmem>>, vector<400x128xf32>
    tpu.vector_store %arg5[%swap3A, %swap3A_107], %add3A_106 {strides = array<i32>} : memref<400x128xf32, #tpu.memory_space<vmem>>, vector<400x128xf32>,
    return
  }
  func.func @transform_0(%arg0: i32) -> (i32, i32, i32) {
    %c0_i32 = arith.constant 0 : i32
    %c0_i32_0 = arith.constant 0 : i32
    %c0_i32_1 = arith.constant 0 : i32
    return %c0_i32, %arg0, %c0_i32_0 : i32, i32, i32
  }
  func.func @transform_1(%arg0: i32) -> (i32, i32, i32) {
    %c1_i32 = arith.constant 1 : i32
    %c0_i32 = arith.constant 0 : i32
    %c0_i32_0 = arith.constant 0 : i32
    return %c1_i32, %arg0, %c0_i32 : i32, i32, i32
  }
  func.func @transform_2(%arg0: i32) -> (i32, i32) {
    %c0_i32 = arith.constant 0 : i32
    %c0_i32_0 = arith.constant 0 : i32
    %c0_i32_1 = arith.constant 0 : i32
    return %c0_i32, %c0_i32_0 : i32, i32
  }
  func.func @transform_3(%arg0: i32) -> (i32, i32) {
    %c0_i32 = arith.constant 0 : i32
    %c0_i32_0 = arith.constant 0 : i32
    %c0_i32_1 = arith.constant 0 : i32
    return %c0_i32, %c0_i32_0 : i32, i32
  }
  func.func @transform_4(%arg0: i32) -> (i32, i32) {
    %c0_i32 = arith.constant 0 : i32
    %c0_i32_0 = arith.constant 0 : i32
    return %arg0, %c0_i32 : i32, i32
  }
}

</mosaic_0001>

<sc_bundles>
// kernel: kernel.5.cloned.1.call-start
scs
__scs_entry_jumppad:
0x0: {  	(pc) =	sbr.rel $0x88, $3  }
0x1: {  	(tag) =	ssettag $0x0;
	lr =	simm.s32 $0x1  }
0x2: {  	[smem:$0x3F97] =	sst lr;
	_ =	strace $0xD0000000  }
0x3: {  	_ = 	snop  }
0x4: {  	_ = 	snop  }
0x5: {  	_ = 	snop  }
0x6: {  	_ = 	snop  }
0x7: {  	_ = 	snop  }
__scs_overlays_trampoline_lowered:
0x8: {  	[smem:$0x3FA6] =	sst s0  }
0x9: {  	[smem:$0x3FA7] =	sst s1  }
0xa: {  	[smem:$0x3FA8] =	sst s2  }
0xb: {  	[smem:$0x3FA9] =	sst s3  }
0xc: {  	[smem:$0x3FAA] =	sst s4  }
0xd: {  	[smem:$0x3FAB] =	sst s5  }
0xe: {  	[smem:$0x3FAC] =	sst s6  }
0xf: {  	[smem:$0x3FAD] =	sst s7  }
0x10: {  	[smem:$0x3FAE] =	sst s8  }
0x11: {  	[smem:$0x3FAF] =	sst s9;
	s0 =	simm.s32 @!p0 $0x0  }
0x12: {  	s1 =	sld [smem:$0x3F95];
	s0 =	simm.s32 @p0 $0x1  }
0x13: {  	[smem:$0x3FB0] =	sst s0;
	s0 =	simm.s32 @!p1 $0x0  }
0x14: {  	s2 =	sld [smem:$0x3F94];
	s0 =	simm.s32 @p1 $0x1  }
0x15: {  	[smem:$0x3FB1] =	sst s0;
	s0 =	simm.s32 @!p2 $0x0  }
0x16: {  	s3 =	sld [smem:$0x3FDB];
	s0 =	simm.s32 @p2 $0x1  }
0x17: {  	s4 =	simm.s32 $0x1BF5;
	[smem:$0x3FB3] =	sst s0  }
0x18: {  	s0 =	sld [smem:$0x3F96];
	_ =	swait.ge [sflag:s4], $0x0  }
0x19: {  	s7 =	sld [smem:$0x3F97]  }
0x1a: {  	s8 =	sadd.s32 $0xFFFFE003, lr  }
0x1b: {  	s9 =	sadd.s32 $0xFFFFFEF7, lr;
	s5 =	simm.s32 $0xFFFFFFFF;
	p2 =	slt.u32 s8, $0xFFFFF086  }
0x1c: {  	p1 =	slt.u32 s9, $0xF7A;
	s5 =	simm.s32 @!p2 $0x0  }
0x1d: {  	s5 =	simm.s32 @p1 $0x1;
	p0 =	seq.s32 s7, s2  }
0x1e: {  	s7 =	smul.u32 @!p0 $0xF7A, s2;
	p2 =	seq.s32 @!p0 s5, $0x0  }
0x1f: {  	s9 =	smul.u32 $0xF7A, s1;
	s8 =	simm.s32 @!p0 $0x1BF5;
	p2 =	por !p2, p0  }
0x20: {  	[sflag:s8] =	ssyncset.s32 @!p0 $0xFFFFF086;
	s6 =	sadd.s32 @!p0 s3, s7;
	s7 =	simm.s32 @!p0 $0x108  }
0x21: {  	s3 =	sadd.s32 s3, s9;
	s6 =	sadd.s32 @!p0 $0x88, s6;
	s7 =	simm.s32 @p2 $0x1082  }
0x22: {  	[simem:s7], [sflag:s8] =	dma.local @!p0 [hbm:s6], $0xF7A  }
0x23: {  	s9 =	sor.u32 $0xD0000000, s2;
	s6 =	simm.s32 $0x108;
	_ =	swait.ge @!p0 [sflag:s8], $0x0  }
0x24: {  	s3 =	sadd.s32 $0x88, s3;
	s6 =	simm.s32 @!p1 $0x1082;
	[sflag:s4] =	ssyncset.s32 $0xFFFFF086  }
0x25: {  	[simem:s6], [sflag:s4] =	dma.local [hbm:s3], $0xF7A  }
0x26: {  	[smem:$0x3F97] =	sst s1;
	(tag) =	ssettag s2;
	_ =	strace s9  }
0x27: {  	s1 =	sld [smem:$0x3FA7]  }
0x28: {  	s2 =	sld [smem:$0x3FA8]  }
0x29: {  	s4 =	sld [smem:$0x3FAA]  }
0x2a: {  	p0 =	seq.s32 s5, $0x0;
	s5 =	sld [smem:$0x3FAB]  }
0x2b: {  	s6 =	sld [smem:$0x3FAC]  }
0x2c: {  	s7 =	sld [smem:$0x3FAD]  }
0x2d: {  	s3 =	simm.s32 $0x108;
	s8 =	sld [smem:$0x3FAE]  }
0x2e: {  	s3 =	simm.s32 @!p0 $0x1082;
	s9 =	sld [smem:$0x3FAF]  }
0x2f: {  	lr =	sadd.s32 s0, s3;
	s0 =	sld [smem:$0x3FA6]  }
0x30: {  	s3 =	sld [smem:$0x3FA9]  }
0x31: {  	[smem:$0x3FB2] =	sst s10  }
0x32: {  	s10 =	sld [smem:$0x3FB0];
	_ =	sdelay $0x3  }
0x33: {  	p0 =	seq.s32 s10, $0x1;
	s10 =	sld [smem:$0x3FB2];
	_ =	sdelay $0x3  }
0x34: {  	[smem:$0x3FB2] =	sst s10  }
0x35: {  	s10 =	sld [smem:$0x3FB1];
	_ =	sdelay $0x3  }
0x36: {  	p1 =	seq.s32 s10, $0x1;
	s10 =	sld [smem:$0x3FB2];
	_ =	sdelay $0x3  }
0x37: {  	[smem:$0x3FB2] =	sst s10  }
0x38: {  	s10 =	sld [smem:$0x3FB3]  }
0x39: {  	_ = 	snop;
	(pc) =	sbr.ind lr, $3  }
0x3a: {  	_ = 	snop  }
0x3b: {  	_ = 	snop  }
0x3c: {  	p2 =	seq.s32 s10, $0x1;
	s10 =	sld [smem:$0x3FB2]  }
0x3d: {  	_ =	shalt  }
0x3e: {  	_ =	shalt  }
0x3f: {  	_ =	shalt  }
0x40: {  	_ =	shalt  }
0x41: {  	_ =	shalt  }
0x42: {  	_ =	shalt  }
0x43: {  	_ =	shalt  }
0x44: {  	_ =	shalt  }
0x45: {  	_ =	shalt  }
0x46: {  	_ =	shalt  }
0x47: {  	_ =	shalt  }
0x48: {  	_ =	shalt  }
0x49: {  	_ =	shalt  }
0x4a: {  	_ =	shalt  }
0x4b: {  	_ =	shalt  }
0x4c: {  	_ =	shalt  }
0x4d: {  	_ =	shalt  }
0x4e: {  	_ =	shalt  }
0x4f: {  	_ =	shalt  }
0x50: {  	_ =	shalt  }
0x51: {  	_ =	shalt  }
0x52: {  	_ =	shalt  }
0x53: {  	_ =	shalt  }
0x54: {  	_ =	shalt  }
0x55: {  	_ =	shalt  }
0x56: {  	_ =	shalt  }
0x57: {  	_ =	shalt  }
0x58: {  	_ =	shalt  }
0x59: {  	_ =	shalt  }
0x5a: {  	_ =	shalt  }
0x5b: {  	_ =	shalt  }
0x5c: {  	_ =	shalt  }
0x5d: {  	_ =	shalt  }
0x5e: {  	_ =	shalt  }
0x5f: {  	_ =	shalt  }
0x60: {  	_ =	shalt  }
0x61: {  	_ =	shalt  }
0x62: {  	_ =	shalt  }
0x63: {  	_ =	shalt  }
0x64: {  	_ =	shalt  }
0x65: {  	_ =	shalt  }
0x66: {  	_ =	shalt  }
0x67: {  	_ =	shalt  }
0x68: {  	_ =	shalt  }
0x69: {  	_ =	shalt  }
0x6a: {  	_ =	shalt  }
0x6b: {  	_ =	shalt  }
0x6c: {  	_ =	shalt  }
0x6d: {  	_ =	shalt  }
0x6e: {  	_ =	shalt  }
0x6f: {  	_ =	shalt  }
0x70: {  	_ =	shalt  }
0x71: {  	_ =	shalt  }
0x72: {  	_ =	shalt  }
0x73: {  	_ =	shalt  }
0x74: {  	_ =	shalt  }
0x75: {  	_ =	shalt  }
0x76: {  	_ =	shalt  }
0x77: {  	_ =	shalt  }
0x78: {  	_ =	shalt  }
0x79: {  	_ =	shalt  }
0x7a: {  	_ =	shalt  }
0x7b: {  	_ =	shalt  }
0x7c: {  	_ =	shalt  }
0x7d: {  	_ =	shalt  }
0x7e: {  	_ =	shalt  }
0x7f: {  	_ =	shalt  }
0x80: {  	_ =	shalt  }
0x81: {  	_ =	shalt  }
0x82: {  	_ =	shalt  }
0x83: {  	_ =	shalt  }
0x84: {  	_ =	shalt  }
0x85: {  	_ =	shalt  }
0x86: {  	_ =	shalt  }
0x87: {  	_ =	shalt  }
.Lfunc_end0:
.L_simem_size_0:
called_computation_lowered:
.L_overlay_start_0:
0x88: {  	s2 =	sld [smem:$0x3FD9]  }
0x89: {  	s3 =	sld [smem:$0x3FFE];
	_ =	sdelay $0x1  }
0x8a: {  	s1 =	srdreg.scid  }
0x8b: {  	s0 =	sand.u32 $0x1, s1  }
0x8c: {  	s17 =	sshll.u32 s0, $0xA;
	s2 =	sadd.s32 s3, s2  }
0x8d: {  	s2 =	sadd.s32 s2, s17  }
0x8e: {  	[smem:$0x3FBE] =	sst s2  }
0x8f: {  	_ = 	snop  }
0x90: {  	s2 =	sld [smem:$0x3FD0];
	(tm) =	ssettm $0x1  }
0x91: {  	s18 =	sld [smem:$0x3FFB];
	_ =	sdelay $0x3  }
0x92: {  	_ =	strace s18  }
0x93: {  	s3 =	sld [smem:$0x3FFC];
	_ =	sdelay $0x3  }
0x94: {  	_ =	strace s3  }
0x95: {  	s3 =	sld [smem:$0x3FFD];
	_ =	sdelay $0x3  }
0x96: {  	_ =	strace s3  }
0x97: {  	_ =	strace $0x8FFFFFFF  }
0x98: {  	s19 =	sld [smem:$0x3FDB];
	_ =	sdelay $0x1  }
0x99: {  	s4 =	simm.s32 $_scs_section_size  }
0x9a: {  	s5 =	simm.s32 $_size__tile_overlayer_lowered;
	s6 =	simm.s32 $_tile_overlayer_lowered  }
0x9b: {  	s22 =	simm.s32 $0x1BFF;
	s21 =	sshll.u32 s6, $0x1;
	s3 =	sadd.s32 s4, s19  }
0x9c: {  	s7 =	simm.s32 $0x0;
	s20 =	sshll.u32 s5, $0x1;
	s5 =	sadd.s32 s21, s3  }
0x9d: {  	[timem:s7], [sflag:s22] =	dma.local [hbm:s5], s20  }
0x9e: {  	_ =	swait.ge [sflag:s22], s20  }
0x9f: {  	s4 =	ssub.s32 $0x0, s20;
	[sflag:s22] =	ssyncset.done $0x0  }
0xa0: {  	[sflag:s22] =	ssyncadd.s32 s4;
	_ =	sdelay $0x1  }
0xa1: {  	s23 =	simm.s32 $0x1B8B  }
0xa2: {  	_ =	swait.ge [sflag:s23], $0x1  }
0xa3: {  	[sflag:s23] =	ssyncset.done $0x0  }
0xa4: {  	s25 =	simm.s32 $0x1B8E;
	s24 =	sld [smem:$0x3FFE];
	[sflag:s23] =	ssyncadd.s32 $0xFFFFFFFF  }
0xa5: {  	s26 =	simm.s32 $execute0_lowered;
	[smem:$0x3FD2] =	sst s25  }
0xa6: {  	s5 =	sshll.u32 s26, $0x1;
	_ =	strace $0x80000046;
	[dreg:$0x1] =	wrdreg $0xFFFFFFFF  }
0xa7: {  	s28 =	simm.s32 $_size_execute0_lowered;
	s3 =	sadd.s32 s3, s5;
	[dreg:$0x0] =	wrdreg $0x0  }
0xa8: {  	s5 =	sshll.u32 s28, $0x1;
	[dreg:$0x2] =	wrdreg s3  }
0xa9: {  	[dreg:$0x3] =	wrdreg s5  }
0xaa: {  	[dreg:$0x4] =	wrdreg $0xC0  }
0xab: {  	_ =	task [dreg:s7], $0x5FFFF  }
0xac: {  	[dreg:$0x1] =	wrdreg $0xFFFFFFFF  }
0xad: {  	[dreg:$0x0] =	wrdreg $0x60  }
0xae: {  	[dreg:$0x2] =	wrdreg s24  }
0xaf: {  	[dreg:$0x3] =	wrdreg s2  }
0xb0: {  	[dreg:$0x4] =	wrdreg $0x100000  }
0xb1: {  	[dreg:$0x5] =	wrdreg $0x9  }
0xb2: {  	_ =	task.clear_ibuf [dreg:s7], $0x6FFFF;
	_ =	strace $0x90000046  }
0xb3: {  	s29 =	simm.s32 $0x9;
	_ =	strace $0x80000048  }
0xb4: {  	_ =	swait.ge [sflag:s29], $0x1  }
0xb5: {  	[sflag:s29] =	ssyncadd.s32 $0xFFFFFFFF  }
0xb6: {  	_ =	strace $0x90000048  }
0xb7: {  	_ =	sfence  }
0xb8: {  	s30 =	sld [smem:$0x0];
	_ =	sdelay $0x2  }
0xb9: {  	s31 =	sshll.u32 s1, $0xD;
	s1 =	sshrl.u32 s1, $0x2  }
0xba: {  	s3 =	sand.u32 $0x4000, s31;
	s1 =	sadd.s32 s1, s30  }
0xbb: {  	s0 =	sor.u32 s3, s0;
	s1 =	sshll.u32 s1, $0x11  }
0xbc: {  	s0 =	sor.u32 s1, s0  }
0xbd: {  	s0 =	sadd.s32 $0x8F2B, s0  }
0xbe: {  	[sflag:s0] =	ssyncadd.remote.s32 $0x1  }
0xbf: {  	_ =	sfence.sel $0xFFFF  }
0xc0: {  	[dreg:$0x0] =	wrdreg $0xFFFFFFFF;
	(pc) =	sbr.abs _section_cstart, $3  }
0xc1: {  	[dreg:$0x1] =	wrdreg $0xFFFFFFFF  }
0xc2: {  	_ =	task.clear_ibuf [dreg:s7], $0x2FFFF;
	_ =	strace $0x9FFFFFFF  }
0xc3: {  	(tm) =	ssettm $0x7FFFFFFF  }
tec
execute0_lowered:
.L_overlay_start_1:
0x0: {  	(tag) =	ssettag $0x1  }
0x1: {  	s0 =	rddreg [dreg:$0x0]  }
0x2: {  	s1 =	srdreg.scid;
	s9 =	stileid.u32  }
0x3: {  	s4 =	rddreg [dreg:$0x1];
	s7 =	smul.u32 $0xB010, s9  }
0x4: {  	s2 =	rddreg [dreg:$0x2];
	s20 =	smul.u32 $0x9E0, s9  }
0x5: {  	s3 =	simm.s32 $0x0;
	s1 =	sand.u32 $0x1, s1;
	s9 =	smul.u32 $0x2C040, s9  }
0x6: {  	s28 =	simm.s32 $0xBE00;
	s29 =	simm.s32 $0x2;
	s5 =	smul.u32 $0x27100, s1  }
0x7: {  	s30 =	simm.s32 $0x3;
	s31 =	simm.s32 $0x0;
	s6 =	smul.u32 $0x13900, s1  }
0x8: {  	[smem:$0x7FF] =	sst s3;
	s8 =	smul.u32 $0xB0100, s1;
	s1 =	ssub.s32 $0x2, s1  }
0x9: {  	_ =	strace $0x80000047;
	s10 =	sadd.s32 s20, s0;
	s21 =	sshrl.u32 s1, $0x1  }
0xa: {  	s4 =	sadd.s32 s4, s20;
	s22 =	sshrl.u32 s9, $0x2;
	s20 =	simm.s32 $0x4  }
0xb: {  	s5 =	sadd.s32 s5, s0;
	s17 =	sadd.s32 s6, s0;
	s8 =	sadd.s32 s7, s8  }
0xc: {  	s1 =	ssub.s32 s1, s21;
	[dreg:$0x4] =	wrdreg s4;
	s23 =	sadd.s32 $0x1400, s10  }
0xd: {  	s6 =	sadd.s32 s7, s2;
	s4 =	sadd.s32 s22, s2;
	s21 =	simm.s32 $0x4F00  }
0xe: {  	s22 =	simm.s32 $0xEE00;
	s8 =	sshrl.u32 s8, $0x3;
	[dreg:$0x5] =	wrdreg s23  }
0xf: {  	s24 =	sadd.s32 $0x1200, s4;
	s25 =	sadd.s32 $0x2400, s4;
	s26 =	sadd.s32 $0x3600, s4  }
0x10: {  	s10 =	sadd.s32 $0x4800, s4;
	s11 =	sadd.s32 $0x5A00, s4;
	s12 =	sadd.s32 $0x6C00, s4  }
.Ltmp0:
0x11: {  	s13 =	sadd.s32 $0x7E00, s4;
	s14 =	sadd.s32 $0x9000, s4;
	(pc) =	sbr.rel .LBB2_1-.Ltmp0, $4  }
0x12: {  	s15 =	sadd.s32 $0xA200, s4;
	s16 =	sadd.s32 $0x4F800, s5;
	[dreg:$0x6] =	wrdreg s24  }
0x13: {  	v0 =	vlaneseq.u32;
	s17 =	sadd.s32 $0x9DA00, s17;
	s19 =	smax.u32 s1, $0x1;
	[dreg:$0x7] =	wrdreg s25  }
0x14: {  	v1 =	vimm.f32 $0.0e+00;
	vm0 =	vmmov $0x1;
	vm1 =	vcmask $0x310;
	s23 =	simm.s32 $0x40;
	s0 =	sadd.s32 s8, s0;
	[dreg:$0x8] =	wrdreg s26  }
0x15: {  	vm2 =	vcmask $0x710;
	vm3 =	vcmask $0xB10;
	v2 =	vand.u32 $0x7, v0;
	s25 =	simm.s32 $0xDE00;
	s26 =	simm.s32 $0x1;
	s18 =	sadd.s32 $0xB200, s0  }
.LBB2_10:
0x16: {  	s0 =	stileid.u32;
	s31 =	sadd.s32 $0x1, s31  }
0x17: {  	[bflag:$0x0] =	sbarrier.arrive $0xFFFF;
	s0 =	sshll.u32 s0, $0x6;
	p0 =	sne.s32 s31, s19  }
.Ltmp1:
0x18: {  	s1 =	sshrl.u32 s6, $0x3;
	s0 =	sor.u32 $0x1C04, s0;
	(pc) =	sbr.rel @!p0 .LBB2_11-.Ltmp1, $4  }
0x19: {  	[hbm:s18], [sflag:s0] =	dma.local [spmem:s1], $0x1602  }
0x1a: {  	_ =	swait.ge [sflag:s20], $0x1602  }
0x1b: {  	[sflag:s20] =	ssyncset.done $0x0  }
0x1c: {  	[sflag:s20] =	ssyncadd.s32 $0xFFFFE9FE  }
.LBB2_1:
0x1d: {  	s0 =	rddreg [dreg:$0x4]  }
0x1e: {  	[tilespmem:s3], [sflag:$0x4] =	stream.linear.gather [hbm4b:s0+s3], $0x4F00, $0x38;
	[tilespmem:$0x1B010] =	vst v63  }
0x1f: {  	v3 =	vmov s3;
	_ =	swait.ge [sflag:s20], $0x4F00  }
0x20: {  	v3 =	vmul.u32 $0x48, v3;
	[sflag:s20] =	ssyncset.done $0x0  }
0x21: {  	s24 =	rddreg [dreg:$0x5];
	[sflag:s20] =	ssyncadd.s32 $0xFFFFB100  }
0x22: {  	v3 =	vadd.s32 $0x40, v3;
	[tilespmem:s21], [sflag:$0x4] =	stream.linear.gather [hbm4b:s24+s3], $0x4F00, $0x38;
	[tilespmem:$0x1B010] =	vst v63  }
0x23: {  	v3 =	vbroadcast v3, $0x0;
	_ =	swait.ge [sflag:s20], $0x4F00  }
0x24: {  	s1 =	simm.s32 $0x1;
	[sflag:s20] =	ssyncset.done $0x0  }
0x25: {  	s0 =	simm.s32 $0xEE20;
	v4 =	vor.u32 v2, v3;
	v3 =	vmov s1;
	[sflag:s20] =	ssyncadd.s32 $0xFFFFB100  }
0x26: {  	v3 =	vmul.u32 $0x48, v3;
	[tilespmem:s0+$0xFFFFFFF0] =	vst v1  }
0x27: {  	[tilespmem:s0+$0x0] =	vst v1  }
0x28: {  	[tilespmem:s0+$0x10] =	vst v1;
	v3 =	vadd.s32 $0x40, v3  }
0x29: {  	[tilespmem:s0+$0xFFFFFFE0] =	vst v1;
	v3 =	vbroadcast v3, $0x0  }
0x2a: {  	s1 =	simm.s32 $0x2;
	[tilespmem:v4+s22+$0x0] =	vst.idx.msk $0xffff, v1  }
.LBB2_2:
0x2b: {  	v4 =	vmov s1;
	p0 =	sne.s32 s1, $0x3F;
	s1 =	sadd.s32 $0x1, s1;
	v5 =	vor.u32 v2, v3;
	s0 =	sadd.s32 $0x48, s0  }
.Ltmp2:
0x2c: {  	v3 =	vmul.u32 $0x48, v4;
	[tilespmem:s0+$0xFFFFFFF0] =	vst v1;
	(pc) =	sbr.rel @p0 .LBB2_2-.Ltmp2, $4  }
0x2d: {  	[tilespmem:s0+$0x0] =	vst v1  }
0x2e: {  	v3 =	vadd.s32 $0x40, v3;
	[tilespmem:s0+$0x10] =	vst v1  }
0x2f: {  	v3 =	vbroadcast v3, $0x0;
	[tilespmem:s0+$0xFFFFFFE0] =	vst v1  }
0x30: {  	[tilespmem:v5+s22+$0x0] =	vst.idx.msk $0xffff, v1  }
0x31: {  	v3 =	vor.u32 v2, v3;
	s0 =	sadd.s32 $0x48, s0  }
0x32: {  	[tilespmem:s0+$0xFFFFFFF0] =	vst v1  }
0x33: {  	[tilespmem:s0+$0x0] =	vst v1  }
0x34: {  	[tilespmem:s0+$0x10] =	vst v1  }
0x35: {  	[tilespmem:s0+$0xFFFFFFE0] =	vst v1  }
0x36: {  	[tilespmem:v3+s22+$0x0] =	vst.idx.msk $0xffff, v1  }
0x37: {  	[spmem:s6] =	stream.linear.scatter [tilespmem:s22], [sflag:$0x4], $0x1200, $0x38;
	[tilespmem:$0x1B010] =	vst v63  }
0x38: {  	_ =	swait.ge [sflag:s20], $0x1200  }
0x39: {  	[sflag:s20] =	ssyncset.done $0x0  }
0x3a: {  	s8 =	rddreg [dreg:$0x6];
	[sflag:s20] =	ssyncadd.s32 $0xFFFFEE00  }
0x3b: {  	[spmem:s8] =	stream.linear.scatter [tilespmem:s22], [sflag:$0x4], $0x1200, $0x38;
	[tilespmem:$0x1B010] =	vst v63  }
0x3c: {  	_ =	swait.ge [sflag:s20], $0x1200  }
0x3d: {  	[sflag:s20] =	ssyncset.done $0x0  }
0x3e: {  	s9 =	rddreg [dreg:$0x7];
	[sflag:s20] =	ssyncadd.s32 $0xFFFFEE00  }
0x3f: {  	[spmem:s9] =	stream.linear.scatter [tilespmem:s22], [sflag:$0x4], $0x1200, $0x38;
	[tilespmem:$0x1B010] =	vst v63  }
0x40: {  	_ =	swait.ge [sflag:s20], $0x1200  }
0x41: {  	[sflag:s20] =	ssyncset.done $0x0  }
0x42: {  	s24 =	rddreg [dreg:$0x8];
	[sflag:s20] =	ssyncadd.s32 $0xFFFFEE00  }
0x43: {  	[spmem:s24] =	stream.linear.scatter [tilespmem:s22], [sflag:$0x4], $0x1200, $0x38;
	[tilespmem:$0x1B010] =	vst v63  }
0x44: {  	_ =	swait.ge [sflag:s20], $0x1200  }
0x45: {  	[sflag:s20] =	ssyncset.done $0x0  }
0x46: {  	[sflag:s20] =	ssyncadd.s32 $0xFFFFEE00  }
0x47: {  	[spmem:s10] =	stream.linear.scatter [tilespmem:s22], [sflag:$0x4], $0x1200, $0x38;
	[tilespmem:$0x1B010] =	vst v63  }
0x48: {  	_ =	swait.ge [sflag:s20], $0x1200  }
0x49: {  	[sflag:s20] =	ssyncset.done $0x0  }
0x4a: {  	[sflag:s20] =	ssyncadd.s32 $0xFFFFEE00  }
0x4b: {  	[spmem:s11] =	stream.linear.scatter [tilespmem:s22], [sflag:$0x4], $0x1200, $0x38;
	[tilespmem:$0x1B010] =	vst v63  }
0x4c: {  	_ =	swait.ge [sflag:s20], $0x1200  }
0x4d: {  	[sflag:s20] =	ssyncset.done $0x0  }
0x4e: {  	[sflag:s20] =	ssyncadd.s32 $0xFFFFEE00  }
0x4f: {  	[spmem:s12] =	stream.linear.scatter [tilespmem:s22], [sflag:$0x4], $0x1200, $0x38;
	[tilespmem:$0x1B010] =	vst v63  }
0x50: {  	_ =	swait.ge [sflag:s20], $0x1200  }
0x51: {  	[sflag:s20] =	ssyncset.done $0x0  }
0x52: {  	[sflag:s20] =	ssyncadd.s32 $0xFFFFEE00  }
0x53: {  	[spmem:s13] =	stream.linear.scatter [tilespmem:s22], [sflag:$0x4], $0x1200, $0x38;
	[tilespmem:$0x1B010] =	vst v63  }
0x54: {  	_ =	swait.ge [sflag:s20], $0x1200  }
0x55: {  	[sflag:s20] =	ssyncset.done $0x0  }
0x56: {  	[sflag:s20] =	ssyncadd.s32 $0xFFFFEE00  }
0x57: {  	[spmem:s14] =	stream.linear.scatter [tilespmem:s22], [sflag:$0x4], $0x1200, $0x38;
	[tilespmem:$0x1B010] =	vst v63  }
0x58: {  	_ =	swait.ge [sflag:s20], $0x1200  }
0x59: {  	[sflag:s20] =	ssyncset.done $0x0  }
0x5a: {  	[sflag:s20] =	ssyncadd.s32 $0xFFFFEE00  }
0x5b: {  	[spmem:s15] =	stream.linear.scatter [tilespmem:s22], [sflag:$0x4], $0xE10, $0x38;
	[tilespmem:$0x1B010] =	vst v63  }
0x5c: {  	_ =	swait.ge [sflag:s20], $0xE10  }
0x5d: {  	[sflag:s20] =	ssyncset.done $0x0  }
0x5e: {  	[sflag:s20] =	ssyncadd.s32 $0xFFFFF1F0  }
0x5f: {  	s1 =	simm.s32 $0x9E00;
	s0 =	simm.s32 $0x0;
	[bflag:$0x0] =	sbarrier.arrive $0xFFFF  }
0x60: {  	[tilespmem:s1], [sflag:$0x1] =	stream.indirect.gather [hbm4b:s16+s23], $0x80, s0, s23, $0xb8;
	[tilespmem:$0x1B010] =	vst v63  }
0x61: {  	_ = 	snop  }
0x62: {  	[tilespmem:s25], [sflag:$0x3] =	stream.indirect.gather [hbm4b:s17+s23], $0x40, s21, s23, $0xb8;
	[tilespmem:$0x1B010] =	vst v63  }
.LBB2_4:
0x63: {  	_ =	swait.ge [sflag:s26], $0x2000  }
0x64: {  	[sflag:s26] =	ssyncset.done $0x0  }
0x65: {  	s24 =	simm.s32 $0x3;
	[sflag:s26] =	ssyncadd.s32 $0xFFFFE000  }
0x66: {  	s4 =	sshll.u32 s0, $0x7;
	_ =	swait.ge [sflag:s24], $0x1000  }
0x67: {  	s5 =	simm.s32 $0xEE98;
	s7 =	simm.s32 $0x9F00;
	[sflag:s24] =	ssyncset.done $0x0  }
0x68: {  	s8 =	simm.s32 $0xDE80;
	s1 =	sor.u32 $0x40, s4;
	[sflag:s24] =	ssyncadd.s32 $0xFFFFF000  }
0x69: {  	[tilespmem:s28], [sflag:$0x2] =	stream.indirect.gather [hbm4b:s16+s23], $0x80, s1, s23, $0xb8;
	[tilespmem:$0x1B010] =	vst v63  }
.LBB2_5:
0x6a: {  	v3 =	vld [tilespmem:s7+$0xFFFFFF00]  }
0x6b: {  	v4 =	vld [tilespmem:s8+$0xFFFFFF80]  }
0x6c: {  	v5 =	vld [tilespmem:s7+$0xFFFFFF10]  }
0x6d: {  	v6 =	vld [tilespmem:s8+$0xFFFFFF90]  }
0x6e: {  	v7 =	vld [tilespmem:s7+$0xFFFFFF20]  }
0x6f: {  	v8 =	vld [tilespmem:s8+$0xFFFFFFA0]  }
0x70: {  	v9 =	vld [tilespmem:s7+$0xFFFFFF30]  }
0x71: {  	v10 =	vld [tilespmem:s8+$0xFFFFFFB0];
	_ =	sdelay $0x1  }
0x72: {  	v3 =	vmul.f32 v4, v3  }
0x73: {  	v54 =	vmul.f32 v6, v5  }
0x74: {  	(xrf2) =	vadd.scan.msk.f32 $0xffff, v3;
	v3 =	vmul.f32 v8, v7  }
0x75: {  	v55 =	vmul.f32 v10, v9;
	(xrf2) =	vadd.scan.msk.f32 $0xffff, v54  }
0x76: {  	(xrf2) =	vadd.scan.msk.f32 $0xffff, v3  }
0x77: {  	(xrf2) =	vadd.scan.msk.f32 $0xffff, v55;
	_ =	sdelay $0x6  }
0x78: {  	v3, _, _ =	vpop (xrf2)  }
0x79: {  	v3 =	vmul.f32 $1.442695020e+00, v3;
	v56, _, _ =	vpop (xrf2)  }
0x7a: {  	v4 =	vmul.f32 $1.442695020e+00, v56;
	v57, _, _ =	vpop (xrf2)  }
0x7b: {  	v3 =	vbroadcast v3, $0xF;
	v5 =	vmul.f32 $1.442695020e+00, v57;
	v58, _, _ =	vpop (xrf2)  }
0x7c: {  	v4 =	vbroadcast v4, $0xF;
	v6 =	vmul.f32 $1.442695020e+00, v58  }
0x7d: {  	(erf) = vpow2.f32 v3;
	v3 =	vbroadcast v5, $0xF  }
0x7e: {  	(erf) = vpow2.f32 v4;
	v59 =	vbroadcast v6, $0xF  }
0x7f: {  	(erf) = vpow2.f32 v3  }
0x80: {  	s9 =	sadd.s32 $0xFFFFFFFD, s24;
	(erf) = vpow2.f32 v59  }
0x81: {  	v3 =	vmov s9  }
0x82: {  	v3 =	vmul.u32 $0x48, v3;
	_ =	sdelay $0x1  }
0x83: {  	v3 =	vbroadcast v3, $0x0;
	_ =	sdelay $0x1  }
0x84: {  	v3 =	vor.u32 v0, v3;
	v60 =	vpop (erf)  }
0x85: {  	v61 =	vnsel vm0, $0x0, v60;
	v62 =	vpop (erf)  }
0x86: {  	v5 =	vsel vm1, v61, v62;
	v63 =	vpop (erf)  }
0x87: {  	v5 =	vsel vm2, v5, v63;
	v12 =	vpop (erf)  }
0x88: {  	v5 =	vsel vm3, v5, v12  }
0x89: {  	[tilespmem:v3+s22+$0x0] =	vst.idx.msk $0xff, v5  }
0x8a: {  	v3 =	vld [tilespmem:s7+$0xFFFFFF40];
	_ =	sdelay $0x4  }
0x8b: {  	v3 =	vmul.f32 v3, v60;
	_ =	sdelay $0x1  }
0x8c: {  	[tilespmem:s5+$0xFFFFFF70] =	vst v3  }
0x8d: {  	v3 =	vld [tilespmem:s7+$0xFFFFFF50];
	_ =	sdelay $0x4  }
0x8e: {  	v3 =	vmul.f32 v3, v62;
	_ =	sdelay $0x1  }
0x8f: {  	[tilespmem:s5+$0xFFFFFF80] =	vst v3  }
0x90: {  	v3 =	vld [tilespmem:s7+$0xFFFFFF60];
	_ =	sdelay $0x4  }
0x91: {  	v3 =	vmul.f32 v3, v63;
	_ =	sdelay $0x1  }
0x92: {  	[tilespmem:s5+$0xFFFFFF90] =	vst v3  }
0x93: {  	v3 =	vld [tilespmem:s7+$0xFFFFFF70];
	_ =	sdelay $0x4  }
0x94: {  	v3 =	vmul.f32 v3, v12;
	_ =	sdelay $0x1  }
0x95: {  	[tilespmem:s5+$0xFFFFFFA0] =	vst v3  }
0x96: {  	v3 =	vld [tilespmem:s7+$0xFFFFFF80]  }
0x97: {  	v13 =	vld [tilespmem:s8+$0xFFFFFFC0]  }
0x98: {  	v5 =	vld [tilespmem:s7+$0xFFFFFF90]  }
0x99: {  	v14 =	vld [tilespmem:s8+$0xFFFFFFD0]  }
0x9a: {  	v15 =	vld [tilespmem:s7+$0xFFFFFFA0]  }
0x9b: {  	v16 =	vld [tilespmem:s8+$0xFFFFFFE0]  }
0x9c: {  	v17 =	vld [tilespmem:s7+$0xFFFFFFB0]  }
0x9d: {  	v18 =	vld [tilespmem:s8+$0xFFFFFFF0];
	_ =	sdelay $0x1  }
0x9e: {  	v3 =	vmul.f32 v13, v3  }
0x9f: {  	v19 =	vmul.f32 v14, v5  }
0xa0: {  	(xrf2) =	vadd.scan.msk.f32 $0xffff, v3;
	v3 =	vmul.f32 v16, v15  }
0xa1: {  	v20 =	vmul.f32 v18, v17;
	(xrf2) =	vadd.scan.msk.f32 $0xffff, v19  }
0xa2: {  	(xrf2) =	vadd.scan.msk.f32 $0xffff, v3  }
0xa3: {  	(xrf2) =	vadd.scan.msk.f32 $0xffff, v20;
	_ =	sdelay $0x6  }
0xa4: {  	v3, _, _ =	vpop (xrf2)  }
0xa5: {  	v3 =	vmul.f32 $1.442695020e+00, v3;
	v21, _, _ =	vpop (xrf2)  }
0xa6: {  	v4 =	vmul.f32 $1.442695020e+00, v21;
	v22, _, _ =	vpop (xrf2)  }
0xa7: {  	v3 =	vbroadcast v3, $0xF;
	v5 =	vmul.f32 $1.442695020e+00, v22;
	v23, _, _ =	vpop (xrf2)  }
0xa8: {  	v4 =	vbroadcast v4, $0xF;
	v6 =	vmul.f32 $1.442695020e+00, v23  }
0xa9: {  	(erf) = vpow2.f32 v3;
	v3 =	vbroadcast v5, $0xF  }
0xaa: {  	(erf) = vpow2.f32 v4;
	v24 =	vbroadcast v6, $0xF  }
0xab: {  	(erf) = vpow2.f32 v3  }
0xac: {  	s9 =	sadd.s32 $0xFFFFFFFE, s24;
	(erf) = vpow2.f32 v24  }
0xad: {  	v3 =	vmov s9  }
0xae: {  	v3 =	vmul.u32 $0x48, v3;
	_ =	sdelay $0x1  }
0xaf: {  	v3 =	vbroadcast v3, $0x0;
	_ =	sdelay $0x1  }
0xb0: {  	v3 =	vadd.s32 v0, v3;
	v25 =	vpop (erf)  }
0xb1: {  	v26 =	vnsel vm0, $0x0, v25;
	v27 =	vpop (erf)  }
0xb2: {  	v5 =	vsel vm1, v26, v27;
	v28 =	vpop (erf)  }
0xb3: {  	v5 =	vsel vm2, v5, v28;
	v29 =	vpop (erf)  }
0xb4: {  	v5 =	vsel vm3, v5, v29  }
0xb5: {  	[tilespmem:v3+s22+$0x0] =	vst.idx.msk $0xff, v5  }
0xb6: {  	v3 =	vld [tilespmem:s7+$0xFFFFFFC0];
	_ =	sdelay $0x4  }
0xb7: {  	v3 =	vmul.f32 v3, v25;
	_ =	sdelay $0x1  }
0xb8: {  	[tilespmem:s5+$0xFFFFFFB8] =	vst v3  }
0xb9: {  	v3 =	vld [tilespmem:s7+$0xFFFFFFD0];
	_ =	sdelay $0x4  }
0xba: {  	v3 =	vmul.f32 v3, v27;
	_ =	sdelay $0x1  }
0xbb: {  	[tilespmem:s5+$0xFFFFFFC8] =	vst v3  }
0xbc: {  	v3 =	vld [tilespmem:s7+$0xFFFFFFE0];
	_ =	sdelay $0x4  }
0xbd: {  	v3 =	vmul.f32 v3, v28;
	_ =	sdelay $0x1  }
0xbe: {  	[tilespmem:s5+$0xFFFFFFD8] =	vst v3  }
0xbf: {  	v3 =	vld [tilespmem:s7+$0xFFFFFFF0];
	_ =	sdelay $0x4  }
0xc0: {  	v3 =	vmul.f32 v3, v29;
	_ =	sdelay $0x1  }
0xc1: {  	[tilespmem:s5+$0xFFFFFFE8] =	vst v3  }
0xc2: {  	v3 =	vld [tilespmem:s7+$0x0]  }
0xc3: {  	v30 =	vld [tilespmem:s8+$0x0]  }
0xc4: {  	v5 =	vld [tilespmem:s7+$0x10]  }
0xc5: {  	v31 =	vld [tilespmem:s8+$0x10]  }
0xc6: {  	v32 =	vld [tilespmem:s7+$0x20]  }
0xc7: {  	v33 =	vld [tilespmem:s8+$0x20]  }
0xc8: {  	v34 =	vld [tilespmem:s7+$0x30]  }
0xc9: {  	v35 =	vld [tilespmem:s8+$0x30];
	_ =	sdelay $0x1  }
0xca: {  	v3 =	vmul.f32 v30, v3  }
0xcb: {  	v36 =	vmul.f32 v31, v5  }
0xcc: {  	(xrf2) =	vadd.scan.msk.f32 $0xffff, v3;
	v3 =	vmul.f32 v33, v32  }
0xcd: {  	v37 =	vmul.f32 v35, v34;
	(xrf2) =	vadd.scan.msk.f32 $0xffff, v36  }
0xce: {  	(xrf2) =	vadd.scan.msk.f32 $0xffff, v3  }
0xcf: {  	(xrf2) =	vadd.scan.msk.f32 $0xffff, v37;
	_ =	sdelay $0x6  }
0xd0: {  	v3, _, _ =	vpop (xrf2)  }
0xd1: {  	v3 =	vmul.f32 $1.442695020e+00, v3;
	v38, _, _ =	vpop (xrf2)  }
0xd2: {  	v4 =	vmul.f32 $1.442695020e+00, v38;
	v39, _, _ =	vpop (xrf2)  }
0xd3: {  	v3 =	vbroadcast v3, $0xF;
	v5 =	vmul.f32 $1.442695020e+00, v39;
	v40, _, _ =	vpop (xrf2)  }
0xd4: {  	v4 =	vbroadcast v4, $0xF;
	v6 =	vmul.f32 $1.442695020e+00, v40  }
0xd5: {  	(erf) = vpow2.f32 v3;
	v3 =	vbroadcast v5, $0xF  }
0xd6: {  	(erf) = vpow2.f32 v4;
	v41 =	vbroadcast v6, $0xF  }
0xd7: {  	(erf) = vpow2.f32 v3  }
0xd8: {  	s9 =	sadd.s32 $0xFFFFFFFF, s24;
	(erf) = vpow2.f32 v41  }
0xd9: {  	v3 =	vmov s9  }
0xda: {  	v3 =	vmul.u32 $0x48, v3;
	_ =	sdelay $0x1  }
0xdb: {  	v3 =	vbroadcast v3, $0x0;
	_ =	sdelay $0x1  }
0xdc: {  	v3 =	vor.u32 v0, v3;
	v42 =	vpop (erf)  }
0xdd: {  	v43 =	vnsel vm0, $0x0, v42;
	v44 =	vpop (erf)  }
0xde: {  	v5 =	vsel vm1, v43, v44;
	v45 =	vpop (erf)  }
0xdf: {  	v5 =	vsel vm2, v5, v45;
	v46 =	vpop (erf)  }
0xe0: {  	v5 =	vsel vm3, v5, v46  }
0xe1: {  	[tilespmem:v3+s22+$0x0] =	vst.idx.msk $0xff, v5  }
0xe2: {  	v3 =	vld [tilespmem:s7+$0x40];
	_ =	sdelay $0x4  }
0xe3: {  	v3 =	vmul.f32 v3, v42;
	_ =	sdelay $0x1  }
0xe4: {  	[tilespmem:s5+$0x0] =	vst v3  }
0xe5: {  	v3 =	vld [tilespmem:s7+$0x50];
	_ =	sdelay $0x4  }
0xe6: {  	v3 =	vmul.f32 v3, v44;
	_ =	sdelay $0x1  }
0xe7: {  	[tilespmem:s5+$0x10] =	vst v3  }
0xe8: {  	v3 =	vld [tilespmem:s7+$0x60];
	_ =	sdelay $0x4  }
0xe9: {  	v3 =	vmul.f32 v3, v45;
	_ =	sdelay $0x1  }
0xea: {  	[tilespmem:s5+$0x20] =	vst v3  }
0xeb: {  	v3 =	vld [tilespmem:s7+$0x70];
	_ =	sdelay $0x4  }
0xec: {  	v3 =	vmul.f32 v3, v46;
	_ =	sdelay $0x1  }
0xed: {  	[tilespmem:s5+$0x30] =	vst v3  }
0xee: {  	v3 =	vld [tilespmem:s7+$0x80]  }
0xef: {  	v47 =	vld [tilespmem:s8+$0x40]  }
0xf0: {  	v5 =	vld [tilespmem:s7+$0x90]  }
0xf1: {  	v48 =	vld [tilespmem:s8+$0x50]  }
0xf2: {  	v49 =	vld [tilespmem:s7+$0xA0]  }
0xf3: {  	v50 =	vld [tilespmem:s8+$0x60]  }
0xf4: {  	v51 =	vld [tilespmem:s7+$0xB0]  }
0xf5: {  	v52 =	vld [tilespmem:s8+$0x70];
	_ =	sdelay $0x1  }
0xf6: {  	v3 =	vmul.f32 v47, v3  }
0xf7: {  	v53 =	vmul.f32 v48, v5  }
0xf8: {  	(xrf2) =	vadd.scan.msk.f32 $0xffff, v3;
	v3 =	vmul.f32 v50, v49  }
0xf9: {  	v54 =	vmul.f32 v52, v51;
	(xrf2) =	vadd.scan.msk.f32 $0xffff, v53  }
0xfa: {  	(xrf2) =	vadd.scan.msk.f32 $0xffff, v3  }
0xfb: {  	(xrf2) =	vadd.scan.msk.f32 $0xffff, v54;
	_ =	sdelay $0x6  }
0xfc: {  	v3, _, _ =	vpop (xrf2)  }
0xfd: {  	v55, _, _ =	vpop (xrf2);
	v3 =	vmul.f32 $1.442695020e+00, v3  }
0xfe: {  	v56, _, _ =	vpop (xrf2);
	v4 =	vmul.f32 $1.442695020e+00, v55  }
0xff: {  	v3 =	vbroadcast v3, $0xF;
	v5 =	vmul.f32 $1.442695020e+00, v56;
	v57, _, _ =	vpop (xrf2)  }
0x100: {  	v4 =	vbroadcast v4, $0xF;
	v6 =	vmul.f32 $1.442695020e+00, v57  }
0x101: {  	(erf) = vpow2.f32 v3;
	v3 =	vbroadcast v5, $0xF  }
0x102: {  	(erf) = vpow2.f32 v4;
	v58 =	vbroadcast v6, $0xF  }
0x103: {  	(erf) = vpow2.f32 v3  }
0x104: {  	(erf) = vpow2.f32 v58  }
0x105: {  	v3 =	vmov s24  }
0x106: {  	v3 =	vmul.u32 $0x48, v3;
	_ =	sdelay $0x1  }
0x107: {  	v3 =	vbroadcast v3, $0x0;
	_ =	sdelay $0x1  }
0x108: {  	v3 =	vadd.s32 v0, v3;
	v59 =	vpop (erf)  }
0x109: {  	v60 =	vpop (erf);
	v61 =	vnsel vm0, $0x0, v59  }
0x10a: {  	v62 =	vpop (erf);
	v6 =	vsel vm1, v61, v60  }
0x10b: {  	v6 =	vsel vm2, v6, v62;
	v63 =	vpop (erf)  }
0x10c: {  	v6 =	vsel vm3, v6, v63  }
0x10d: {  	[tilespmem:v3+s22+$0x0] =	vst.idx.msk $0xff, v6  }
0x10e: {  	v3 =	vld [tilespmem:s7+$0xC0];
	_ =	sdelay $0x4  }
0x10f: {  	v3 =	vmul.f32 v3, v59;
	_ =	sdelay $0x1  }
0x110: {  	[tilespmem:s5+$0x48] =	vst v3  }
0x111: {  	v3 =	vld [tilespmem:s7+$0xD0];
	_ =	sdelay $0x4  }
0x112: {  	v3 =	vmul.f32 v3, v60;
	_ =	sdelay $0x1  }
0x113: {  	[tilespmem:s5+$0x58] =	vst v3  }
0x114: {  	v3 =	vld [tilespmem:s7+$0xE0];
	_ =	sdelay $0x4  }
0x115: {  	v3 =	vmul.f32 v3, v62;
	_ =	sdelay $0x1  }
0x116: {  	[tilespmem:s5+$0x68] =	vst v3  }
0x117: {  	v3 =	vld [tilespmem:s7+$0xF0];
	_ =	sdelay $0x1  }
0x118: {  	p0 =	sne.s32 s24, $0x3F  }
.Ltmp3:
0x119: {  	_ = 	snop;
	(pc) =	sbr.rel @p0 .LBB2_5-.Ltmp3, $4  }
0x11a: {  	_ = 	snop  }
0x11b: {  	v3 =	vmul.f32 v3, v63  }
0x11c: {  	s8 =	sadd.s32 $0x100, s8  }
0x11d: {  	s24 =	sadd.s32 $0x4, s24;
	s7 =	sadd.s32 $0x200, s7;
	[tilespmem:s5+$0x78] =	vst v3;
	s5 =	sadd.s32 $0x120, s5  }
0x11e: {  	s4 =	sand.u32 $0x3FFFFF80, s4  }
0x11f: {  	s4 =	sadd.s32 $0x4F00, s4  }
0x120: {  	[spmem:s2] =	stream.indirect.scatter.add.f32 [tilespmem:s22], [sflag:$0x4], $0x48, s4, s23, $0xb8;
	[tilespmem:$0x1B010] =	vst v63  }
0x121: {  	_ =	swait.ge [sflag:s20], $0x1200  }
0x122: {  	[sflag:s20] =	ssyncset.done $0x0  }
0x123: {  	s24 =	sadd.s32 $0x4F00, s1;
	[sflag:s20] =	ssyncadd.s32 $0xFFFFEE00  }
0x124: {  	[tilespmem:s25], [sflag:$0x3] =	stream.indirect.gather [hbm4b:s17+s23], $0x40, s24, s23, $0xb8;
	[tilespmem:$0x1B010] =	vst v63  }
0x125: {  	_ =	swait.ge [sflag:s29], $0x2000  }
0x126: {  	[sflag:s29] =	ssyncset.done $0x0  }
0x127: {  	s9 =	sshll.u32 s0, $0x1;
	p0 =	seq.s32 s0, $0x9D;
	[sflag:s29] =	ssyncadd.s32 $0xFFFFE000  }
0x128: {  	s8 =	simm.s32 $0xDE80;
	s1 =	sadd.s32 $0x2, s9;
	_ =	swait.ge [sflag:s30], $0x1000  }
0x129: {  	s5 =	simm.s32 @!p0 $0x40;
	s4 =	sshll.u32 @!p0 s1, $0x6;
	[sflag:s30] =	ssyncset.done $0x0  }
0x12a: {  	s7 =	simm.s32 @!p0 $0x9E00;
	s4 =	sand.u32 @!p0 $0x3FFFFFC0, s4;
	[sflag:s30] =	ssyncadd.s32 $0xFFFFF000  }
0x12b: {  	[tilespmem:s7], [sflag:$0x1] =	stream.indirect.gather @!p0 [hbm4b:s16+s5], $0x80, s4, s5, $0xb8;
	[tilespmem:$0x1B010] =	vst v63  }
0x12c: {  	s4 =	simm.s32 $0x3;
	s5 =	simm.s32 $0xEE98;
	s7 =	simm.s32 $0xBF00  }
.LBB2_7:
0x12d: {  	v3 =	vld [tilespmem:s7+$0xFFFFFF00]  }
0x12e: {  	v4 =	vld [tilespmem:s8+$0xFFFFFF80]  }
0x12f: {  	v5 =	vld [tilespmem:s7+$0xFFFFFF10]  }
0x130: {  	v6 =	vld [tilespmem:s8+$0xFFFFFF90]  }
0x131: {  	v7 =	vld [tilespmem:s7+$0xFFFFFF20]  }
0x132: {  	v8 =	vld [tilespmem:s8+$0xFFFFFFA0]  }
0x133: {  	v9 =	vld [tilespmem:s7+$0xFFFFFF30]  }
0x134: {  	v10 =	vld [tilespmem:s8+$0xFFFFFFB0];
	_ =	sdelay $0x1  }
0x135: {  	v3 =	vmul.f32 v4, v3  }
0x136: {  	v54 =	vmul.f32 v6, v5  }
0x137: {  	(xrf2) =	vadd.scan.msk.f32 $0xffff, v3;
	v3 =	vmul.f32 v8, v7  }
0x138: {  	v55 =	vmul.f32 v10, v9;
	(xrf2) =	vadd.scan.msk.f32 $0xffff, v54  }
0x139: {  	(xrf2) =	vadd.scan.msk.f32 $0xffff, v3  }
0x13a: {  	(xrf2) =	vadd.scan.msk.f32 $0xffff, v55;
	_ =	sdelay $0x6  }
0x13b: {  	v3, _, _ =	vpop (xrf2)  }
0x13c: {  	v3 =	vmul.f32 $1.442695020e+00, v3;
	v56, _, _ =	vpop (xrf2)  }
0x13d: {  	v4 =	vmul.f32 $1.442695020e+00, v56;
	v57, _, _ =	vpop (xrf2)  }
0x13e: {  	v3 =	vbroadcast v3, $0xF;
	v5 =	vmul.f32 $1.442695020e+00, v57;
	v58, _, _ =	vpop (xrf2)  }
0x13f: {  	v4 =	vbroadcast v4, $0xF;
	v6 =	vmul.f32 $1.442695020e+00, v58  }
0x140: {  	(erf) = vpow2.f32 v3;
	v3 =	vbroadcast v5, $0xF  }
0x141: {  	(erf) = vpow2.f32 v4;
	v59 =	vbroadcast v6, $0xF  }
0x142: {  	(erf) = vpow2.f32 v3  }
0x143: {  	s9 =	sadd.s32 $0xFFFFFFFD, s4;
	(erf) = vpow2.f32 v59  }
0x144: {  	v3 =	vmov s9  }
0x145: {  	v3 =	vmul.u32 $0x48, v3;
	_ =	sdelay $0x1  }
0x146: {  	v3 =	vbroadcast v3, $0x0;
	_ =	sdelay $0x1  }
0x147: {  	v3 =	vor.u32 v0, v3;
	v60 =	vpop (erf)  }
0x148: {  	v61 =	vnsel vm0, $0x0, v60;
	v62 =	vpop (erf)  }
0x149: {  	v5 =	vsel vm1, v61, v62;
	v63 =	vpop (erf)  }
0x14a: {  	v5 =	vsel vm2, v5, v63;
	v12 =	vpop (erf)  }
0x14b: {  	v5 =	vsel vm3, v5, v12  }
0x14c: {  	[tilespmem:v3+s22+$0x0] =	vst.idx.msk $0xff, v5  }
0x14d: {  	v3 =	vld [tilespmem:s7+$0xFFFFFF40];
	_ =	sdelay $0x4  }
0x14e: {  	v3 =	vmul.f32 v3, v60;
	_ =	sdelay $0x1  }
0x14f: {  	[tilespmem:s5+$0xFFFFFF70] =	vst v3  }
0x150: {  	v3 =	vld [tilespmem:s7+$0xFFFFFF50];
	_ =	sdelay $0x4  }
0x151: {  	v3 =	vmul.f32 v3, v62;
	_ =	sdelay $0x1  }
0x152: {  	[tilespmem:s5+$0xFFFFFF80] =	vst v3  }
0x153: {  	v3 =	vld [tilespmem:s7+$0xFFFFFF60];
	_ =	sdelay $0x4  }
0x154: {  	v3 =	vmul.f32 v3, v63;
	_ =	sdelay $0x1  }
0x155: {  	[tilespmem:s5+$0xFFFFFF90] =	vst v3  }
0x156: {  	v3 =	vld [tilespmem:s7+$0xFFFFFF70];
	_ =	sdelay $0x4  }
0x157: {  	v3 =	vmul.f32 v3, v12;
	_ =	sdelay $0x1  }
0x158: {  	[tilespmem:s5+$0xFFFFFFA0] =	vst v3  }
0x159: {  	v3 =	vld [tilespmem:s7+$0xFFFFFF80]  }
0x15a: {  	v13 =	vld [tilespmem:s8+$0xFFFFFFC0]  }
0x15b: {  	v5 =	vld [tilespmem:s7+$0xFFFFFF90]  }
0x15c: {  	v14 =	vld [tilespmem:s8+$0xFFFFFFD0]  }
0x15d: {  	v15 =	vld [tilespmem:s7+$0xFFFFFFA0]  }
0x15e: {  	v16 =	vld [tilespmem:s8+$0xFFFFFFE0]  }
0x15f: {  	v17 =	vld [tilespmem:s7+$0xFFFFFFB0]  }
0x160: {  	v18 =	vld [tilespmem:s8+$0xFFFFFFF0];
	_ =	sdelay $0x1  }
0x161: {  	v3 =	vmul.f32 v13, v3  }
0x162: {  	v19 =	vmul.f32 v14, v5  }
0x163: {  	(xrf2) =	vadd.scan.msk.f32 $0xffff, v3;
	v3 =	vmul.f32 v16, v15  }
0x164: {  	v20 =	vmul.f32 v18, v17;
	(xrf2) =	vadd.scan.msk.f32 $0xffff, v19  }
0x165: {  	(xrf2) =	vadd.scan.msk.f32 $0xffff, v3  }
0x166: {  	(xrf2) =	vadd.scan.msk.f32 $0xffff, v20;
	_ =	sdelay $0x6  }
0x167: {  	v3, _, _ =	vpop (xrf2)  }
0x168: {  	v3 =	vmul.f32 $1.442695020e+00, v3;
	v21, _, _ =	vpop (xrf2)  }
0x169: {  	v4 =	vmul.f32 $1.442695020e+00, v21;
	v22, _, _ =	vpop (xrf2)  }
0x16a: {  	v3 =	vbroadcast v3, $0xF;
	v5 =	vmul.f32 $1.442695020e+00, v22;
	v23, _, _ =	vpop (xrf2)  }
0x16b: {  	v4 =	vbroadcast v4, $0xF;
	v6 =	vmul.f32 $1.442695020e+00, v23  }
0x16c: {  	(erf) = vpow2.f32 v3;
	v3 =	vbroadcast v5, $0xF  }
0x16d: {  	(erf) = vpow2.f32 v4;
	v24 =	vbroadcast v6, $0xF  }
0x16e: {  	(erf) = vpow2.f32 v3  }
0x16f: {  	s9 =	sadd.s32 $0xFFFFFFFE, s4;
	(erf) = vpow2.f32 v24  }
0x170: {  	v3 =	vmov s9  }
0x171: {  	v3 =	vmul.u32 $0x48, v3;
	_ =	sdelay $0x1  }
0x172: {  	v3 =	vbroadcast v3, $0x0;
	_ =	sdelay $0x1  }
0x173: {  	v3 =	vadd.s32 v0, v3;
	v25 =	vpop (erf)  }
0x174: {  	v26 =	vnsel vm0, $0x0, v25;
	v27 =	vpop (erf)  }
0x175: {  	v5 =	vsel vm1, v26, v27;
	v28 =	vpop (erf)  }
0x176: {  	v5 =	vsel vm2, v5, v28;
	v29 =	vpop (erf)  }
0x177: {  	v5 =	vsel vm3, v5, v29  }
0x178: {  	[tilespmem:v3+s22+$0x0] =	vst.idx.msk $0xff, v5  }
0x179: {  	v3 =	vld [tilespmem:s7+$0xFFFFFFC0];
	_ =	sdelay $0x4  }
0x17a: {  	v3 =	vmul.f32 v3, v25;
	_ =	sdelay $0x1  }
0x17b: {  	[tilespmem:s5+$0xFFFFFFB8] =	vst v3  }
0x17c: {  	v3 =	vld [tilespmem:s7+$0xFFFFFFD0];
	_ =	sdelay $0x4  }
0x17d: {  	v3 =	vmul.f32 v3, v27;
	_ =	sdelay $0x1  }
0x17e: {  	[tilespmem:s5+$0xFFFFFFC8] =	vst v3  }
0x17f: {  	v3 =	vld [tilespmem:s7+$0xFFFFFFE0];
	_ =	sdelay $0x4  }
0x180: {  	v3 =	vmul.f32 v3, v28;
	_ =	sdelay $0x1  }
0x181: {  	[tilespmem:s5+$0xFFFFFFD8] =	vst v3  }
0x182: {  	v3 =	vld [tilespmem:s7+$0xFFFFFFF0];
	_ =	sdelay $0x4  }
0x183: {  	v3 =	vmul.f32 v3, v29;
	_ =	sdelay $0x1  }
0x184: {  	[tilespmem:s5+$0xFFFFFFE8] =	vst v3  }
0x185: {  	v3 =	vld [tilespmem:s7+$0x0]  }
0x186: {  	v30 =	vld [tilespmem:s8+$0x0]  }
0x187: {  	v5 =	vld [tilespmem:s7+$0x10]  }
0x188: {  	v31 =	vld [tilespmem:s8+$0x10]  }
0x189: {  	v32 =	vld [tilespmem:s7+$0x20]  }
0x18a: {  	v33 =	vld [tilespmem:s8+$0x20]  }
0x18b: {  	v34 =	vld [tilespmem:s7+$0x30]  }
0x18c: {  	v35 =	vld [tilespmem:s8+$0x30];
	_ =	sdelay $0x1  }
0x18d: {  	v3 =	vmul.f32 v30, v3  }
0x18e: {  	v36 =	vmul.f32 v31, v5  }
0x18f: {  	(xrf2) =	vadd.scan.msk.f32 $0xffff, v3;
	v3 =	vmul.f32 v33, v32  }
0x190: {  	v37 =	vmul.f32 v35, v34;
	(xrf2) =	vadd.scan.msk.f32 $0xffff, v36  }
0x191: {  	(xrf2) =	vadd.scan.msk.f32 $0xffff, v3  }
0x192: {  	(xrf2) =	vadd.scan.msk.f32 $0xffff, v37;
	_ =	sdelay $0x6  }
0x193: {  	v3, _, _ =	vpop (xrf2)  }
0x194: {  	v3 =	vmul.f32 $1.442695020e+00, v3;
	v38, _, _ =	vpop (xrf2)  }
0x195: {  	v4 =	vmul.f32 $1.442695020e+00, v38;
	v39, _, _ =	vpop (xrf2)  }
0x196: {  	v3 =	vbroadcast v3, $0xF;
	v5 =	vmul.f32 $1.442695020e+00, v39;
	v40, _, _ =	vpop (xrf2)  }
0x197: {  	v4 =	vbroadcast v4, $0xF;
	v6 =	vmul.f32 $1.442695020e+00, v40  }
0x198: {  	(erf) = vpow2.f32 v3;
	v3 =	vbroadcast v5, $0xF  }
0x199: {  	(erf) = vpow2.f32 v4;
	v41 =	vbroadcast v6, $0xF  }
0x19a: {  	(erf) = vpow2.f32 v3  }
0x19b: {  	s9 =	sadd.s32 $0xFFFFFFFF, s4;
	(erf) = vpow2.f32 v41  }
0x19c: {  	v3 =	vmov s9  }
0x19d: {  	v3 =	vmul.u32 $0x48, v3;
	_ =	sdelay $0x1  }
0x19e: {  	v3 =	vbroadcast v3, $0x0;
	_ =	sdelay $0x1  }
0x19f: {  	v3 =	vor.u32 v0, v3;
	v42 =	vpop (erf)  }
0x1a0: {  	v43 =	vnsel vm0, $0x0, v42;
	v44 =	vpop (erf)  }
0x1a1: {  	v5 =	vsel vm1, v43, v44;
	v45 =	vpop (erf)  }
0x1a2: {  	v5 =	vsel vm2, v5, v45;
	v46 =	vpop (erf)  }
0x1a3: {  	v5 =	vsel vm3, v5, v46  }
0x1a4: {  	[tilespmem:v3+s22+$0x0] =	vst.idx.msk $0xff, v5  }
0x1a5: {  	v3 =	vld [tilespmem:s7+$0x40];
	_ =	sdelay $0x4  }
0x1a6: {  	v3 =	vmul.f32 v3, v42;
	_ =	sdelay $0x1  }
0x1a7: {  	[tilespmem:s5+$0x0] =	vst v3  }
0x1a8: {  	v3 =	vld [tilespmem:s7+$0x50];
	_ =	sdelay $0x4  }
0x1a9: {  	v3 =	vmul.f32 v3, v44;
	_ =	sdelay $0x1  }
0x1aa: {  	[tilespmem:s5+$0x10] =	vst v3  }
0x1ab: {  	v3 =	vld [tilespmem:s7+$0x60];
	_ =	sdelay $0x4  }
0x1ac: {  	v3 =	vmul.f32 v3, v45;
	_ =	sdelay $0x1  }
0x1ad: {  	[tilespmem:s5+$0x20] =	vst v3  }
0x1ae: {  	v3 =	vld [tilespmem:s7+$0x70];
	_ =	sdelay $0x4  }
0x1af: {  	v3 =	vmul.f32 v3, v46;
	_ =	sdelay $0x1  }
0x1b0: {  	[tilespmem:s5+$0x30] =	vst v3  }
0x1b1: {  	v3 =	vld [tilespmem:s7+$0x80]  }
0x1b2: {  	v47 =	vld [tilespmem:s8+$0x40]  }
0x1b3: {  	v5 =	vld [tilespmem:s7+$0x90]  }
0x1b4: {  	v48 =	vld [tilespmem:s8+$0x50]  }
0x1b5: {  	v49 =	vld [tilespmem:s7+$0xA0]  }
0x1b6: {  	v50 =	vld [tilespmem:s8+$0x60]  }
0x1b7: {  	v51 =	vld [tilespmem:s7+$0xB0]  }
0x1b8: {  	v52 =	vld [tilespmem:s8+$0x70];
	_ =	sdelay $0x1  }
0x1b9: {  	v3 =	vmul.f32 v47, v3  }
0x1ba: {  	v53 =	vmul.f32 v48, v5  }
0x1bb: {  	(xrf2) =	vadd.scan.msk.f32 $0xffff, v3;
	v3 =	vmul.f32 v50, v49  }
0x1bc: {  	v54 =	vmul.f32 v52, v51;
	(xrf2) =	vadd.scan.msk.f32 $0xffff, v53  }
0x1bd: {  	(xrf2) =	vadd.scan.msk.f32 $0xffff, v3  }
0x1be: {  	(xrf2) =	vadd.scan.msk.f32 $0xffff, v54;
	_ =	sdelay $0x6  }
0x1bf: {  	v3, _, _ =	vpop (xrf2)  }
0x1c0: {  	v55, _, _ =	vpop (xrf2);
	v3 =	vmul.f32 $1.442695020e+00, v3  }
0x1c1: {  	v56, _, _ =	vpop (xrf2);
	v4 =	vmul.f32 $1.442695020e+00, v55  }
0x1c2: {  	v3 =	vbroadcast v3, $0xF;
	v5 =	vmul.f32 $1.442695020e+00, v56;
	v57, _, _ =	vpop (xrf2)  }
0x1c3: {  	v4 =	vbroadcast v4, $0xF;
	v6 =	vmul.f32 $1.442695020e+00, v57  }
0x1c4: {  	(erf) = vpow2.f32 v3;
	v3 =	vbroadcast v5, $0xF  }
0x1c5: {  	(erf) = vpow2.f32 v4;
	v58 =	vbroadcast v6, $0xF  }
0x1c6: {  	(erf) = vpow2.f32 v3  }
0x1c7: {  	(erf) = vpow2.f32 v58  }
0x1c8: {  	v3 =	vmov s4  }
0x1c9: {  	v3 =	vmul.u32 $0x48, v3;
	_ =	sdelay $0x1  }
0x1ca: {  	v3 =	vbroadcast v3, $0x0;
	_ =	sdelay $0x1  }
0x1cb: {  	v3 =	vadd.s32 v0, v3;
	v59 =	vpop (erf)  }
0x1cc: {  	v60 =	vpop (erf);
	v61 =	vnsel vm0, $0x0, v59  }
0x1cd: {  	v62 =	vpop (erf);
	v6 =	vsel vm1, v61, v60  }
0x1ce: {  	v6 =	vsel vm2, v6, v62;
	v63 =	vpop (erf)  }
0x1cf: {  	v6 =	vsel vm3, v6, v63  }
0x1d0: {  	[tilespmem:v3+s22+$0x0] =	vst.idx.msk $0xff, v6  }
0x1d1: {  	v3 =	vld [tilespmem:s7+$0xC0];
	_ =	sdelay $0x4  }
0x1d2: {  	v3 =	vmul.f32 v3, v59;
	_ =	sdelay $0x1  }
0x1d3: {  	[tilespmem:s5+$0x48] =	vst v3  }
0x1d4: {  	v3 =	vld [tilespmem:s7+$0xD0];
	_ =	sdelay $0x4  }
0x1d5: {  	v3 =	vmul.f32 v3, v60;
	_ =	sdelay $0x1  }
0x1d6: {  	[tilespmem:s5+$0x58] =	vst v3  }
0x1d7: {  	v3 =	vld [tilespmem:s7+$0xE0];
	_ =	sdelay $0x4  }
0x1d8: {  	v3 =	vmul.f32 v3, v62;
	_ =	sdelay $0x1  }
0x1d9: {  	[tilespmem:s5+$0x68] =	vst v3  }
0x1da: {  	v3 =	vld [tilespmem:s7+$0xF0];
	_ =	sdelay $0x1  }
0x1db: {  	p1 =	sne.s32 s4, $0x3F  }
.Ltmp4:
0x1dc: {  	_ = 	snop;
	(pc) =	sbr.rel @p1 .LBB2_7-.Ltmp4, $4  }
0x1dd: {  	_ = 	snop  }
0x1de: {  	v3 =	vmul.f32 v3, v63  }
0x1df: {  	s8 =	sadd.s32 $0x100, s8  }
0x1e0: {  	s4 =	sadd.s32 $0x4, s4;
	s7 =	sadd.s32 $0x200, s7;
	[tilespmem:s5+$0x78] =	vst v3;
	s5 =	sadd.s32 $0x120, s5  }
.Ltmp5:
0x1e1: {  	(pc) =	sbr.rel @p0 .LBB2_10-.Ltmp5, $4  }
0x1e2: {  	[spmem:s2] =	stream.indirect.scatter.add.f32 [tilespmem:s22], [sflag:$0x4], $0x48, s24, s23, $0xb8;
	[tilespmem:$0x1B010] =	vst v63  }
0x1e3: {  	_ =	swait.ge [sflag:s20], $0x1200  }
0x1e4: {  	[sflag:s20] =	ssyncset.done $0x0  }
0x1e5: {  	[sflag:s20] =	ssyncadd.s32 $0xFFFFEE00  }
.Ltmp6:
0x1e6: {  	(pc) =	sbr.rel .LBB2_4-.Ltmp6, $4  }
0x1e7: {  	s1 =	sshll.u32 s1, $0x6  }
0x1e8: {  	s1 =	sand.u32 $0x3FFFFFC0, s1  }
0x1e9: {  	s0 =	sadd.s32 $0x1, s0;
	s1 =	sadd.s32 $0x4F00, s1  }
0x1ea: {  	[tilespmem:s25], [sflag:$0x3] =	stream.indirect.gather [hbm4b:s17+s23], $0x40, s1, s23, $0xb8;
	[tilespmem:$0x1B010] =	vst v63  }
.LBB2_11:
0x1eb: {  	_ =	sfence.sel $0x180000  }
0x1ec: {  	[bflag:$0x0] =	sbarrier.arrive $0xFFFF  }
0x1ed: {  	_ =	strace $0x90000047  }
0x1ee: {  	s0 =	stileid.u32;
	[bflag:$0x2] =	sbarrier.arrive $0xFFFF  }
0x1ef: {  	p0 =	sne.s32 s0, $0x0;
	s0 =	rddreg [dreg:$0x3]  }
0x1f0: {  	s0 =	sadd.s32 @!p0 $0x100000, s0  }
0x1f1: {  	[sflag:s0] =	ssyncadd.tile.s32 @!p0 $0x1;
	_ =	shalt  }
.Lfunc_end2:
_tile_overlayer_lowered:
.L_overlay_start_2:
0x1f2: {  	(tag) =	ssettag $0x2  }
0x1f3: {  	s0 =	rddreg [dreg:$0x0];
	s2 =	stileid.u32  }
0x1f4: {  	s1 =	rddreg [dreg:$0x1];
	p0 =	sne.s32 s2, $0x0  }
0x1f5: {  	s3 =	rddreg [dreg:$0x2];
	[bflag:$0x3] =	sbarrier.arrive $0xFFFF;
	s2 =	simm.s32 @!p0 $0x1C04  }
0x1f6: {  	[timem:s3], [sflag:s2] =	dma.local @!p0 [hbm:s0], s1  }
0x1f7: {  	s0 =	simm.s32 @!p0 $0x4  }
0x1f8: {  	_ =	swait.ge @!p0 [sflag:s0], s1  }
0x1f9: {  	s1 =	ssub.s32 @!p0 $0x0, s1;
	[sflag:s0] =	ssyncset.done @!p0 $0x0  }
0x1fa: {  	[sflag:s0] =	ssyncadd.s32 @!p0 s1  }
0x1fb: {  	[bflag:$0x3] =	sbarrier.arrive $0xFFFF  }
0x1fc: {  	_ =	shalt  }

</sc_bundles>
